<compile_context>
chip_gen: v7x
topology: tpu7x:2x2x1
jax: 0.10.2.dev20260603
libtpu: 0.0.44.dev20260713+nightly
codegen_flags: <defaults>
</compile_context>

<pallas_src>
import functools

import jax
import jax.numpy as jnp
from jax import lax
from jax.experimental import pallas as pl
from jax.experimental.pallas import tpu as pltpu
from jax.experimental.pallas import tpu_sc as plsc

NC = 2
NS = 16
NW = NC * NS
L = 16
CH = 128

_MESH = dict(core_axis_name="c", subcore_axis_name="s", num_cores=NC,
             num_subcores=NS)
_SC_PARAMS = pltpu.CompilerParams(needs_layout_passes=False,
                                  use_tc_tiling_on_sc=False)


def _worker_id():
    return lax.axis_index("c") * NS + lax.axis_index("s")


def _make_deg_kernel(N, nch):
    @functools.partial(
        pl.kernel,
        out_type=jax.ShapeDtypeStruct((NW, N), jnp.float32),
        mesh=plsc.VectorSubcoreMesh(**_MESH),
        compiler_params=_SC_PARAMS,
        scratch_types=[
            pltpu.VMEM((CH,), jnp.int32),
            pltpu.VMEM((CH,), jnp.float32),
            pltpu.VMEM((N,), jnp.float32),
        ],
    )
    def deg_kernel(col_hbm, ew_hbm, out_hbm, col_v, ew_v, deg_v):
        w = _worker_id()
        zero = jnp.zeros((L,), jnp.float32)

        def zbody(i, _):
            deg_v[pl.ds(i * L, L)] = zero
            return 0

        lax.fori_loop(0, N // L, zbody, 0)

        def chunk(i, _):
            pltpu.sync_copy(col_hbm.at[w, i], col_v)
            pltpu.sync_copy(ew_hbm.at[w, i], ew_v)

            def group(g, _):
                cvec = col_v[pl.ds(g * L, L)]
                evec = ew_v[pl.ds(g * L, L)]
                plsc.addupdate_scatter(deg_v, [cvec], evec)
                return 0

            lax.fori_loop(0, CH // L, group, 0)
            return 0

        lax.fori_loop(0, nch, chunk, 0)
        pltpu.sync_copy(deg_v, out_hbm.at[w])

    return deg_kernel


def _make_spmm_kernel(N, D, nch):
    npt = N // NS

    @functools.partial(
        pl.kernel,
        out_type=jax.ShapeDtypeStruct((NC, N, D), jnp.float32),
        mesh=plsc.VectorSubcoreMesh(**_MESH),
        compiler_params=_SC_PARAMS,
        scratch_types=[
            pltpu.VMEM((CH,), jnp.int32),
            pltpu.VMEM((CH,), jnp.int32),
            pltpu.VMEM((CH,), jnp.float32),
            pltpu.VMEM((CH, D), jnp.float32),
            pltpu.VMEM_SHARED((N, D), jnp.float32),
            pltpu.SemaphoreType.DMA,
        ],
    )
    def spmm_kernel(row_hbm, col_hbm, ew_hbm, hp_hbm, out_hbm,
                    row_v, col_v, ew_v, rows_v, acc_sh, sem):
        c = lax.axis_index("c")
        s = lax.axis_index("s")
        w = c * NS + s
        zero = jnp.zeros((L,), jnp.float32)
        k_full = npt // CH
        rem = npt - k_full * CH

        def zbody(i, _):
            for j in range(D // L):
                rows_v[i, pl.ds(j * L, L)] = zero
            return 0

        lax.fori_loop(0, CH, zbody, 0)
        for k in range(k_full):
            pltpu.sync_copy(rows_v, acc_sh.at[pl.ds(s * npt + k * CH, CH)])
        if rem:
            pltpu.sync_copy(rows_v.at[pl.ds(0, rem)],
                            acc_sh.at[pl.ds(s * npt + k_full * CH, rem)])
        plsc.subcore_barrier()

        def chunk(i, _):
            pltpu.sync_copy(row_hbm.at[w, i], row_v)
            pltpu.sync_copy(col_hbm.at[w, i], col_v)
            pltpu.sync_copy(ew_hbm.at[w, i], ew_v)
            pltpu.async_copy(hp_hbm.at[row_v], rows_v, sem).wait()

            def group(g, _):
                evec = ew_v[pl.ds(g * L, L)]
                for i16 in range(L):
                    e = g * L + i16
                    scale = evec[i16]
                    for j in range(D // L):
                        sl = pl.ds(j * L, L)
                        rows_v[e, sl] = rows_v[e, sl] * scale
                return 0

            lax.fori_loop(0, CH // L, group, 0)
            pltpu.sync_copy(rows_v, acc_sh.at[col_v], add=True)
            return 0

        lax.fori_loop(0, nch, chunk, 0)
        plsc.subcore_barrier()
        pltpu.sync_copy(acc_sh.at[pl.ds(s * npt, npt)],
                        out_hbm.at[c, pl.ds(s * npt, npt)])

    return spmm_kernel


def _tc_prep(x_ref, w_ref, degp_ref, hp_ref, hself_ref, dis_ref):
    h = jnp.dot(x_ref[...], w_ref[...], preferred_element_type=jnp.float32)
    deg = 1.0 + jnp.sum(degp_ref[...], axis=0)
    dis = lax.rsqrt(deg)
    hp_ref[...] = h * dis[:, None]
    hself_ref[...] = h * (dis * dis)[:, None]
    dis_ref[...] = dis


def _tc_finish(p_ref, hself_ref, dis_ref, b_ref, alpha_ref, out_ref):
    acc = p_ref[0] + p_ref[1]
    t = acc * dis_ref[...][:, None] + hself_ref[...] + b_ref[...][None, :]
    out_ref[...] = jnp.where(t >= 0, t, alpha_ref[...][None, :] * t)


def kernel(x, edge_index, edge_weight, W, b, alpha):
    N, D = x.shape
    E = edge_weight.shape[0]

    row = edge_index[0].astype(jnp.int32)
    col = edge_index[1].astype(jnp.int32)
    ew = edge_weight.astype(jnp.float32)

    per_w = -(-E // (NW * CH)) * CH
    ep = per_w * NW
    pad = ep - E
    if pad:
        row = jnp.concatenate([row, jnp.zeros((pad,), jnp.int32)])
        col = jnp.concatenate([col, jnp.zeros((pad,), jnp.int32)])
        ew = jnp.concatenate([ew, jnp.zeros((pad,), jnp.float32)])
    nch = per_w // CH
    row3 = row.reshape(NW, nch, CH)
    col3 = col.reshape(NW, nch, CH)
    ew3 = ew.reshape(NW, nch, CH)

    degp = _make_deg_kernel(N, nch)(col3, ew3)

    hp, hself, dis = pl.pallas_call(
        _tc_prep,
        out_shape=(
            jax.ShapeDtypeStruct((N, D), jnp.float32),
            jax.ShapeDtypeStruct((N, D), jnp.float32),
            jax.ShapeDtypeStruct((N,), jnp.float32),
        ),
    )(x, W, degp)

    acc = _make_spmm_kernel(N, D, nch)(row3, col3, ew3, hp)

    out = pl.pallas_call(
        _tc_finish,
        out_shape=jax.ShapeDtypeStruct((N, D), jnp.float32),
    )(acc, hself, dis, b, alpha)
    return out

# --- scband reference (transcript-rebuilt; emitter-appended) ---
"""Pipeline reference for scband-poiencoder-66133906424032 (READ-ONLY COPY).

The authoritative reference and input builder live on the scoring server;
editing this copy changes nothing except your own understanding.
"""

import jax, jax.numpy as jnp
import numpy as np

N_NODES = 10000
N_EDGES = 320000
D_IN = 128
D_HID = 128


def setup_inputs(seed: int = 0) -> dict:
    key = jax.random.key(seed)
    k1, k2, k3, k4, k5, k6 = jax.random.split(key, 6)
    x = jax.random.normal(k1, (N_NODES, D_IN), dtype=jnp.float32)
    edge_index = jax.random.randint(k2, (2, N_EDGES), 0, N_NODES, dtype=jnp.int64)
    edge_weight = jax.random.uniform(k3, (N_EDGES,), dtype=jnp.float32)
    # GCNConv linear weight (glorot-like) and bias
    W = jax.random.normal(k4, (D_IN, D_HID), dtype=jnp.float32) * (1.0 / np.sqrt(D_IN))
    b = jnp.zeros((D_HID,), dtype=jnp.float32)
    # PReLU per-channel alpha, init 0.25 (torch default)
    alpha = jnp.full((D_HID,), 0.25, dtype=jnp.float32)
    return {"x": x, "edge_index": edge_index, "edge_weight": edge_weight, "W": W, "b": b, "alpha": alpha}


def reference(x, edge_index, edge_weight, W, b, alpha):
    N = x.shape[0]
    # ---- GCNConv with symmetric normalization + self-loops (PyG semantics) ----
    loop = jnp.arange(N, dtype=edge_index.dtype)
    row = jnp.concatenate([edge_index[0], loop])  # source nodes
    col = jnp.concatenate([edge_index[1], loop])  # target nodes (aggregation)
    ew = jnp.concatenate([edge_weight, jnp.ones((N,), dtype=x.dtype)])
    deg = jax.ops.segment_sum(ew, col, num_segments=N)
    deg_inv_sqrt = jnp.where(deg > 0, 1.0 / jnp.sqrt(deg), 0.0)
    norm = deg_inv_sqrt[row] * ew * deg_inv_sqrt[col]
    h = x @ W  # linear transform first
    msg = h[row] * norm[:, None]  # gather + scale
    out = jax.ops.segment_sum(msg, col, num_segments=N)  # scatter-add aggregate
    out = out + b
    # ---- PReLU (per-channel) ----
    out = jnp.where(out >= 0, out, alpha * out)
    return out

if __name__ == "__main__":
    import jax
    _d = setup_inputs()
    print(jax.jit(kernel)(*tuple(_d.values())))

</pallas_src>

<mosaic_0001>
#map = affine_map<(d0, d1) -> (0, 0, 0)>
#map1 = affine_map<(d0, d1) -> (0, 0)>
module attributes {stable_mosaic.version = 14 : i64} {
  func.func @deg_kernel(%arg0: i32, %arg1: i32, %arg2: memref<32x79x128xi32, #tpu.memory_space<hbm>>, %arg3: memref<32x79x128xf32, #tpu.memory_space<hbm>>, %arg4: memref<32x10000xf32, #tpu.memory_space<hbm>>, %arg5: memref<128xi32, #tpu.memory_space<vmem>>, %arg6: memref<128xf32, #tpu.memory_space<vmem>>, %arg7: memref<10000xf32, #tpu.memory_space<vmem>>) attributes {dimension_semantics = [#tpu.dimension_semantics<core_parallel>, #tpu.dimension_semantics<subcore_parallel>], iteration_bounds = array<i64: 2, 16>, scalar_prefetch = 0 : i64, scratch_operands = 3 : i64, tpu.core_type = #tpu.core_type<sc_vector_subcore>, window_params = [{transform_indices = #map}, {transform_indices = #map}, {transform_indices = #map1}]} {
    %mul3A = arith.constant 16 : i32
    %mul3A_0 = arith.muli %arg0, %mul3A : i32
    %add3A = arith.addi %mul3A_0, %arg1 : i32
    %broadcast_in_dim3A = arith.constant 0.000000e+00 : f32
    %broadcast_in_dim3A_1 = vector.broadcast %broadcast_in_dim3A : f32 to vector<16xf32>
    %scan3A = arith.constant 0 : i32
    %scan3A_2 = arith.constant 0 : i32
    %scan3A_3 = arith.constant 625 : i32
    %scan3A_4 = arith.addi %scan3A_2, %scan3A_3 : i32
    %scan3A_5 = arith.constant 1 : i32
    %scan3A_6 = scf.for %scan3A_15 = %scan3A_2 to %scan3A_4 step %scan3A_5 iter_args(%scan3A_16 = %scan3A) -> (i32)  : i32 {
      %mul3A_17 = arith.constant 16 : i32
      %mul3A_18 = arith.muli %scan3A_15, %mul3A_17 : i32
      %swap3A = arith.index_cast %mul3A_18 : i32 to index
      %swap3A_19 = tpu.vector_load %arg7[%swap3A] {strides = array<i32>} : memref<10000xf32, #tpu.memory_space<vmem>>, vector<16xf32>,
      tpu.vector_store %arg7[%swap3A], %broadcast_in_dim3A_1 {strides = array<i32>} : memref<10000xf32, #tpu.memory_space<vmem>>, vector<16xf32>,
      %scan3A_20 = arith.constant 0 : i32
      scf.yield %scan3A_20 : i32
    }
    %scan3A_7 = arith.constant 625 : i32
    %scan3A_8 = arith.constant 0 : i32
    %scan3A_9 = arith.constant 0 : i32
    %scan3A_10 = arith.constant 79 : i32
    %scan3A_11 = arith.addi %scan3A_9, %scan3A_10 : i32
    %scan3A_12 = arith.constant 1 : i32
    %scan3A_13 = scf.for %scan3A_15 = %scan3A_9 to %scan3A_11 step %scan3A_12 iter_args(%scan3A_16 = %scan3A_8) -> (i32)  : i32 {
      "tpu.region"() ({
        %run_scoped3A = tpu.sem_alloc : memref<!tpu.dma_semaphore, #tpu.memory_space<semaphore_mem>>
        %dma_start3A = arith.constant 0 : i32
        %dma_start3A_25 = tpu.memref_slice %arg2[%add3A, %scan3A_15, %dma_start3A] : memref<32x79x128xi32, #tpu.memory_space<hbm>> -> memref<1x1x128xi32, #tpu.memory_space<hbm>>
        %dma_start3A_26 = tpu.memref_squeeze %dma_start3A_25 : memref<1x1x128xi32, #tpu.memory_space<hbm>> -> memref<128xi32, #tpu.memory_space<hbm>>
        %dma_start3A_27 = arith.constant 0 : i32
        %dma_start3A_28 = tpu.memref_slice %arg2[%add3A, %scan3A_15, %dma_start3A_27] : memref<32x79x128xi32, #tpu.memory_space<hbm>> -> memref<1x1x128xi32, #tpu.memory_space<hbm>>
        %dma_start3A_29 = tpu.memref_squeeze %dma_start3A_28 : memref<1x1x128xi32, #tpu.memory_space<hbm>> -> memref<128xi32, #tpu.memory_space<hbm>>
        tpu.enqueue_dma source(%dma_start3A_29 : memref<128xi32, #tpu.memory_space<hbm>>) target(%arg5 : memref<128xi32, #tpu.memory_space<vmem>>) target_semaphore(%run_scoped3A : memref<!tpu.dma_semaphore, #tpu.memory_space<semaphore_mem>>)
        %dma_wait3A = arith.constant 0 : i32
        %dma_wait3A_30 = tpu.memref_slice %arg2[%add3A, %scan3A_15, %dma_wait3A] : memref<32x79x128xi32, #tpu.memory_space<hbm>> -> memref<1x1x128xi32, #tpu.memory_space<hbm>>
        %dma_wait3A_31 = tpu.memref_squeeze %dma_wait3A_30 : memref<1x1x128xi32, #tpu.memory_space<hbm>> -> memref<128xi32, #tpu.memory_space<hbm>>
        %dma_wait3A_32 = arith.constant 0 : i32
        %dma_wait3A_33 = tpu.memref_slice %arg2[%add3A, %scan3A_15, %dma_wait3A_32] : memref<32x79x128xi32, #tpu.memory_space<hbm>> -> memref<1x1x128xi32, #tpu.memory_space<hbm>>
        %dma_wait3A_34 = tpu.memref_squeeze %dma_wait3A_33 : memref<1x1x128xi32, #tpu.memory_space<hbm>> -> memref<128xi32, #tpu.memory_space<hbm>>
        tpu.wait_dma2 semaphore(%run_scoped3A : memref<!tpu.dma_semaphore, #tpu.memory_space<semaphore_mem>>) src(%dma_wait3A_34 : memref<128xi32, #tpu.memory_space<hbm>>) dst(%arg5 : memref<128xi32, #tpu.memory_space<vmem>>)
        tpu.yield
      }) : () -> ()
      "tpu.region"() ({
        %run_scoped3A = tpu.sem_alloc : memref<!tpu.dma_semaphore, #tpu.memory_space<semaphore_mem>>
        %dma_start3A = arith.constant 0 : i32
        %dma_start3A_25 = tpu.memref_slice %arg3[%add3A, %scan3A_15, %dma_start3A] : memref<32x79x128xf32, #tpu.memory_space<hbm>> -> memref<1x1x128xf32, #tpu.memory_space<hbm>>
        %dma_start3A_26 = tpu.memref_squeeze %dma_start3A_25 : memref<1x1x128xf32, #tpu.memory_space<hbm>> -> memref<128xf32, #tpu.memory_space<hbm>>
        %dma_start3A_27 = arith.constant 0 : i32
        %dma_start3A_28 = tpu.memref_slice %arg3[%add3A, %scan3A_15, %dma_start3A_27] : memref<32x79x128xf32, #tpu.memory_space<hbm>> -> memref<1x1x128xf32, #tpu.memory_space<hbm>>
        %dma_start3A_29 = tpu.memref_squeeze %dma_start3A_28 : memref<1x1x128xf32, #tpu.memory_space<hbm>> -> memref<128xf32, #tpu.memory_space<hbm>>
        tpu.enqueue_dma source(%dma_start3A_29 : memref<128xf32, #tpu.memory_space<hbm>>) target(%arg6 : memref<128xf32, #tpu.memory_space<vmem>>) target_semaphore(%run_scoped3A : memref<!tpu.dma_semaphore, #tpu.memory_space<semaphore_mem>>)
        %dma_wait3A = arith.constant 0 : i32
        %dma_wait3A_30 = tpu.memref_slice %arg3[%add3A, %scan3A_15, %dma_wait3A] : memref<32x79x128xf32, #tpu.memory_space<hbm>> -> memref<1x1x128xf32, #tpu.memory_space<hbm>>
        %dma_wait3A_31 = tpu.memref_squeeze %dma_wait3A_30 : memref<1x1x128xf32, #tpu.memory_space<hbm>> -> memref<128xf32, #tpu.memory_space<hbm>>
        %dma_wait3A_32 = arith.constant 0 : i32
        %dma_wait3A_33 = tpu.memref_slice %arg3[%add3A, %scan3A_15, %dma_wait3A_32] : memref<32x79x128xf32, #tpu.memory_space<hbm>> -> memref<1x1x128xf32, #tpu.memory_space<hbm>>
        %dma_wait3A_34 = tpu.memref_squeeze %dma_wait3A_33 : memref<1x1x128xf32, #tpu.memory_space<hbm>> -> memref<128xf32, #tpu.memory_space<hbm>>
        tpu.wait_dma2 semaphore(%run_scoped3A : memref<!tpu.dma_semaphore, #tpu.memory_space<semaphore_mem>>) src(%dma_wait3A_34 : memref<128xf32, #tpu.memory_space<hbm>>) dst(%arg6 : memref<128xf32, #tpu.memory_space<vmem>>)
        tpu.yield
      }) : () -> ()
      %scan3A_17 = arith.constant 0 : i32
      %scan3A_18 = arith.constant 0 : i32
      %scan3A_19 = arith.constant 8 : i32
      %scan3A_20 = arith.addi %scan3A_18, %scan3A_19 : i32
      %scan3A_21 = arith.constant 1 : i32
      %scan3A_22 = scf.for %scan3A_25 = %scan3A_18 to %scan3A_20 step %scan3A_21 iter_args(%scan3A_26 = %scan3A_17) -> (i32)  : i32 {
        %mul3A_27 = arith.constant 16 : i32
        %mul3A_28 = arith.muli %scan3A_25, %mul3A_27 : i32
        %get3A = arith.index_cast %mul3A_28 : i32 to index
        %get3A_29 = tpu.vector_load %arg5[%get3A] {strides = array<i32>} : memref<128xi32, #tpu.memory_space<vmem>>, vector<16xi32>,
        %mul3A_30 = arith.constant 16 : i32
        %mul3A_31 = arith.muli %scan3A_25, %mul3A_30 : i32
        %get3A_32 = arith.index_cast %mul3A_31 : i32 to index
        %get3A_33 = tpu.vector_load %arg6[%get3A_32] {strides = array<i32>} : memref<128xf32, #tpu.memory_space<vmem>>, vector<16xf32>,
        tpu.vector_store_idx %arg7[%get3A_29], %get3A_33 {add = true} : memref<10000xf32, #tpu.memory_space<vmem>>[vector<16xi32>], vector<16xf32>,
        %scan3A_34 = arith.constant 0 : i32
        scf.yield %scan3A_34 : i32
      }
      %scan3A_23 = arith.constant 8 : i32
      %scan3A_24 = arith.constant 0 : i32
      scf.yield %scan3A_24 : i32
    }
    %scan3A_14 = arith.constant 79 : i32
    "tpu.region"() ({
      %run_scoped3A = tpu.sem_alloc : memref<!tpu.dma_semaphore, #tpu.memory_space<semaphore_mem>>
      %dma_start3A = arith.constant 0 : i32
      %dma_start3A_15 = tpu.memref_slice %arg4[%add3A, %dma_start3A] : memref<32x10000xf32, #tpu.memory_space<hbm>> -> memref<1x10000xf32, #tpu.memory_space<hbm>>
      %dma_start3A_16 = tpu.memref_squeeze %dma_start3A_15 : memref<1x10000xf32, #tpu.memory_space<hbm>> -> memref<10000xf32, #tpu.memory_space<hbm>>
      %dma_start3A_17 = arith.constant 0 : i32
      %dma_start3A_18 = tpu.memref_slice %arg4[%add3A, %dma_start3A_17] : memref<32x10000xf32, #tpu.memory_space<hbm>> -> memref<1x10000xf32, #tpu.memory_space<hbm>>
      %dma_start3A_19 = tpu.memref_squeeze %dma_start3A_18 : memref<1x10000xf32, #tpu.memory_space<hbm>> -> memref<10000xf32, #tpu.memory_space<hbm>>
      tpu.enqueue_dma source(%arg7 : memref<10000xf32, #tpu.memory_space<vmem>>) target(%dma_start3A_19 : memref<10000xf32, #tpu.memory_space<hbm>>) target_semaphore(%run_scoped3A : memref<!tpu.dma_semaphore, #tpu.memory_space<semaphore_mem>>)
      %dma_wait3A = arith.constant 0 : i32
      %dma_wait3A_20 = tpu.memref_slice %arg4[%add3A, %dma_wait3A] : memref<32x10000xf32, #tpu.memory_space<hbm>> -> memref<1x10000xf32, #tpu.memory_space<hbm>>
      %dma_wait3A_21 = tpu.memref_squeeze %dma_wait3A_20 : memref<1x10000xf32, #tpu.memory_space<hbm>> -> memref<10000xf32, #tpu.memory_space<hbm>>
      %dma_wait3A_22 = arith.constant 0 : i32
      %dma_wait3A_23 = tpu.memref_slice %arg4[%add3A, %dma_wait3A_22] : memref<32x10000xf32, #tpu.memory_space<hbm>> -> memref<1x10000xf32, #tpu.memory_space<hbm>>
      %dma_wait3A_24 = tpu.memref_squeeze %dma_wait3A_23 : memref<1x10000xf32, #tpu.memory_space<hbm>> -> memref<10000xf32, #tpu.memory_space<hbm>>
      tpu.wait_dma2 semaphore(%run_scoped3A : memref<!tpu.dma_semaphore, #tpu.memory_space<semaphore_mem>>) src(%arg7 : memref<10000xf32, #tpu.memory_space<vmem>>) dst(%dma_wait3A_24 : memref<10000xf32, #tpu.memory_space<hbm>>)
      tpu.yield
    }) : () -> ()
    return
  }
}

#map = affine_map<(d0, d1) -> (0, 0, 0)>
#map1 = affine_map<(d0, d1) -> (0, 0)>
module attributes {stable_mosaic.version = 14 : i64} {
  func.func @spmm_kernel(%arg0: i32, %arg1: i32, %arg2: memref<32x79x128xi32, #tpu.memory_space<hbm>>, %arg3: memref<32x79x128xi32, #tpu.memory_space<hbm>>, %arg4: memref<32x79x128xf32, #tpu.memory_space<hbm>>, %arg5: memref<10000x128xf32, #tpu.memory_space<hbm>>, %arg6: memref<2x10000x128xf32, #tpu.memory_space<hbm>>, %arg7: memref<128xi32, #tpu.memory_space<vmem>>, %arg8: memref<128xi32, #tpu.memory_space<vmem>>, %arg9: memref<128xf32, #tpu.memory_space<vmem>>, %arg10: memref<128x128xf32, #tpu.memory_space<vmem>>, %arg11: memref<10000x128xf32, #tpu.memory_space<vmem_shared>>, %arg12: memref<!tpu.dma_semaphore, #tpu.memory_space<semaphore_mem>>) attributes {dimension_semantics = [#tpu.dimension_semantics<core_parallel>, #tpu.dimension_semantics<subcore_parallel>], iteration_bounds = array<i64: 2, 16>, scalar_prefetch = 0 : i64, scratch_operands = 6 : i64, tpu.core_type = #tpu.core_type<sc_vector_subcore>, window_params = [{transform_indices = #map}, {transform_indices = #map}, {transform_indices = #map}, {transform_indices = #map1}, {transform_indices = #map}]} {
    %mul3A = arith.constant 16 : i32
    %mul3A_0 = arith.muli %arg0, %mul3A : i32
    %add3A = arith.addi %mul3A_0, %arg1 : i32
    %broadcast_in_dim3A = arith.constant 0.000000e+00 : f32
    %broadcast_in_dim3A_1 = vector.broadcast %broadcast_in_dim3A : f32 to vector<16xf32>
    %scan3A = arith.constant 0 : i32
    %scan3A_2 = arith.constant 0 : i32
    %scan3A_3 = arith.constant 128 : i32
    %scan3A_4 = arith.addi %scan3A_2, %scan3A_3 : i32
    %scan3A_5 = arith.constant 1 : i32
    %scan3A_6 = scf.for %scan3A_40 = %scan3A_2 to %scan3A_4 step %scan3A_5 iter_args(%scan3A_41 = %scan3A) -> (i32)  : i32 {
      %swap3A = arith.index_cast %scan3A_40 : i32 to index
      %swap3A_42 = arith.constant 0 : index
      %swap3A_43 = tpu.vector_load %arg10[%swap3A, %swap3A_42] {strides = array<i32>} : memref<128x128xf32, #tpu.memory_space<vmem>>, vector<16xf32>,
      tpu.vector_store %arg10[%swap3A, %swap3A_42], %broadcast_in_dim3A_1 {strides = array<i32>} : memref<128x128xf32, #tpu.memory_space<vmem>>, vector<16xf32>,
      %swap3A_44 = arith.index_cast %scan3A_40 : i32 to index
      %swap3A_45 = arith.constant 16 : index
      %swap3A_46 = tpu.vector_load %arg10[%swap3A_44, %swap3A_45] {strides = array<i32>} : memref<128x128xf32, #tpu.memory_space<vmem>>, vector<16xf32>,
      tpu.vector_store %arg10[%swap3A_44, %swap3A_45], %broadcast_in_dim3A_1 {strides = array<i32>} : memref<128x128xf32, #tpu.memory_space<vmem>>, vector<16xf32>,
      %swap3A_47 = arith.index_cast %scan3A_40 : i32 to index
      %swap3A_48 = arith.constant 32 : index
      %swap3A_49 = tpu.vector_load %arg10[%swap3A_47, %swap3A_48] {strides = array<i32>} : memref<128x128xf32, #tpu.memory_space<vmem>>, vector<16xf32>,
      tpu.vector_store %arg10[%swap3A_47, %swap3A_48], %broadcast_in_dim3A_1 {strides = array<i32>} : memref<128x128xf32, #tpu.memory_space<vmem>>, vector<16xf32>,
      %swap3A_50 = arith.index_cast %scan3A_40 : i32 to index
      %swap3A_51 = arith.constant 48 : index
      %swap3A_52 = tpu.vector_load %arg10[%swap3A_50, %swap3A_51] {strides = array<i32>} : memref<128x128xf32, #tpu.memory_space<vmem>>, vector<16xf32>,
      tpu.vector_store %arg10[%swap3A_50, %swap3A_51], %broadcast_in_dim3A_1 {strides = array<i32>} : memref<128x128xf32, #tpu.memory_space<vmem>>, vector<16xf32>,
      %swap3A_53 = arith.index_cast %scan3A_40 : i32 to index
      %swap3A_54 = arith.constant 64 : index
      %swap3A_55 = tpu.vector_load %arg10[%swap3A_53, %swap3A_54] {strides = array<i32>} : memref<128x128xf32, #tpu.memory_space<vmem>>, vector<16xf32>,
      tpu.vector_store %arg10[%swap3A_53, %swap3A_54], %broadcast_in_dim3A_1 {strides = array<i32>} : memref<128x128xf32, #tpu.memory_space<vmem>>, vector<16xf32>,
      %swap3A_56 = arith.index_cast %scan3A_40 : i32 to index
      %swap3A_57 = arith.constant 80 : index
      %swap3A_58 = tpu.vector_load %arg10[%swap3A_56, %swap3A_57] {strides = array<i32>} : memref<128x128xf32, #tpu.memory_space<vmem>>, vector<16xf32>,
      tpu.vector_store %arg10[%swap3A_56, %swap3A_57], %broadcast_in_dim3A_1 {strides = array<i32>} : memref<128x128xf32, #tpu.memory_space<vmem>>, vector<16xf32>,
      %swap3A_59 = arith.index_cast %scan3A_40 : i32 to index
      %swap3A_60 = arith.constant 96 : index
      %swap3A_61 = tpu.vector_load %arg10[%swap3A_59, %swap3A_60] {strides = array<i32>} : memref<128x128xf32, #tpu.memory_space<vmem>>, vector<16xf32>,
      tpu.vector_store %arg10[%swap3A_59, %swap3A_60], %broadcast_in_dim3A_1 {strides = array<i32>} : memref<128x128xf32, #tpu.memory_space<vmem>>, vector<16xf32>,
      %swap3A_62 = arith.index_cast %scan3A_40 : i32 to index
      %swap3A_63 = arith.constant 112 : index
      %swap3A_64 = tpu.vector_load %arg10[%swap3A_62, %swap3A_63] {strides = array<i32>} : memref<128x128xf32, #tpu.memory_space<vmem>>, vector<16xf32>,
      tpu.vector_store %arg10[%swap3A_62, %swap3A_63], %broadcast_in_dim3A_1 {strides = array<i32>} : memref<128x128xf32, #tpu.memory_space<vmem>>, vector<16xf32>,
      %scan3A_65 = arith.constant 0 : i32
      scf.yield %scan3A_65 : i32
    }
    %scan3A_7 = arith.constant 128 : i32
    %mul3A_8 = arith.constant 625 : i32
    %mul3A_9 = arith.muli %arg1, %mul3A_8 : i32
    %add3A_10 = arith.constant 0 : i32
    %add3A_11 = arith.addi %mul3A_9, %add3A_10 : i32
    "tpu.region"() ({
      %run_scoped3A = tpu.sem_alloc : memref<!tpu.dma_semaphore, #tpu.memory_space<semaphore_mem>>
      %dma_start3A = arith.constant 0 : i32
      %dma_start3A_40 = tpu.memref_slice %arg11[%add3A_11, %dma_start3A] : memref<10000x128xf32, #tpu.memory_space<vmem_shared>> -> memref<128x128xf32, #tpu.memory_space<vmem_shared>>
      %dma_start3A_41 = arith.constant 0 : i32
      %dma_start3A_42 = tpu.memref_slice %arg11[%add3A_11, %dma_start3A_41] : memref<10000x128xf32, #tpu.memory_space<vmem_shared>> -> memref<128x128xf32, #tpu.memory_space<vmem_shared>>
      tpu.enqueue_dma source(%arg10 : memref<128x128xf32, #tpu.memory_space<vmem>>) target(%dma_start3A_42 : memref<128x128xf32, #tpu.memory_space<vmem_shared>>) target_semaphore(%run_scoped3A : memref<!tpu.dma_semaphore, #tpu.memory_space<semaphore_mem>>)
      %dma_wait3A = arith.constant 0 : i32
      %dma_wait3A_43 = tpu.memref_slice %arg11[%add3A_11, %dma_wait3A] : memref<10000x128xf32, #tpu.memory_space<vmem_shared>> -> memref<128x128xf32, #tpu.memory_space<vmem_shared>>
      %dma_wait3A_44 = arith.constant 0 : i32
      %dma_wait3A_45 = tpu.memref_slice %arg11[%add3A_11, %dma_wait3A_44] : memref<10000x128xf32, #tpu.memory_space<vmem_shared>> -> memref<128x128xf32, #tpu.memory_space<vmem_shared>>
      tpu.wait_dma2 semaphore(%run_scoped3A : memref<!tpu.dma_semaphore, #tpu.memory_space<semaphore_mem>>) src(%arg10 : memref<128x128xf32, #tpu.memory_space<vmem>>) dst(%dma_wait3A_45 : memref<128x128xf32, #tpu.memory_space<vmem_shared>>)
      tpu.yield
    }) : () -> ()
    %mul3A_12 = arith.constant 625 : i32
    %mul3A_13 = arith.muli %arg1, %mul3A_12 : i32
    %add3A_14 = arith.constant 128 : i32
    %add3A_15 = arith.addi %mul3A_13, %add3A_14 : i32
    "tpu.region"() ({
      %run_scoped3A = tpu.sem_alloc : memref<!tpu.dma_semaphore, #tpu.memory_space<semaphore_mem>>
      %dma_start3A = arith.constant 0 : i32
      %dma_start3A_40 = tpu.memref_slice %arg11[%add3A_15, %dma_start3A] : memref<10000x128xf32, #tpu.memory_space<vmem_shared>> -> memref<128x128xf32, #tpu.memory_space<vmem_shared>>
      %dma_start3A_41 = arith.constant 0 : i32
      %dma_start3A_42 = tpu.memref_slice %arg11[%add3A_15, %dma_start3A_41] : memref<10000x128xf32, #tpu.memory_space<vmem_shared>> -> memref<128x128xf32, #tpu.memory_space<vmem_shared>>
      tpu.enqueue_dma source(%arg10 : memref<128x128xf32, #tpu.memory_space<vmem>>) target(%dma_start3A_42 : memref<128x128xf32, #tpu.memory_space<vmem_shared>>) target_semaphore(%run_scoped3A : memref<!tpu.dma_semaphore, #tpu.memory_space<semaphore_mem>>)
      %dma_wait3A = arith.constant 0 : i32
      %dma_wait3A_43 = tpu.memref_slice %arg11[%add3A_15, %dma_wait3A] : memref<10000x128xf32, #tpu.memory_space<vmem_shared>> -> memref<128x128xf32, #tpu.memory_space<vmem_shared>>
      %dma_wait3A_44 = arith.constant 0 : i32
      %dma_wait3A_45 = tpu.memref_slice %arg11[%add3A_15, %dma_wait3A_44] : memref<10000x128xf32, #tpu.memory_space<vmem_shared>> -> memref<128x128xf32, #tpu.memory_space<vmem_shared>>
      tpu.wait_dma2 semaphore(%run_scoped3A : memref<!tpu.dma_semaphore, #tpu.memory_space<semaphore_mem>>) src(%arg10 : memref<128x128xf32, #tpu.memory_space<vmem>>) dst(%dma_wait3A_45 : memref<128x128xf32, #tpu.memory_space<vmem_shared>>)
      tpu.yield
    }) : () -> ()
    %mul3A_16 = arith.constant 625 : i32
    %mul3A_17 = arith.muli %arg1, %mul3A_16 : i32
    %add3A_18 = arith.constant 256 : i32
    %add3A_19 = arith.addi %mul3A_17, %add3A_18 : i32
    "tpu.region"() ({
      %run_scoped3A = tpu.sem_alloc : memref<!tpu.dma_semaphore, #tpu.memory_space<semaphore_mem>>
      %dma_start3A = arith.constant 0 : i32
      %dma_start3A_40 = tpu.memref_slice %arg11[%add3A_19, %dma_start3A] : memref<10000x128xf32, #tpu.memory_space<vmem_shared>> -> memref<128x128xf32, #tpu.memory_space<vmem_shared>>
      %dma_start3A_41 = arith.constant 0 : i32
      %dma_start3A_42 = tpu.memref_slice %arg11[%add3A_19, %dma_start3A_41] : memref<10000x128xf32, #tpu.memory_space<vmem_shared>> -> memref<128x128xf32, #tpu.memory_space<vmem_shared>>
      tpu.enqueue_dma source(%arg10 : memref<128x128xf32, #tpu.memory_space<vmem>>) target(%dma_start3A_42 : memref<128x128xf32, #tpu.memory_space<vmem_shared>>) target_semaphore(%run_scoped3A : memref<!tpu.dma_semaphore, #tpu.memory_space<semaphore_mem>>)
      %dma_wait3A = arith.constant 0 : i32
      %dma_wait3A_43 = tpu.memref_slice %arg11[%add3A_19, %dma_wait3A] : memref<10000x128xf32, #tpu.memory_space<vmem_shared>> -> memref<128x128xf32, #tpu.memory_space<vmem_shared>>
      %dma_wait3A_44 = arith.constant 0 : i32
      %dma_wait3A_45 = tpu.memref_slice %arg11[%add3A_19, %dma_wait3A_44] : memref<10000x128xf32, #tpu.memory_space<vmem_shared>> -> memref<128x128xf32, #tpu.memory_space<vmem_shared>>
      tpu.wait_dma2 semaphore(%run_scoped3A : memref<!tpu.dma_semaphore, #tpu.memory_space<semaphore_mem>>) src(%arg10 : memref<128x128xf32, #tpu.memory_space<vmem>>) dst(%dma_wait3A_45 : memref<128x128xf32, #tpu.memory_space<vmem_shared>>)
      tpu.yield
    }) : () -> ()
    %mul3A_20 = arith.constant 625 : i32
    %mul3A_21 = arith.muli %arg1, %mul3A_20 : i32
    %add3A_22 = arith.constant 384 : i32
    %add3A_23 = arith.addi %mul3A_21, %add3A_22 : i32
    "tpu.region"() ({
      %run_scoped3A = tpu.sem_alloc : memref<!tpu.dma_semaphore, #tpu.memory_space<semaphore_mem>>
      %dma_start3A = arith.constant 0 : i32
      %dma_start3A_40 = tpu.memref_slice %arg11[%add3A_23, %dma_start3A] : memref<10000x128xf32, #tpu.memory_space<vmem_shared>> -> memref<128x128xf32, #tpu.memory_space<vmem_shared>>
      %dma_start3A_41 = arith.constant 0 : i32
      %dma_start3A_42 = tpu.memref_slice %arg11[%add3A_23, %dma_start3A_41] : memref<10000x128xf32, #tpu.memory_space<vmem_shared>> -> memref<128x128xf32, #tpu.memory_space<vmem_shared>>
      tpu.enqueue_dma source(%arg10 : memref<128x128xf32, #tpu.memory_space<vmem>>) target(%dma_start3A_42 : memref<128x128xf32, #tpu.memory_space<vmem_shared>>) target_semaphore(%run_scoped3A : memref<!tpu.dma_semaphore, #tpu.memory_space<semaphore_mem>>)
      %dma_wait3A = arith.constant 0 : i32
      %dma_wait3A_43 = tpu.memref_slice %arg11[%add3A_23, %dma_wait3A] : memref<10000x128xf32, #tpu.memory_space<vmem_shared>> -> memref<128x128xf32, #tpu.memory_space<vmem_shared>>
      %dma_wait3A_44 = arith.constant 0 : i32
      %dma_wait3A_45 = tpu.memref_slice %arg11[%add3A_23, %dma_wait3A_44] : memref<10000x128xf32, #tpu.memory_space<vmem_shared>> -> memref<128x128xf32, #tpu.memory_space<vmem_shared>>
      tpu.wait_dma2 semaphore(%run_scoped3A : memref<!tpu.dma_semaphore, #tpu.memory_space<semaphore_mem>>) src(%arg10 : memref<128x128xf32, #tpu.memory_space<vmem>>) dst(%dma_wait3A_45 : memref<128x128xf32, #tpu.memory_space<vmem_shared>>)
      tpu.yield
    }) : () -> ()
    %mul3A_24 = arith.constant 625 : i32
    %mul3A_25 = arith.muli %arg1, %mul3A_24 : i32
    %add3A_26 = arith.constant 512 : i32
    %add3A_27 = arith.addi %mul3A_25, %add3A_26 : i32
    "tpu.region"() ({
      %run_scoped3A = tpu.sem_alloc : memref<!tpu.dma_semaphore, #tpu.memory_space<semaphore_mem>>
      %dma_start3A = arith.constant 0 : i32
      %dma_start3A_40 = arith.constant 0 : i32
      %dma_start3A_41 = tpu.memref_slice %arg10[%dma_start3A, %dma_start3A_40] : memref<128x128xf32, #tpu.memory_space<vmem>> -> memref<113x128xf32, #tpu.memory_space<vmem>>
      %dma_start3A_42 = arith.constant 0 : i32
      %dma_start3A_43 = tpu.memref_slice %arg11[%add3A_27, %dma_start3A_42] : memref<10000x128xf32, #tpu.memory_space<vmem_shared>> -> memref<113x128xf32, #tpu.memory_space<vmem_shared>>
      %dma_start3A_44 = arith.constant 0 : i32
      %dma_start3A_45 = tpu.memref_slice %arg11[%add3A_27, %dma_start3A_44] : memref<10000x128xf32, #tpu.memory_space<vmem_shared>> -> memref<113x128xf32, #tpu.memory_space<vmem_shared>>
      %dma_start3A_46 = arith.constant 0 : i32
      %dma_start3A_47 = arith.constant 0 : i32
      %dma_start3A_48 = tpu.memref_slice %arg10[%dma_start3A_46, %dma_start3A_47] : memref<128x128xf32, #tpu.memory_space<vmem>> -> memref<113x128xf32, #tpu.memory_space<vmem>>
      tpu.enqueue_dma source(%dma_start3A_48 : memref<113x128xf32, #tpu.memory_space<vmem>>) target(%dma_start3A_45 : memref<113x128xf32, #tpu.memory_space<vmem_shared>>) target_semaphore(%run_scoped3A : memref<!tpu.dma_semaphore, #tpu.memory_space<semaphore_mem>>)
      %dma_wait3A = arith.constant 0 : i32
      %dma_wait3A_49 = arith.constant 0 : i32
      %dma_wait3A_50 = tpu.memref_slice %arg10[%dma_wait3A, %dma_wait3A_49] : memref<128x128xf32, #tpu.memory_space<vmem>> -> memref<113x128xf32, #tpu.memory_space<vmem>>
      %dma_wait3A_51 = arith.constant 0 : i32
      %dma_wait3A_52 = tpu.memref_slice %arg11[%add3A_27, %dma_wait3A_51] : memref<10000x128xf32, #tpu.memory_space<vmem_shared>> -> memref<113x128xf32, #tpu.memory_space<vmem_shared>>
      %dma_wait3A_53 = arith.constant 0 : i32
      %dma_wait3A_54 = tpu.memref_slice %arg11[%add3A_27, %dma_wait3A_53] : memref<10000x128xf32, #tpu.memory_space<vmem_shared>> -> memref<113x128xf32, #tpu.memory_space<vmem_shared>>
      %dma_wait3A_55 = arith.constant 0 : i32
      %dma_wait3A_56 = arith.constant 0 : i32
      %dma_wait3A_57 = tpu.memref_slice %arg10[%dma_wait3A_55, %dma_wait3A_56] : memref<128x128xf32, #tpu.memory_space<vmem>> -> memref<113x128xf32, #tpu.memory_space<vmem>>
      tpu.wait_dma2 semaphore(%run_scoped3A : memref<!tpu.dma_semaphore, #tpu.memory_space<semaphore_mem>>) src(%dma_wait3A_57 : memref<113x128xf32, #tpu.memory_space<vmem>>) dst(%dma_wait3A_54 : memref<113x128xf32, #tpu.memory_space<vmem_shared>>)
      tpu.yield
    }) : () -> ()
    %barrier3A = arith.constant 0 : index
    tpu.barrier barrier_id(%barrier3A)
    %scan3A_28 = arith.constant 0 : i32
    %scan3A_29 = arith.constant 0 : i32
    %scan3A_30 = arith.constant 79 : i32
    %scan3A_31 = arith.addi %scan3A_29, %scan3A_30 : i32
    %scan3A_32 = arith.constant 1 : i32
    %scan3A_33 = scf.for %scan3A_40 = %scan3A_29 to %scan3A_31 step %scan3A_32 iter_args(%scan3A_41 = %scan3A_28) -> (i32)  : i32 {
      "tpu.region"() ({
        %run_scoped3A = tpu.sem_alloc : memref<!tpu.dma_semaphore, #tpu.memory_space<semaphore_mem>>
        %dma_start3A_54 = arith.constant 0 : i32
        %dma_start3A_55 = tpu.memref_slice %arg2[%add3A, %scan3A_40, %dma_start3A_54] : memref<32x79x128xi32, #tpu.memory_space<hbm>> -> memref<1x1x128xi32, #tpu.memory_space<hbm>>
        %dma_start3A_56 = tpu.memref_squeeze %dma_start3A_55 : memref<1x1x128xi32, #tpu.memory_space<hbm>> -> memref<128xi32, #tpu.memory_space<hbm>>
        %dma_start3A_57 = arith.constant 0 : i32
        %dma_start3A_58 = tpu.memref_slice %arg2[%add3A, %scan3A_40, %dma_start3A_57] : memref<32x79x128xi32, #tpu.memory_space<hbm>> -> memref<1x1x128xi32, #tpu.memory_space<hbm>>
        %dma_start3A_59 = tpu.memref_squeeze %dma_start3A_58 : memref<1x1x128xi32, #tpu.memory_space<hbm>> -> memref<128xi32, #tpu.memory_space<hbm>>
        tpu.enqueue_dma source(%dma_start3A_59 : memref<128xi32, #tpu.memory_space<hbm>>) target(%arg7 : memref<128xi32, #tpu.memory_space<vmem>>) target_semaphore(%run_scoped3A : memref<!tpu.dma_semaphore, #tpu.memory_space<semaphore_mem>>)
        %dma_wait3A_60 = arith.constant 0 : i32
        %dma_wait3A_61 = tpu.memref_slice %arg2[%add3A, %scan3A_40, %dma_wait3A_60] : memref<32x79x128xi32, #tpu.memory_space<hbm>> -> memref<1x1x128xi32, #tpu.memory_space<hbm>>
        %dma_wait3A_62 = tpu.memref_squeeze %dma_wait3A_61 : memref<1x1x128xi32, #tpu.memory_space<hbm>> -> memref<128xi32, #tpu.memory_space<hbm>>
        %dma_wait3A_63 = arith.constant 0 : i32
        %dma_wait3A_64 = tpu.memref_slice %arg2[%add3A, %scan3A_40, %dma_wait3A_63] : memref<32x79x128xi32, #tpu.memory_space<hbm>> -> memref<1x1x128xi32, #tpu.memory_space<hbm>>
        %dma_wait3A_65 = tpu.memref_squeeze %dma_wait3A_64 : memref<1x1x128xi32, #tpu.memory_space<hbm>> -> memref<128xi32, #tpu.memory_space<hbm>>
        tpu.wait_dma2 semaphore(%run_scoped3A : memref<!tpu.dma_semaphore, #tpu.memory_space<semaphore_mem>>) src(%dma_wait3A_65 : memref<128xi32, #tpu.memory_space<hbm>>) dst(%arg7 : memref<128xi32, #tpu.memory_space<vmem>>)
        tpu.yield
      }) : () -> ()
      "tpu.region"() ({
        %run_scoped3A = tpu.sem_alloc : memref<!tpu.dma_semaphore, #tpu.memory_space<semaphore_mem>>
        %dma_start3A_54 = arith.constant 0 : i32
        %dma_start3A_55 = tpu.memref_slice %arg3[%add3A, %scan3A_40, %dma_start3A_54] : memref<32x79x128xi32, #tpu.memory_space<hbm>> -> memref<1x1x128xi32, #tpu.memory_space<hbm>>
        %dma_start3A_56 = tpu.memref_squeeze %dma_start3A_55 : memref<1x1x128xi32, #tpu.memory_space<hbm>> -> memref<128xi32, #tpu.memory_space<hbm>>
        %dma_start3A_57 = arith.constant 0 : i32
        %dma_start3A_58 = tpu.memref_slice %arg3[%add3A, %scan3A_40, %dma_start3A_57] : memref<32x79x128xi32, #tpu.memory_space<hbm>> -> memref<1x1x128xi32, #tpu.memory_space<hbm>>
        %dma_start3A_59 = tpu.memref_squeeze %dma_start3A_58 : memref<1x1x128xi32, #tpu.memory_space<hbm>> -> memref<128xi32, #tpu.memory_space<hbm>>
        tpu.enqueue_dma source(%dma_start3A_59 : memref<128xi32, #tpu.memory_space<hbm>>) target(%arg8 : memref<128xi32, #tpu.memory_space<vmem>>) target_semaphore(%run_scoped3A : memref<!tpu.dma_semaphore, #tpu.memory_space<semaphore_mem>>)
        %dma_wait3A_60 = arith.constant 0 : i32
        %dma_wait3A_61 = tpu.memref_slice %arg3[%add3A, %scan3A_40, %dma_wait3A_60] : memref<32x79x128xi32, #tpu.memory_space<hbm>> -> memref<1x1x128xi32, #tpu.memory_space<hbm>>
        %dma_wait3A_62 = tpu.memref_squeeze %dma_wait3A_61 : memref<1x1x128xi32, #tpu.memory_space<hbm>> -> memref<128xi32, #tpu.memory_space<hbm>>
        %dma_wait3A_63 = arith.constant 0 : i32
        %dma_wait3A_64 = tpu.memref_slice %arg3[%add3A, %scan3A_40, %dma_wait3A_63] : memref<32x79x128xi32, #tpu.memory_space<hbm>> -> memref<1x1x128xi32, #tpu.memory_space<hbm>>
        %dma_wait3A_65 = tpu.memref_squeeze %dma_wait3A_64 : memref<1x1x128xi32, #tpu.memory_space<hbm>> -> memref<128xi32, #tpu.memory_space<hbm>>
        tpu.wait_dma2 semaphore(%run_scoped3A : memref<!tpu.dma_semaphore, #tpu.memory_space<semaphore_mem>>) src(%dma_wait3A_65 : memref<128xi32, #tpu.memory_space<hbm>>) dst(%arg8 : memref<128xi32, #tpu.memory_space<vmem>>)
        tpu.yield
      }) : () -> ()
      "tpu.region"() ({
        %run_scoped3A = tpu.sem_alloc : memref<!tpu.dma_semaphore, #tpu.memory_space<semaphore_mem>>
        %dma_start3A_54 = arith.constant 0 : i32
        %dma_start3A_55 = tpu.memref_slice %arg4[%add3A, %scan3A_40, %dma_start3A_54] : memref<32x79x128xf32, #tpu.memory_space<hbm>> -> memref<1x1x128xf32, #tpu.memory_space<hbm>>
        %dma_start3A_56 = tpu.memref_squeeze %dma_start3A_55 : memref<1x1x128xf32, #tpu.memory_space<hbm>> -> memref<128xf32, #tpu.memory_space<hbm>>
        %dma_start3A_57 = arith.constant 0 : i32
        %dma_start3A_58 = tpu.memref_slice %arg4[%add3A, %scan3A_40, %dma_start3A_57] : memref<32x79x128xf32, #tpu.memory_space<hbm>> -> memref<1x1x128xf32, #tpu.memory_space<hbm>>
        %dma_start3A_59 = tpu.memref_squeeze %dma_start3A_58 : memref<1x1x128xf32, #tpu.memory_space<hbm>> -> memref<128xf32, #tpu.memory_space<hbm>>
        tpu.enqueue_dma source(%dma_start3A_59 : memref<128xf32, #tpu.memory_space<hbm>>) target(%arg9 : memref<128xf32, #tpu.memory_space<vmem>>) target_semaphore(%run_scoped3A : memref<!tpu.dma_semaphore, #tpu.memory_space<semaphore_mem>>)
        %dma_wait3A_60 = arith.constant 0 : i32
        %dma_wait3A_61 = tpu.memref_slice %arg4[%add3A, %scan3A_40, %dma_wait3A_60] : memref<32x79x128xf32, #tpu.memory_space<hbm>> -> memref<1x1x128xf32, #tpu.memory_space<hbm>>
        %dma_wait3A_62 = tpu.memref_squeeze %dma_wait3A_61 : memref<1x1x128xf32, #tpu.memory_space<hbm>> -> memref<128xf32, #tpu.memory_space<hbm>>
        %dma_wait3A_63 = arith.constant 0 : i32
        %dma_wait3A_64 = tpu.memref_slice %arg4[%add3A, %scan3A_40, %dma_wait3A_63] : memref<32x79x128xf32, #tpu.memory_space<hbm>> -> memref<1x1x128xf32, #tpu.memory_space<hbm>>
        %dma_wait3A_65 = tpu.memref_squeeze %dma_wait3A_64 : memref<1x1x128xf32, #tpu.memory_space<hbm>> -> memref<128xf32, #tpu.memory_space<hbm>>
        tpu.wait_dma2 semaphore(%run_scoped3A : memref<!tpu.dma_semaphore, #tpu.memory_space<semaphore_mem>>) src(%dma_wait3A_65 : memref<128xf32, #tpu.memory_space<hbm>>) dst(%arg9 : memref<128xf32, #tpu.memory_space<vmem>>)
        tpu.yield
      }) : () -> ()
      %dma_start3A = arith.constant 0 : i32
      %dma_start3A_42 = arith.constant 0 : i32
      %dma_start3A_43 = tpu.memref_slice %arg5[%dma_start3A, %dma_start3A_42] : memref<10000x128xf32, #tpu.memory_space<hbm>> -> memref<10000x128xf32, #tpu.memory_space<hbm>>
      tpu.enqueue_indirect_dma source(%dma_start3A_43 : memref<10000x128xf32, #tpu.memory_space<hbm>>) target(%arg10 : memref<128x128xf32, #tpu.memory_space<vmem>>) offsets(%arg7 : memref<128xi32, #tpu.memory_space<vmem>>) semaphore(%arg12 : memref<!tpu.dma_semaphore, #tpu.memory_space<semaphore_mem>>)
      %dma_wait3A = arith.constant 0 : i32
      %dma_wait3A_44 = arith.constant 0 : i32
      %dma_wait3A_45 = tpu.memref_slice %arg5[%dma_wait3A, %dma_wait3A_44] : memref<10000x128xf32, #tpu.memory_space<hbm>> -> memref<10000x128xf32, #tpu.memory_space<hbm>>
      tpu.wait_indirect_dma semaphore(%arg12 : memref<!tpu.dma_semaphore, #tpu.memory_space<semaphore_mem>>) src(%dma_wait3A_45 : memref<10000x128xf32, #tpu.memory_space<hbm>>) dst(%arg10 : memref<128x128xf32, #tpu.memory_space<vmem>>)
      %scan3A_46 = arith.constant 0 : i32
      %scan3A_47 = arith.constant 0 : i32
      %scan3A_48 = arith.constant 8 : i32
      %scan3A_49 = arith.addi %scan3A_47, %scan3A_48 : i32
      %scan3A_50 = arith.constant 1 : i32
      %scan3A_51 = scf.for %scan3A_54 = %scan3A_47 to %scan3A_49 step %scan3A_50 iter_args(%scan3A_55 = %scan3A_46) -> (i32)  : i32 {
        %mul3A_56 = arith.constant 16 : i32
        %mul3A_57 = arith.muli %scan3A_54, %mul3A_56 : i32
        %get3A = arith.index_cast %mul3A_57 : i32 to index
        %get3A_58 = tpu.vector_load %arg9[%get3A] {strides = array<i32>} : memref<128xf32, #tpu.memory_space<vmem>>, vector<16xf32>,
        %mul3A_59 = arith.constant 16 : i32
        %mul3A_60 = arith.muli %scan3A_54, %mul3A_59 : i32
        %add3A_61 = arith.constant 0 : i32
        %add3A_62 = arith.addi %mul3A_60, %add3A_61 : i32
        %slice3A = vector.extract_strided_slice %get3A_58 {offsets = [0], sizes = [1], strides = [1]} : vector<16xf32> to vector<1xf32>
        %squeeze3A = vector.extract %slice3A[0] : f32 from vector<1xf32>
        %get3A_63 = arith.index_cast %add3A_62 : i32 to index
        %get3A_64 = arith.constant 0 : index
        %get3A_65 = tpu.vector_load %arg10[%get3A_63, %get3A_64] {strides = array<i32>} : memref<128x128xf32, #tpu.memory_space<vmem>>, vector<16xf32>,
        %mul3A_66 = vector.broadcast %squeeze3A : f32 to vector<16xf32>
        %mul3A_67 = arith.mulf %get3A_65, %mul3A_66 : vector<16xf32>
        %swap3A = arith.index_cast %add3A_62 : i32 to index
        %swap3A_68 = arith.constant 0 : index
        %swap3A_69 = tpu.vector_load %arg10[%swap3A, %swap3A_68] {strides = array<i32>} : memref<128x128xf32, #tpu.memory_space<vmem>>, vector<16xf32>,
        tpu.vector_store %arg10[%swap3A, %swap3A_68], %mul3A_67 {strides = array<i32>} : memref<128x128xf32, #tpu.memory_space<vmem>>, vector<16xf32>,
        %get3A_70 = arith.index_cast %add3A_62 : i32 to index
        %get3A_71 = arith.constant 16 : index
        %get3A_72 = tpu.vector_load %arg10[%get3A_70, %get3A_71] {strides = array<i32>} : memref<128x128xf32, #tpu.memory_space<vmem>>, vector<16xf32>,
        %mul3A_73 = vector.broadcast %squeeze3A : f32 to vector<16xf32>
        %mul3A_74 = arith.mulf %get3A_72, %mul3A_73 : vector<16xf32>
        %swap3A_75 = arith.index_cast %add3A_62 : i32 to index
        %swap3A_76 = arith.constant 16 : index
        %swap3A_77 = tpu.vector_load %arg10[%swap3A_75, %swap3A_76] {strides = array<i32>} : memref<128x128xf32, #tpu.memory_space<vmem>>, vector<16xf32>,
        tpu.vector_store %arg10[%swap3A_75, %swap3A_76], %mul3A_74 {strides = array<i32>} : memref<128x128xf32, #tpu.memory_space<vmem>>, vector<16xf32>,
        %get3A_78 = arith.index_cast %add3A_62 : i32 to index
        %get3A_79 = arith.constant 32 : index
        %get3A_80 = tpu.vector_load %arg10[%get3A_78, %get3A_79] {strides = array<i32>} : memref<128x128xf32, #tpu.memory_space<vmem>>, vector<16xf32>,
        %mul3A_81 = vector.broadcast %squeeze3A : f32 to vector<16xf32>
        %mul3A_82 = arith.mulf %get3A_80, %mul3A_81 : vector<16xf32>
        %swap3A_83 = arith.index_cast %add3A_62 : i32 to index
        %swap3A_84 = arith.constant 32 : index
        %swap3A_85 = tpu.vector_load %arg10[%swap3A_83, %swap3A_84] {strides = array<i32>} : memref<128x128xf32, #tpu.memory_space<vmem>>, vector<16xf32>,
        tpu.vector_store %arg10[%swap3A_83, %swap3A_84], %mul3A_82 {strides = array<i32>} : memref<128x128xf32, #tpu.memory_space<vmem>>, vector<16xf32>,
        %get3A_86 = arith.index_cast %add3A_62 : i32 to index
        %get3A_87 = arith.constant 48 : index
        %get3A_88 = tpu.vector_load %arg10[%get3A_86, %get3A_87] {strides = array<i32>} : memref<128x128xf32, #tpu.memory_space<vmem>>, vector<16xf32>,
        %mul3A_89 = vector.broadcast %squeeze3A : f32 to vector<16xf32>
        %mul3A_90 = arith.mulf %get3A_88, %mul3A_89 : vector<16xf32>
        %swap3A_91 = arith.index_cast %add3A_62 : i32 to index
        %swap3A_92 = arith.constant 48 : index
        %swap3A_93 = tpu.vector_load %arg10[%swap3A_91, %swap3A_92] {strides = array<i32>} : memref<128x128xf32, #tpu.memory_space<vmem>>, vector<16xf32>,
        tpu.vector_store %arg10[%swap3A_91, %swap3A_92], %mul3A_90 {strides = array<i32>} : memref<128x128xf32, #tpu.memory_space<vmem>>, vector<16xf32>,
        %get3A_94 = arith.index_cast %add3A_62 : i32 to index
        %get3A_95 = arith.constant 64 : index
        %get3A_96 = tpu.vector_load %arg10[%get3A_94, %get3A_95] {strides = array<i32>} : memref<128x128xf32, #tpu.memory_space<vmem>>, vector<16xf32>,
        %mul3A_97 = vector.broadcast %squeeze3A : f32 to vector<16xf32>
        %mul3A_98 = arith.mulf %get3A_96, %mul3A_97 : vector<16xf32>
        %swap3A_99 = arith.index_cast %add3A_62 : i32 to index
        %swap3A_100 = arith.constant 64 : index
        %swap3A_101 = tpu.vector_load %arg10[%swap3A_99, %swap3A_100] {strides = array<i32>} : memref<128x128xf32, #tpu.memory_space<vmem>>, vector<16xf32>,
        tpu.vector_store %arg10[%swap3A_99, %swap3A_100], %mul3A_98 {strides = array<i32>} : memref<128x128xf32, #tpu.memory_space<vmem>>, vector<16xf32>,
        %get3A_102 = arith.index_cast %add3A_62 : i32 to index
        %get3A_103 = arith.constant 80 : index
        %get3A_104 = tpu.vector_load %arg10[%get3A_102, %get3A_103] {strides = array<i32>} : memref<128x128xf32, #tpu.memory_space<vmem>>, vector<16xf32>,
        %mul3A_105 = vector.broadcast %squeeze3A : f32 to vector<16xf32>
        %mul3A_106 = arith.mulf %get3A_104, %mul3A_105 : vector<16xf32>
        %swap3A_107 = arith.index_cast %add3A_62 : i32 to index
        %swap3A_108 = arith.constant 80 : index
        %swap3A_109 = tpu.vector_load %arg10[%swap3A_107, %swap3A_108] {strides = array<i32>} : memref<128x128xf32, #tpu.memory_space<vmem>>, vector<16xf32>,
        tpu.vector_store %arg10[%swap3A_107, %swap3A_108], %mul3A_106 {strides = array<i32>} : memref<128x128xf32, #tpu.memory_space<vmem>>, vector<16xf32>,
        %get3A_110 = arith.index_cast %add3A_62 : i32 to index
        %get3A_111 = arith.constant 96 : index
        %get3A_112 = tpu.vector_load %arg10[%get3A_110, %get3A_111] {strides = array<i32>} : memref<128x128xf32, #tpu.memory_space<vmem>>, vector<16xf32>,
        %mul3A_113 = vector.broadcast %squeeze3A : f32 to vector<16xf32>
        %mul3A_114 = arith.mulf %get3A_112, %mul3A_113 : vector<16xf32>
        %swap3A_115 = arith.index_cast %add3A_62 : i32 to index
        %swap3A_116 = arith.constant 96 : index
        %swap3A_117 = tpu.vector_load %arg10[%swap3A_115, %swap3A_116] {strides = array<i32>} : memref<128x128xf32, #tpu.memory_space<vmem>>, vector<16xf32>,
        tpu.vector_store %arg10[%swap3A_115, %swap3A_116], %mul3A_114 {strides = array<i32>} : memref<128x128xf32, #tpu.memory_space<vmem>>, vector<16xf32>,
        %get3A_118 = arith.index_cast %add3A_62 : i32 to index
        %get3A_119 = arith.constant 112 : index
        %get3A_120 = tpu.vector_load %arg10[%get3A_118, %get3A_119] {strides = array<i32>} : memref<128x128xf32, #tpu.memory_space<vmem>>, vector<16xf32>,
        %mul3A_121 = vector.broadcast %squeeze3A : f32 to vector<16xf32>
        %mul3A_122 = arith.mulf %get3A_120, %mul3A_121 : vector<16xf32>
        %swap3A_123 = arith.index_cast %add3A_62 : i32 to index
        %swap3A_124 = arith.constant 112 : index
        %swap3A_125 = tpu.vector_load %arg10[%swap3A_123, %swap3A_124] {strides = array<i32>} : memref<128x128xf32, #tpu.memory_space<vmem>>, vector<16xf32>,
        tpu.vector_store %arg10[%swap3A_123, %swap3A_124], %mul3A_122 {strides = array<i32>} : memref<128x128xf32, #tpu.memory_space<vmem>>, vector<16xf32>,
        %mul3A_126 = arith.constant 16 : i32
        %mul3A_127 = arith.muli %scan3A_54, %mul3A_126 : i32
        %add3A_128 = arith.constant 1 : i32
        %add3A_129 = arith.addi %mul3A_127, %add3A_128 : i32
        %slice3A_130 = vector.extract_strided_slice %get3A_58 {offsets = [1], sizes = [1], strides = [1]} : vector<16xf32> to vector<1xf32>
        %squeeze3A_131 = vector.extract %slice3A_130[0] : f32 from vector<1xf32>
        %get3A_132 = arith.index_cast %add3A_129 : i32 to index
        %get3A_133 = arith.constant 0 : index
        %get3A_134 = tpu.vector_load %arg10[%get3A_132, %get3A_133] {strides = array<i32>} : memref<128x128xf32, #tpu.memory_space<vmem>>, vector<16xf32>,
        %mul3A_135 = vector.broadcast %squeeze3A_131 : f32 to vector<16xf32>
        %mul3A_136 = arith.mulf %get3A_134, %mul3A_135 : vector<16xf32>
        %swap3A_137 = arith.index_cast %add3A_129 : i32 to index
        %swap3A_138 = arith.constant 0 : index
        %swap3A_139 = tpu.vector_load %arg10[%swap3A_137, %swap3A_138] {strides = array<i32>} : memref<128x128xf32, #tpu.memory_space<vmem>>, vector<16xf32>,
        tpu.vector_store %arg10[%swap3A_137, %swap3A_138], %mul3A_136 {strides = array<i32>} : memref<128x128xf32, #tpu.memory_space<vmem>>, vector<16xf32>,
        %get3A_140 = arith.index_cast %add3A_129 : i32 to index
        %get3A_141 = arith.constant 16 : index
        %get3A_142 = tpu.vector_load %arg10[%get3A_140, %get3A_141] {strides = array<i32>} : memref<128x128xf32, #tpu.memory_space<vmem>>, vector<16xf32>,
        %mul3A_143 = vector.broadcast %squeeze3A_131 : f32 to vector<16xf32>
        %mul3A_144 = arith.mulf %get3A_142, %mul3A_143 : vector<16xf32>
        %swap3A_145 = arith.index_cast %add3A_129 : i32 to index
        %swap3A_146 = arith.constant 16 : index
        %swap3A_147 = tpu.vector_load %arg10[%swap3A_145, %swap3A_146] {strides = array<i32>} : memref<128x128xf32, #tpu.memory_space<vmem>>, vector<16xf32>,
        tpu.vector_store %arg10[%swap3A_145, %swap3A_146], %mul3A_144 {strides = array<i32>} : memref<128x128xf32, #tpu.memory_space<vmem>>, vector<16xf32>,
        %get3A_148 = arith.index_cast %add3A_129 : i32 to index
        %get3A_149 = arith.constant 32 : index
        %get3A_150 = tpu.vector_load %arg10[%get3A_148, %get3A_149] {strides = array<i32>} : memref<128x128xf32, #tpu.memory_space<vmem>>, vector<16xf32>,
        %mul3A_151 = vector.broadcast %squeeze3A_131 : f32 to vector<16xf32>
        %mul3A_152 = arith.mulf %get3A_150, %mul3A_151 : vector<16xf32>
        %swap3A_153 = arith.index_cast %add3A_129 : i32 to index
        %swap3A_154 = arith.constant 32 : index
        %swap3A_155 = tpu.vector_load %arg10[%swap3A_153, %swap3A_154] {strides = array<i32>} : memref<128x128xf32, #tpu.memory_space<vmem>>, vector<16xf32>,
        tpu.vector_store %arg10[%swap3A_153, %swap3A_154], %mul3A_152 {strides = array<i32>} : memref<128x128xf32, #tpu.memory_space<vmem>>, vector<16xf32>,
        %get3A_156 = arith.index_cast %add3A_129 : i32 to index
        %get3A_157 = arith.constant 48 : index
        %get3A_158 = tpu.vector_load %arg10[%get3A_156, %get3A_157] {strides = array<i32>} : memref<128x128xf32, #tpu.memory_space<vmem>>, vector<16xf32>,
        %mul3A_159 = vector.broadcast %squeeze3A_131 : f32 to vector<16xf32>
        %mul3A_160 = arith.mulf %get3A_158, %mul3A_159 : vector<16xf32>
        %swap3A_161 = arith.index_cast %add3A_129 : i32 to index
        %swap3A_162 = arith.constant 48 : index
        %swap3A_163 = tpu.vector_load %arg10[%swap3A_161, %swap3A_162] {strides = array<i32>} : memref<128x128xf32, #tpu.memory_space<vmem>>, vector<16xf32>,
        tpu.vector_store %arg10[%swap3A_161, %swap3A_162], %mul3A_160 {strides = array<i32>} : memref<128x128xf32, #tpu.memory_space<vmem>>, vector<16xf32>,
        %get3A_164 = arith.index_cast %add3A_129 : i32 to index
        %get3A_165 = arith.constant 64 : index
        %get3A_166 = tpu.vector_load %arg10[%get3A_164, %get3A_165] {strides = array<i32>} : memref<128x128xf32, #tpu.memory_space<vmem>>, vector<16xf32>,
        %mul3A_167 = vector.broadcast %squeeze3A_131 : f32 to vector<16xf32>
        %mul3A_168 = arith.mulf %get3A_166, %mul3A_167 : vector<16xf32>
        %swap3A_169 = arith.index_cast %add3A_129 : i32 to index
        %swap3A_170 = arith.constant 64 : index
        %swap3A_171 = tpu.vector_load %arg10[%swap3A_169, %swap3A_170] {strides = array<i32>} : memref<128x128xf32, #tpu.memory_space<vmem>>, vector<16xf32>,
        tpu.vector_store %arg10[%swap3A_169, %swap3A_170], %mul3A_168 {strides = array<i32>} : memref<128x128xf32, #tpu.memory_space<vmem>>, vector<16xf32>,
        %get3A_172 = arith.index_cast %add3A_129 : i32 to index
        %get3A_173 = arith.constant 80 : index
        %get3A_174 = tpu.vector_load %arg10[%get3A_172, %get3A_173] {strides = array<i32>} : memref<128x128xf32, #tpu.memory_space<vmem>>, vector<16xf32>,
        %mul3A_175 = vector.broadcast %squeeze3A_131 : f32 to vector<16xf32>
        %mul3A_176 = arith.mulf %get3A_174, %mul3A_175 : vector<16xf32>
        %swap3A_177 = arith.index_cast %add3A_129 : i32 to index
        %swap3A_178 = arith.constant 80 : index
        %swap3A_179 = tpu.vector_load %arg10[%swap3A_177, %swap3A_178] {strides = array<i32>} : memref<128x128xf32, #tpu.memory_space<vmem>>, vector<16xf32>,
        tpu.vector_store %arg10[%swap3A_177, %swap3A_178], %mul3A_176 {strides = array<i32>} : memref<128x128xf32, #tpu.memory_space<vmem>>, vector<16xf32>,
        %get3A_180 = arith.index_cast %add3A_129 : i32 to index
        %get3A_181 = arith.constant 96 : index
        %get3A_182 = tpu.vector_load %arg10[%get3A_180, %get3A_181] {strides = array<i32>} : memref<128x128xf32, #tpu.memory_space<vmem>>, vector<16xf32>,
        %mul3A_183 = vector.broadcast %squeeze3A_131 : f32 to vector<16xf32>
        %mul3A_184 = arith.mulf %get3A_182, %mul3A_183 : vector<16xf32>
        %swap3A_185 = arith.index_cast %add3A_129 : i32 to index
        %swap3A_186 = arith.constant 96 : index
        %swap3A_187 = tpu.vector_load %arg10[%swap3A_185, %swap3A_186] {strides = array<i32>} : memref<128x128xf32, #tpu.memory_space<vmem>>, vector<16xf32>,
        tpu.vector_store %arg10[%swap3A_185, %swap3A_186], %mul3A_184 {strides = array<i32>} : memref<128x128xf32, #tpu.memory_space<vmem>>, vector<16xf32>,
        %get3A_188 = arith.index_cast %add3A_129 : i32 to index
        %get3A_189 = arith.constant 112 : index
        %get3A_190 = tpu.vector_load %arg10[%get3A_188, %get3A_189] {strides = array<i32>} : memref<128x128xf32, #tpu.memory_space<vmem>>, vector<16xf32>,
        %mul3A_191 = vector.broadcast %squeeze3A_131 : f32 to vector<16xf32>
        %mul3A_192 = arith.mulf %get3A_190, %mul3A_191 : vector<16xf32>
        %swap3A_193 = arith.index_cast %add3A_129 : i32 to index
        %swap3A_194 = arith.constant 112 : index
        %swap3A_195 = tpu.vector_load %arg10[%swap3A_193, %swap3A_194] {strides = array<i32>} : memref<128x128xf32, #tpu.memory_space<vmem>>, vector<16xf32>,
        tpu.vector_store %arg10[%swap3A_193, %swap3A_194], %mul3A_192 {strides = array<i32>} : memref<128x128xf32, #tpu.memory_space<vmem>>, vector<16xf32>,
        %mul3A_196 = arith.constant 16 : i32
        %mul3A_197 = arith.muli %scan3A_54, %mul3A_196 : i32
        %add3A_198 = arith.constant 2 : i32
        %add3A_199 = arith.addi %mul3A_197, %add3A_198 : i32
        %slice3A_200 = vector.extract_strided_slice %get3A_58 {offsets = [2], sizes = [1], strides = [1]} : vector<16xf32> to vector<1xf32>
        %squeeze3A_201 = vector.extract %slice3A_200[0] : f32 from vector<1xf32>
        %get3A_202 = arith.index_cast %add3A_199 : i32 to index
        %get3A_203 = arith.constant 0 : index
        %get3A_204 = tpu.vector_load %arg10[%get3A_202, %get3A_203] {strides = array<i32>} : memref<128x128xf32, #tpu.memory_space<vmem>>, vector<16xf32>,
        %mul3A_205 = vector.broadcast %squeeze3A_201 : f32 to vector<16xf32>
        %mul3A_206 = arith.mulf %get3A_204, %mul3A_205 : vector<16xf32>
        %swap3A_207 = arith.index_cast %add3A_199 : i32 to index
        %swap3A_208 = arith.constant 0 : index
        %swap3A_209 = tpu.vector_load %arg10[%swap3A_207, %swap3A_208] {strides = array<i32>} : memref<128x128xf32, #tpu.memory_space<vmem>>, vector<16xf32>,
        tpu.vector_store %arg10[%swap3A_207, %swap3A_208], %mul3A_206 {strides = array<i32>} : memref<128x128xf32, #tpu.memory_space<vmem>>, vector<16xf32>,
        %get3A_210 = arith.index_cast %add3A_199 : i32 to index
        %get3A_211 = arith.constant 16 : index
        %get3A_212 = tpu.vector_load %arg10[%get3A_210, %get3A_211] {strides = array<i32>} : memref<128x128xf32, #tpu.memory_space<vmem>>, vector<16xf32>,
        %mul3A_213 = vector.broadcast %squeeze3A_201 : f32 to vector<16xf32>
        %mul3A_214 = arith.mulf %get3A_212, %mul3A_213 : vector<16xf32>
        %swap3A_215 = arith.index_cast %add3A_199 : i32 to index
        %swap3A_216 = arith.constant 16 : index
        %swap3A_217 = tpu.vector_load %arg10[%swap3A_215, %swap3A_216] {strides = array<i32>} : memref<128x128xf32, #tpu.memory_space<vmem>>, vector<16xf32>,
        tpu.vector_store %arg10[%swap3A_215, %swap3A_216], %mul3A_214 {strides = array<i32>} : memref<128x128xf32, #tpu.memory_space<vmem>>, vector<16xf32>,
        %get3A_218 = arith.index_cast %add3A_199 : i32 to index
        %get3A_219 = arith.constant 32 : index
        %get3A_220 = tpu.vector_load %arg10[%get3A_218, %get3A_219] {strides = array<i32>} : memref<128x128xf32, #tpu.memory_space<vmem>>, vector<16xf32>,
        %mul3A_221 = vector.broadcast %squeeze3A_201 : f32 to vector<16xf32>
        %mul3A_222 = arith.mulf %get3A_220, %mul3A_221 : vector<16xf32>
        %swap3A_223 = arith.index_cast %add3A_199 : i32 to index
        %swap3A_224 = arith.constant 32 : index
        %swap3A_225 = tpu.vector_load %arg10[%swap3A_223, %swap3A_224] {strides = array<i32>} : memref<128x128xf32, #tpu.memory_space<vmem>>, vector<16xf32>,
        tpu.vector_store %arg10[%swap3A_223, %swap3A_224], %mul3A_222 {strides = array<i32>} : memref<128x128xf32, #tpu.memory_space<vmem>>, vector<16xf32>,
        %get3A_226 = arith.index_cast %add3A_199 : i32 to index
        %get3A_227 = arith.constant 48 : index
        %get3A_228 = tpu.vector_load %arg10[%get3A_226, %get3A_227] {strides = array<i32>} : memref<128x128xf32, #tpu.memory_space<vmem>>, vector<16xf32>,
        %mul3A_229 = vector.broadcast %squeeze3A_201 : f32 to vector<16xf32>
        %mul3A_230 = arith.mulf %get3A_228, %mul3A_229 : vector<16xf32>
        %swap3A_231 = arith.index_cast %add3A_199 : i32 to index
        %swap3A_232 = arith.constant 48 : index
        %swap3A_233 = tpu.vector_load %arg10[%swap3A_231, %swap3A_232] {strides = array<i32>} : memref<128x128xf32, #tpu.memory_space<vmem>>, vector<16xf32>,
        tpu.vector_store %arg10[%swap3A_231, %swap3A_232], %mul3A_230 {strides = array<i32>} : memref<128x128xf32, #tpu.memory_space<vmem>>, vector<16xf32>,
        %get3A_234 = arith.index_cast %add3A_199 : i32 to index
        %get3A_235 = arith.constant 64 : index
        %get3A_236 = tpu.vector_load %arg10[%get3A_234, %get3A_235] {strides = array<i32>} : memref<128x128xf32, #tpu.memory_space<vmem>>, vector<16xf32>,
        %mul3A_237 = vector.broadcast %squeeze3A_201 : f32 to vector<16xf32>
        %mul3A_238 = arith.mulf %get3A_236, %mul3A_237 : vector<16xf32>
        %swap3A_239 = arith.index_cast %add3A_199 : i32 to index
        %swap3A_240 = arith.constant 64 : index
        %swap3A_241 = tpu.vector_load %arg10[%swap3A_239, %swap3A_240] {strides = array<i32>} : memref<128x128xf32, #tpu.memory_space<vmem>>, vector<16xf32>,
        tpu.vector_store %arg10[%swap3A_239, %swap3A_240], %mul3A_238 {strides = array<i32>} : memref<128x128xf32, #tpu.memory_space<vmem>>, vector<16xf32>,
        %get3A_242 = arith.index_cast %add3A_199 : i32 to index
        %get3A_243 = arith.constant 80 : index
        %get3A_244 = tpu.vector_load %arg10[%get3A_242, %get3A_243] {strides = array<i32>} : memref<128x128xf32, #tpu.memory_space<vmem>>, vector<16xf32>,
        %mul3A_245 = vector.broadcast %squeeze3A_201 : f32 to vector<16xf32>
        %mul3A_246 = arith.mulf %get3A_244, %mul3A_245 : vector<16xf32>
        %swap3A_247 = arith.index_cast %add3A_199 : i32 to index
        %swap3A_248 = arith.constant 80 : index
        %swap3A_249 = tpu.vector_load %arg10[%swap3A_247, %swap3A_248] {strides = array<i32>} : memref<128x128xf32, #tpu.memory_space<vmem>>, vector<16xf32>,
        tpu.vector_store %arg10[%swap3A_247, %swap3A_248], %mul3A_246 {strides = array<i32>} : memref<128x128xf32, #tpu.memory_space<vmem>>, vector<16xf32>,
        %get3A_250 = arith.index_cast %add3A_199 : i32 to index
        %get3A_251 = arith.constant 96 : index
        %get3A_252 = tpu.vector_load %arg10[%get3A_250, %get3A_251] {strides = array<i32>} : memref<128x128xf32, #tpu.memory_space<vmem>>, vector<16xf32>,
        %mul3A_253 = vector.broadcast %squeeze3A_201 : f32 to vector<16xf32>
        %mul3A_254 = arith.mulf %get3A_252, %mul3A_253 : vector<16xf32>
        %swap3A_255 = arith.index_cast %add3A_199 : i32 to index
        %swap3A_256 = arith.constant 96 : index
        %swap3A_257 = tpu.vector_load %arg10[%swap3A_255, %swap3A_256] {strides = array<i32>} : memref<128x128xf32, #tpu.memory_space<vmem>>, vector<16xf32>,
        tpu.vector_store %arg10[%swap3A_255, %swap3A_256], %mul3A_254 {strides = array<i32>} : memref<128x128xf32, #tpu.memory_space<vmem>>, vector<16xf32>,
        %get3A_258 = arith.index_cast %add3A_199 : i32 to index
        %get3A_259 = arith.constant 112 : index
        %get3A_260 = tpu.vector_load %arg10[%get3A_258, %get3A_259] {strides = array<i32>} : memref<128x128xf32, #tpu.memory_space<vmem>>, vector<16xf32>,
        %mul3A_261 = vector.broadcast %squeeze3A_201 : f32 to vector<16xf32>
        %mul3A_262 = arith.mulf %get3A_260, %mul3A_261 : vector<16xf32>
        %swap3A_263 = arith.index_cast %add3A_199 : i32 to index
        %swap3A_264 = arith.constant 112 : index
        %swap3A_265 = tpu.vector_load %arg10[%swap3A_263, %swap3A_264] {strides = array<i32>} : memref<128x128xf32, #tpu.memory_space<vmem>>, vector<16xf32>,
        tpu.vector_store %arg10[%swap3A_263, %swap3A_264], %mul3A_262 {strides = array<i32>} : memref<128x128xf32, #tpu.memory_space<vmem>>, vector<16xf32>,
        %mul3A_266 = arith.constant 16 : i32
        %mul3A_267 = arith.muli %scan3A_54, %mul3A_266 : i32
        %add3A_268 = arith.constant 3 : i32
        %add3A_269 = arith.addi %mul3A_267, %add3A_268 : i32
        %slice3A_270 = vector.extract_strided_slice %get3A_58 {offsets = [3], sizes = [1], strides = [1]} : vector<16xf32> to vector<1xf32>
        %squeeze3A_271 = vector.extract %slice3A_270[0] : f32 from vector<1xf32>
        %get3A_272 = arith.index_cast %add3A_269 : i32 to index
        %get3A_273 = arith.constant 0 : index
        %get3A_274 = tpu.vector_load %arg10[%get3A_272, %get3A_273] {strides = array<i32>} : memref<128x128xf32, #tpu.memory_space<vmem>>, vector<16xf32>,
        %mul3A_275 = vector.broadcast %squeeze3A_271 : f32 to vector<16xf32>
        %mul3A_276 = arith.mulf %get3A_274, %mul3A_275 : vector<16xf32>
        %swap3A_277 = arith.index_cast %add3A_269 : i32 to index
        %swap3A_278 = arith.constant 0 : index
        %swap3A_279 = tpu.vector_load %arg10[%swap3A_277, %swap3A_278] {strides = array<i32>} : memref<128x128xf32, #tpu.memory_space<vmem>>, vector<16xf32>,
        tpu.vector_store %arg10[%swap3A_277, %swap3A_278], %mul3A_276 {strides = array<i32>} : memref<128x128xf32, #tpu.memory_space<vmem>>, vector<16xf32>,
        %get3A_280 = arith.index_cast %add3A_269 : i32 to index
        %get3A_281 = arith.constant 16 : index
        %get3A_282 = tpu.vector_load %arg10[%get3A_280, %get3A_281] {strides = array<i32>} : memref<128x128xf32, #tpu.memory_space<vmem>>, vector<16xf32>,
        %mul3A_283 = vector.broadcast %squeeze3A_271 : f32 to vector<16xf32>
        %mul3A_284 = arith.mulf %get3A_282, %mul3A_283 : vector<16xf32>
        %swap3A_285 = arith.index_cast %add3A_269 : i32 to index
        %swap3A_286 = arith.constant 16 : index
        %swap3A_287 = tpu.vector_load %arg10[%swap3A_285, %swap3A_286] {strides = array<i32>} : memref<128x128xf32, #tpu.memory_space<vmem>>, vector<16xf32>,
        tpu.vector_store %arg10[%swap3A_285, %swap3A_286], %mul3A_284 {strides = array<i32>} : memref<128x128xf32, #tpu.memory_space<vmem>>, vector<16xf32>,
        %get3A_288 = arith.index_cast %add3A_269 : i32 to index
        %get3A_289 = arith.constant 32 : index
        %get3A_290 = tpu.vector_load %arg10[%get3A_288, %get3A_289] {strides = array<i32>} : memref<128x128xf32, #tpu.memory_space<vmem>>, vector<16xf32>,
        %mul3A_291 = vector.broadcast %squeeze3A_271 : f32 to vector<16xf32>
        %mul3A_292 = arith.mulf %get3A_290, %mul3A_291 : vector<16xf32>
        %swap3A_293 = arith.index_cast %add3A_269 : i32 to index
        %swap3A_294 = arith.constant 32 : index
        %swap3A_295 = tpu.vector_load %arg10[%swap3A_293, %swap3A_294] {strides = array<i32>} : memref<128x128xf32, #tpu.memory_space<vmem>>, vector<16xf32>,
        tpu.vector_store %arg10[%swap3A_293, %swap3A_294], %mul3A_292 {strides = array<i32>} : memref<128x128xf32, #tpu.memory_space<vmem>>, vector<16xf32>,
        %get3A_296 = arith.index_cast %add3A_269 : i32 to index
        %get3A_297 = arith.constant 48 : index
        %get3A_298 = tpu.vector_load %arg10[%get3A_296, %get3A_297] {strides = array<i32>} : memref<128x128xf32, #tpu.memory_space<vmem>>, vector<16xf32>,
        %mul3A_299 = vector.broadcast %squeeze3A_271 : f32 to vector<16xf32>
        %mul3A_300 = arith.mulf %get3A_298, %mul3A_299 : vector<16xf32>
        %swap3A_301 = arith.index_cast %add3A_269 : i32 to index
        %swap3A_302 = arith.constant 48 : index
        %swap3A_303 = tpu.vector_load %arg10[%swap3A_301, %swap3A_302] {strides = array<i32>} : memref<128x128xf32, #tpu.memory_space<vmem>>, vector<16xf32>,
        tpu.vector_store %arg10[%swap3A_301, %swap3A_302], %mul3A_300 {strides = array<i32>} : memref<128x128xf32, #tpu.memory_space<vmem>>, vector<16xf32>,
        %get3A_304 = arith.index_cast %add3A_269 : i32 to index
        %get3A_305 = arith.constant 64 : index
        %get3A_306 = tpu.vector_load %arg10[%get3A_304, %get3A_305] {strides = array<i32>} : memref<128x128xf32, #tpu.memory_space<vmem>>, vector<16xf32>,
        %mul3A_307 = vector.broadcast %squeeze3A_271 : f32 to vector<16xf32>
        %mul3A_308 = arith.mulf %get3A_306, %mul3A_307 : vector<16xf32>
        %swap3A_309 = arith.index_cast %add3A_269 : i32 to index
        %swap3A_310 = arith.constant 64 : index
        %swap3A_311 = tpu.vector_load %arg10[%swap3A_309, %swap3A_310] {strides = array<i32>} : memref<128x128xf32, #tpu.memory_space<vmem>>, vector<16xf32>,
        tpu.vector_store %arg10[%swap3A_309, %swap3A_310], %mul3A_308 {strides = array<i32>} : memref<128x128xf32, #tpu.memory_space<vmem>>, vector<16xf32>,
        %get3A_312 = arith.index_cast %add3A_269 : i32 to index
        %get3A_313 = arith.constant 80 : index
        %get3A_314 = tpu.vector_load %arg10[%get3A_312, %get3A_313] {strides = array<i32>} : memref<128x128xf32, #tpu.memory_space<vmem>>, vector<16xf32>,
        %mul3A_315 = vector.broadcast %squeeze3A_271 : f32 to vector<16xf32>
        %mul3A_316 = arith.mulf %get3A_314, %mul3A_315 : vector<16xf32>
        %swap3A_317 = arith.index_cast %add3A_269 : i32 to index
        %swap3A_318 = arith.constant 80 : index
        %swap3A_319 = tpu.vector_load %arg10[%swap3A_317, %swap3A_318] {strides = array<i32>} : memref<128x128xf32, #tpu.memory_space<vmem>>, vector<16xf32>,
        tpu.vector_store %arg10[%swap3A_317, %swap3A_318], %mul3A_316 {strides = array<i32>} : memref<128x128xf32, #tpu.memory_space<vmem>>, vector<16xf32>,
        %get3A_320 = arith.index_cast %add3A_269 : i32 to index
        %get3A_321 = arith.constant 96 : index
        %get3A_322 = tpu.vector_load %arg10[%get3A_320, %get3A_321] {strides = array<i32>} : memref<128x128xf32, #tpu.memory_space<vmem>>, vector<16xf32>,
        %mul3A_323 = vector.broadcast %squeeze3A_271 : f32 to vector<16xf32>
        %mul3A_324 = arith.mulf %get3A_322, %mul3A_323 : vector<16xf32>
        %swap3A_325 = arith.index_cast %add3A_269 : i32 to index
        %swap3A_326 = arith.constant 96 : index
        %swap3A_327 = tpu.vector_load %arg10[%swap3A_325, %swap3A_326] {strides = array<i32>} : memref<128x128xf32, #tpu.memory_space<vmem>>, vector<16xf32>,
        tpu.vector_store %arg10[%swap3A_325, %swap3A_326], %mul3A_324 {strides = array<i32>} : memref<128x128xf32, #tpu.memory_space<vmem>>, vector<16xf32>,
        %get3A_328 = arith.index_cast %add3A_269 : i32 to index
        %get3A_329 = arith.constant 112 : index
        %get3A_330 = tpu.vector_load %arg10[%get3A_328, %get3A_329] {strides = array<i32>} : memref<128x128xf32, #tpu.memory_space<vmem>>, vector<16xf32>,
        %mul3A_331 = vector.broadcast %squeeze3A_271 : f32 to vector<16xf32>
        %mul3A_332 = arith.mulf %get3A_330, %mul3A_331 : vector<16xf32>
        %swap3A_333 = arith.index_cast %add3A_269 : i32 to index
        %swap3A_334 = arith.constant 112 : index
        %swap3A_335 = tpu.vector_load %arg10[%swap3A_333, %swap3A_334] {strides = array<i32>} : memref<128x128xf32, #tpu.memory_space<vmem>>, vector<16xf32>,
        tpu.vector_store %arg10[%swap3A_333, %swap3A_334], %mul3A_332 {strides = array<i32>} : memref<128x128xf32, #tpu.memory_space<vmem>>, vector<16xf32>,
        %mul3A_336 = arith.constant 16 : i32
        %mul3A_337 = arith.muli %scan3A_54, %mul3A_336 : i32
        %add3A_338 = arith.constant 4 : i32
        %add3A_339 = arith.addi %mul3A_337, %add3A_338 : i32
        %slice3A_340 = vector.extract_strided_slice %get3A_58 {offsets = [4], sizes = [1], strides = [1]} : vector<16xf32> to vector<1xf32>
        %squeeze3A_341 = vector.extract %slice3A_340[0] : f32 from vector<1xf32>
        %get3A_342 = arith.index_cast %add3A_339 : i32 to index
        %get3A_343 = arith.constant 0 : index
        %get3A_344 = tpu.vector_load %arg10[%get3A_342, %get3A_343] {strides = array<i32>} : memref<128x128xf32, #tpu.memory_space<vmem>>, vector<16xf32>,
        %mul3A_345 = vector.broadcast %squeeze3A_341 : f32 to vector<16xf32>
        %mul3A_346 = arith.mulf %get3A_344, %mul3A_345 : vector<16xf32>
        %swap3A_347 = arith.index_cast %add3A_339 : i32 to index
        %swap3A_348 = arith.constant 0 : index
        %swap3A_349 = tpu.vector_load %arg10[%swap3A_347, %swap3A_348] {strides = array<i32>} : memref<128x128xf32, #tpu.memory_space<vmem>>, vector<16xf32>,
        tpu.vector_store %arg10[%swap3A_347, %swap3A_348], %mul3A_346 {strides = array<i32>} : memref<128x128xf32, #tpu.memory_space<vmem>>, vector<16xf32>,
        %get3A_350 = arith.index_cast %add3A_339 : i32 to index
        %get3A_351 = arith.constant 16 : index
        %get3A_352 = tpu.vector_load %arg10[%get3A_350, %get3A_351] {strides = array<i32>} : memref<128x128xf32, #tpu.memory_space<vmem>>, vector<16xf32>,
        %mul3A_353 = vector.broadcast %squeeze3A_341 : f32 to vector<16xf32>
        %mul3A_354 = arith.mulf %get3A_352, %mul3A_353 : vector<16xf32>
        %swap3A_355 = arith.index_cast %add3A_339 : i32 to index
        %swap3A_356 = arith.constant 16 : index
        %swap3A_357 = tpu.vector_load %arg10[%swap3A_355, %swap3A_356] {strides = array<i32>} : memref<128x128xf32, #tpu.memory_space<vmem>>, vector<16xf32>,
        tpu.vector_store %arg10[%swap3A_355, %swap3A_356], %mul3A_354 {strides = array<i32>} : memref<128x128xf32, #tpu.memory_space<vmem>>, vector<16xf32>,
        %get3A_358 = arith.index_cast %add3A_339 : i32 to index
        %get3A_359 = arith.constant 32 : index
        %get3A_360 = tpu.vector_load %arg10[%get3A_358, %get3A_359] {strides = array<i32>} : memref<128x128xf32, #tpu.memory_space<vmem>>, vector<16xf32>,
        %mul3A_361 = vector.broadcast %squeeze3A_341 : f32 to vector<16xf32>
        %mul3A_362 = arith.mulf %get3A_360, %mul3A_361 : vector<16xf32>
        %swap3A_363 = arith.index_cast %add3A_339 : i32 to index
        %swap3A_364 = arith.constant 32 : index
        %swap3A_365 = tpu.vector_load %arg10[%swap3A_363, %swap3A_364] {strides = array<i32>} : memref<128x128xf32, #tpu.memory_space<vmem>>, vector<16xf32>,
        tpu.vector_store %arg10[%swap3A_363, %swap3A_364], %mul3A_362 {strides = array<i32>} : memref<128x128xf32, #tpu.memory_space<vmem>>, vector<16xf32>,
        %get3A_366 = arith.index_cast %add3A_339 : i32 to index
        %get3A_367 = arith.constant 48 : index
        %get3A_368 = tpu.vector_load %arg10[%get3A_366, %get3A_367] {strides = array<i32>} : memref<128x128xf32, #tpu.memory_space<vmem>>, vector<16xf32>,
        %mul3A_369 = vector.broadcast %squeeze3A_341 : f32 to vector<16xf32>
        %mul3A_370 = arith.mulf %get3A_368, %mul3A_369 : vector<16xf32>
        %swap3A_371 = arith.index_cast %add3A_339 : i32 to index
        %swap3A_372 = arith.constant 48 : index
        %swap3A_373 = tpu.vector_load %arg10[%swap3A_371, %swap3A_372] {strides = array<i32>} : memref<128x128xf32, #tpu.memory_space<vmem>>, vector<16xf32>,
        tpu.vector_store %arg10[%swap3A_371, %swap3A_372], %mul3A_370 {strides = array<i32>} : memref<128x128xf32, #tpu.memory_space<vmem>>, vector<16xf32>,
        %get3A_374 = arith.index_cast %add3A_339 : i32 to index
        %get3A_375 = arith.constant 64 : index
        %get3A_376 = tpu.vector_load %arg10[%get3A_374, %get3A_375] {strides = array<i32>} : memref<128x128xf32, #tpu.memory_space<vmem>>, vector<16xf32>,
        %mul3A_377 = vector.broadcast %squeeze3A_341 : f32 to vector<16xf32>
        %mul3A_378 = arith.mulf %get3A_376, %mul3A_377 : vector<16xf32>
        %swap3A_379 = arith.index_cast %add3A_339 : i32 to index
        %swap3A_380 = arith.constant 64 : index
        %swap3A_381 = tpu.vector_load %arg10[%swap3A_379, %swap3A_380] {strides = array<i32>} : memref<128x128xf32, #tpu.memory_space<vmem>>, vector<16xf32>,
        tpu.vector_store %arg10[%swap3A_379, %swap3A_380], %mul3A_378 {strides = array<i32>} : memref<128x128xf32, #tpu.memory_space<vmem>>, vector<16xf32>,
        %get3A_382 = arith.index_cast %add3A_339 : i32 to index
        %get3A_383 = arith.constant 80 : index
        %get3A_384 = tpu.vector_load %arg10[%get3A_382, %get3A_383] {strides = array<i32>} : memref<128x128xf32, #tpu.memory_space<vmem>>, vector<16xf32>,
        %mul3A_385 = vector.broadcast %squeeze3A_341 : f32 to vector<16xf32>
        %mul3A_386 = arith.mulf %get3A_384, %mul3A_385 : vector<16xf32>
        %swap3A_387 = arith.index_cast %add3A_339 : i32 to index
        %swap3A_388 = arith.constant 80 : index
        %swap3A_389 = tpu.vector_load %arg10[%swap3A_387, %swap3A_388] {strides = array<i32>} : memref<128x128xf32, #tpu.memory_space<vmem>>, vector<16xf32>,
        tpu.vector_store %arg10[%swap3A_387, %swap3A_388], %mul3A_386 {strides = array<i32>} : memref<128x128xf32, #tpu.memory_space<vmem>>, vector<16xf32>,
        %get3A_390 = arith.index_cast %add3A_339 : i32 to index
        %get3A_391 = arith.constant 96 : index
        %get3A_392 = tpu.vector_load %arg10[%get3A_390, %get3A_391] {strides = array<i32>} : memref<128x128xf32, #tpu.memory_space<vmem>>, vector<16xf32>,
        %mul3A_393 = vector.broadcast %squeeze3A_341 : f32 to vector<16xf32>
        %mul3A_394 = arith.mulf %get3A_392, %mul3A_393 : vector<16xf32>
        %swap3A_395 = arith.index_cast %add3A_339 : i32 to index
        %swap3A_396 = arith.constant 96 : index
        %swap3A_397 = tpu.vector_load %arg10[%swap3A_395, %swap3A_396] {strides = array<i32>} : memref<128x128xf32, #tpu.memory_space<vmem>>, vector<16xf32>,
        tpu.vector_store %arg10[%swap3A_395, %swap3A_396], %mul3A_394 {strides = array<i32>} : memref<128x128xf32, #tpu.memory_space<vmem>>, vector<16xf32>,
        %get3A_398 = arith.index_cast %add3A_339 : i32 to index
        %get3A_399 = arith.constant 112 : index
        %get3A_400 = tpu.vector_load %arg10[%get3A_398, %get3A_399] {strides = array<i32>} : memref<128x128xf32, #tpu.memory_space<vmem>>, vector<16xf32>,
        %mul3A_401 = vector.broadcast %squeeze3A_341 : f32 to vector<16xf32>
        %mul3A_402 = arith.mulf %get3A_400, %mul3A_401 : vector<16xf32>
        %swap3A_403 = arith.index_cast %add3A_339 : i32 to index
        %swap3A_404 = arith.constant 112 : index
        %swap3A_405 = tpu.vector_load %arg10[%swap3A_403, %swap3A_404] {strides = array<i32>} : memref<128x128xf32, #tpu.memory_space<vmem>>, vector<16xf32>,
        tpu.vector_store %arg10[%swap3A_403, %swap3A_404], %mul3A_402 {strides = array<i32>} : memref<128x128xf32, #tpu.memory_space<vmem>>, vector<16xf32>,
        %mul3A_406 = arith.constant 16 : i32
        %mul3A_407 = arith.muli %scan3A_54, %mul3A_406 : i32
        %add3A_408 = arith.constant 5 : i32
        %add3A_409 = arith.addi %mul3A_407, %add3A_408 : i32
        %slice3A_410 = vector.extract_strided_slice %get3A_58 {offsets = [5], sizes = [1], strides = [1]} : vector<16xf32> to vector<1xf32>
        %squeeze3A_411 = vector.extract %slice3A_410[0] : f32 from vector<1xf32>
        %get3A_412 = arith.index_cast %add3A_409 : i32 to index
        %get3A_413 = arith.constant 0 : index
        %get3A_414 = tpu.vector_load %arg10[%get3A_412, %get3A_413] {strides = array<i32>} : memref<128x128xf32, #tpu.memory_space<vmem>>, vector<16xf32>,
        %mul3A_415 = vector.broadcast %squeeze3A_411 : f32 to vector<16xf32>
        %mul3A_416 = arith.mulf %get3A_414, %mul3A_415 : vector<16xf32>
        %swap3A_417 = arith.index_cast %add3A_409 : i32 to index
        %swap3A_418 = arith.constant 0 : index
        %swap3A_419 = tpu.vector_load %arg10[%swap3A_417, %swap3A_418] {strides = array<i32>} : memref<128x128xf32, #tpu.memory_space<vmem>>, vector<16xf32>,
        tpu.vector_store %arg10[%swap3A_417, %swap3A_418], %mul3A_416 {strides = array<i32>} : memref<128x128xf32, #tpu.memory_space<vmem>>, vector<16xf32>,
        %get3A_420 = arith.index_cast %add3A_409 : i32 to index
        %get3A_421 = arith.constant 16 : index
        %get3A_422 = tpu.vector_load %arg10[%get3A_420, %get3A_421] {strides = array<i32>} : memref<128x128xf32, #tpu.memory_space<vmem>>, vector<16xf32>,
        %mul3A_423 = vector.broadcast %squeeze3A_411 : f32 to vector<16xf32>
        %mul3A_424 = arith.mulf %get3A_422, %mul3A_423 : vector<16xf32>
        %swap3A_425 = arith.index_cast %add3A_409 : i32 to index
        %swap3A_426 = arith.constant 16 : index
        %swap3A_427 = tpu.vector_load %arg10[%swap3A_425, %swap3A_426] {strides = array<i32>} : memref<128x128xf32, #tpu.memory_space<vmem>>, vector<16xf32>,
        tpu.vector_store %arg10[%swap3A_425, %swap3A_426], %mul3A_424 {strides = array<i32>} : memref<128x128xf32, #tpu.memory_space<vmem>>, vector<16xf32>,
        %get3A_428 = arith.index_cast %add3A_409 : i32 to index
        %get3A_429 = arith.constant 32 : index
        %get3A_430 = tpu.vector_load %arg10[%get3A_428, %get3A_429] {strides = array<i32>} : memref<128x128xf32, #tpu.memory_space<vmem>>, vector<16xf32>,
        %mul3A_431 = vector.broadcast %squeeze3A_411 : f32 to vector<16xf32>
        %mul3A_432 = arith.mulf %get3A_430, %mul3A_431 : vector<16xf32>
        %swap3A_433 = arith.index_cast %add3A_409 : i32 to index
        %swap3A_434 = arith.constant 32 : index
        %swap3A_435 = tpu.vector_load %arg10[%swap3A_433, %swap3A_434] {strides = array<i32>} : memref<128x128xf32, #tpu.memory_space<vmem>>, vector<16xf32>,
        tpu.vector_store %arg10[%swap3A_433, %swap3A_434], %mul3A_432 {strides = array<i32>} : memref<128x128xf32, #tpu.memory_space<vmem>>, vector<16xf32>,
        %get3A_436 = arith.index_cast %add3A_409 : i32 to index
        %get3A_437 = arith.constant 48 : index
        %get3A_438 = tpu.vector_load %arg10[%get3A_436, %get3A_437] {strides = array<i32>} : memref<128x128xf32, #tpu.memory_space<vmem>>, vector<16xf32>,
        %mul3A_439 = vector.broadcast %squeeze3A_411 : f32 to vector<16xf32>
        %mul3A_440 = arith.mulf %get3A_438, %mul3A_439 : vector<16xf32>
        %swap3A_441 = arith.index_cast %add3A_409 : i32 to index
        %swap3A_442 = arith.constant 48 : index
        %swap3A_443 = tpu.vector_load %arg10[%swap3A_441, %swap3A_442] {strides = array<i32>} : memref<128x128xf32, #tpu.memory_space<vmem>>, vector<16xf32>,
        tpu.vector_store %arg10[%swap3A_441, %swap3A_442], %mul3A_440 {strides = array<i32>} : memref<128x128xf32, #tpu.memory_space<vmem>>, vector<16xf32>,
        %get3A_444 = arith.index_cast %add3A_409 : i32 to index
        %get3A_445 = arith.constant 64 : index
        %get3A_446 = tpu.vector_load %arg10[%get3A_444, %get3A_445] {strides = array<i32>} : memref<128x128xf32, #tpu.memory_space<vmem>>, vector<16xf32>,
        %mul3A_447 = vector.broadcast %squeeze3A_411 : f32 to vector<16xf32>
        %mul3A_448 = arith.mulf %get3A_446, %mul3A_447 : vector<16xf32>
        %swap3A_449 = arith.index_cast %add3A_409 : i32 to index
        %swap3A_450 = arith.constant 64 : index
        %swap3A_451 = tpu.vector_load %arg10[%swap3A_449, %swap3A_450] {strides = array<i32>} : memref<128x128xf32, #tpu.memory_space<vmem>>, vector<16xf32>,
        tpu.vector_store %arg10[%swap3A_449, %swap3A_450], %mul3A_448 {strides = array<i32>} : memref<128x128xf32, #tpu.memory_space<vmem>>, vector<16xf32>,
        %get3A_452 = arith.index_cast %add3A_409 : i32 to index
        %get3A_453 = arith.constant 80 : index
        %get3A_454 = tpu.vector_load %arg10[%get3A_452, %get3A_453] {strides = array<i32>} : memref<128x128xf32, #tpu.memory_space<vmem>>, vector<16xf32>,
        %mul3A_455 = vector.broadcast %squeeze3A_411 : f32 to vector<16xf32>
        %mul3A_456 = arith.mulf %get3A_454, %mul3A_455 : vector<16xf32>
        %swap3A_457 = arith.index_cast %add3A_409 : i32 to index
        %swap3A_458 = arith.constant 80 : index
        %swap3A_459 = tpu.vector_load %arg10[%swap3A_457, %swap3A_458] {strides = array<i32>} : memref<128x128xf32, #tpu.memory_space<vmem>>, vector<16xf32>,
        tpu.vector_store %arg10[%swap3A_457, %swap3A_458], %mul3A_456 {strides = array<i32>} : memref<128x128xf32, #tpu.memory_space<vmem>>, vector<16xf32>,
        %get3A_460 = arith.index_cast %add3A_409 : i32 to index
        %get3A_461 = arith.constant 96 : index
        %get3A_462 = tpu.vector_load %arg10[%get3A_460, %get3A_461] {strides = array<i32>} : memref<128x128xf32, #tpu.memory_space<vmem>>, vector<16xf32>,
        %mul3A_463 = vector.broadcast %squeeze3A_411 : f32 to vector<16xf32>
        %mul3A_464 = arith.mulf %get3A_462, %mul3A_463 : vector<16xf32>
        %swap3A_465 = arith.index_cast %add3A_409 : i32 to index
        %swap3A_466 = arith.constant 96 : index
        %swap3A_467 = tpu.vector_load %arg10[%swap3A_465, %swap3A_466] {strides = array<i32>} : memref<128x128xf32, #tpu.memory_space<vmem>>, vector<16xf32>,
        tpu.vector_store %arg10[%swap3A_465, %swap3A_466], %mul3A_464 {strides = array<i32>} : memref<128x128xf32, #tpu.memory_space<vmem>>, vector<16xf32>,
        %get3A_468 = arith.index_cast %add3A_409 : i32 to index
        %get3A_469 = arith.constant 112 : index
        %get3A_470 = tpu.vector_load %arg10[%get3A_468, %get3A_469] {strides = array<i32>} : memref<128x128xf32, #tpu.memory_space<vmem>>, vector<16xf32>,
        %mul3A_471 = vector.broadcast %squeeze3A_411 : f32 to vector<16xf32>
        %mul3A_472 = arith.mulf %get3A_470, %mul3A_471 : vector<16xf32>
        %swap3A_473 = arith.index_cast %add3A_409 : i32 to index
        %swap3A_474 = arith.constant 112 : index
        %swap3A_475 = tpu.vector_load %arg10[%swap3A_473, %swap3A_474] {strides = array<i32>} : memref<128x128xf32, #tpu.memory_space<vmem>>, vector<16xf32>,
        tpu.vector_store %arg10[%swap3A_473, %swap3A_474], %mul3A_472 {strides = array<i32>} : memref<128x128xf32, #tpu.memory_space<vmem>>, vector<16xf32>,
        %mul3A_476 = arith.constant 16 : i32
        %mul3A_477 = arith.muli %scan3A_54, %mul3A_476 : i32
        %add3A_478 = arith.constant 6 : i32
        %add3A_479 = arith.addi %mul3A_477, %add3A_478 : i32
        %slice3A_480 = vector.extract_strided_slice %get3A_58 {offsets = [6], sizes = [1], strides = [1]} : vector<16xf32> to vector<1xf32>
        %squeeze3A_481 = vector.extract %slice3A_480[0] : f32 from vector<1xf32>
        %get3A_482 = arith.index_cast %add3A_479 : i32 to index
        %get3A_483 = arith.constant 0 : index
        %get3A_484 = tpu.vector_load %arg10[%get3A_482, %get3A_483] {strides = array<i32>} : memref<128x128xf32, #tpu.memory_space<vmem>>, vector<16xf32>,
        %mul3A_485 = vector.broadcast %squeeze3A_481 : f32 to vector<16xf32>
        %mul3A_486 = arith.mulf %get3A_484, %mul3A_485 : vector<16xf32>
        %swap3A_487 = arith.index_cast %add3A_479 : i32 to index
        %swap3A_488 = arith.constant 0 : index
        %swap3A_489 = tpu.vector_load %arg10[%swap3A_487, %swap3A_488] {strides = array<i32>} : memref<128x128xf32, #tpu.memory_space<vmem>>, vector<16xf32>,
        tpu.vector_store %arg10[%swap3A_487, %swap3A_488], %mul3A_486 {strides = array<i32>} : memref<128x128xf32, #tpu.memory_space<vmem>>, vector<16xf32>,
        %get3A_490 = arith.index_cast %add3A_479 : i32 to index
        %get3A_491 = arith.constant 16 : index
        %get3A_492 = tpu.vector_load %arg10[%get3A_490, %get3A_491] {strides = array<i32>} : memref<128x128xf32, #tpu.memory_space<vmem>>, vector<16xf32>,
        %mul3A_493 = vector.broadcast %squeeze3A_481 : f32 to vector<16xf32>
        %mul3A_494 = arith.mulf %get3A_492, %mul3A_493 : vector<16xf32>
        %swap3A_495 = arith.index_cast %add3A_479 : i32 to index
        %swap3A_496 = arith.constant 16 : index
        %swap3A_497 = tpu.vector_load %arg10[%swap3A_495, %swap3A_496] {strides = array<i32>} : memref<128x128xf32, #tpu.memory_space<vmem>>, vector<16xf32>,
        tpu.vector_store %arg10[%swap3A_495, %swap3A_496], %mul3A_494 {strides = array<i32>} : memref<128x128xf32, #tpu.memory_space<vmem>>, vector<16xf32>,
        %get3A_498 = arith.index_cast %add3A_479 : i32 to index
        %get3A_499 = arith.constant 32 : index
        %get3A_500 = tpu.vector_load %arg10[%get3A_498, %get3A_499] {strides = array<i32>} : memref<128x128xf32, #tpu.memory_space<vmem>>, vector<16xf32>,
        %mul3A_501 = vector.broadcast %squeeze3A_481 : f32 to vector<16xf32>
        %mul3A_502 = arith.mulf %get3A_500, %mul3A_501 : vector<16xf32>
        %swap3A_503 = arith.index_cast %add3A_479 : i32 to index
        %swap3A_504 = arith.constant 32 : index
        %swap3A_505 = tpu.vector_load %arg10[%swap3A_503, %swap3A_504] {strides = array<i32>} : memref<128x128xf32, #tpu.memory_space<vmem>>, vector<16xf32>,
        tpu.vector_store %arg10[%swap3A_503, %swap3A_504], %mul3A_502 {strides = array<i32>} : memref<128x128xf32, #tpu.memory_space<vmem>>, vector<16xf32>,
        %get3A_506 = arith.index_cast %add3A_479 : i32 to index
        %get3A_507 = arith.constant 48 : index
        %get3A_508 = tpu.vector_load %arg10[%get3A_506, %get3A_507] {strides = array<i32>} : memref<128x128xf32, #tpu.memory_space<vmem>>, vector<16xf32>,
        %mul3A_509 = vector.broadcast %squeeze3A_481 : f32 to vector<16xf32>
        %mul3A_510 = arith.mulf %get3A_508, %mul3A_509 : vector<16xf32>
        %swap3A_511 = arith.index_cast %add3A_479 : i32 to index
        %swap3A_512 = arith.constant 48 : index
        %swap3A_513 = tpu.vector_load %arg10[%swap3A_511, %swap3A_512] {strides = array<i32>} : memref<128x128xf32, #tpu.memory_space<vmem>>, vector<16xf32>,
        tpu.vector_store %arg10[%swap3A_511, %swap3A_512], %mul3A_510 {strides = array<i32>} : memref<128x128xf32, #tpu.memory_space<vmem>>, vector<16xf32>,
        %get3A_514 = arith.index_cast %add3A_479 : i32 to index
        %get3A_515 = arith.constant 64 : index
        %get3A_516 = tpu.vector_load %arg10[%get3A_514, %get3A_515] {strides = array<i32>} : memref<128x128xf32, #tpu.memory_space<vmem>>, vector<16xf32>,
        %mul3A_517 = vector.broadcast %squeeze3A_481 : f32 to vector<16xf32>
        %mul3A_518 = arith.mulf %get3A_516, %mul3A_517 : vector<16xf32>
        %swap3A_519 = arith.index_cast %add3A_479 : i32 to index
        %swap3A_520 = arith.constant 64 : index
        %swap3A_521 = tpu.vector_load %arg10[%swap3A_519, %swap3A_520] {strides = array<i32>} : memref<128x128xf32, #tpu.memory_space<vmem>>, vector<16xf32>,
        tpu.vector_store %arg10[%swap3A_519, %swap3A_520], %mul3A_518 {strides = array<i32>} : memref<128x128xf32, #tpu.memory_space<vmem>>, vector<16xf32>,
        %get3A_522 = arith.index_cast %add3A_479 : i32 to index
        %get3A_523 = arith.constant 80 : index
        %get3A_524 = tpu.vector_load %arg10[%get3A_522, %get3A_523] {strides = array<i32>} : memref<128x128xf32, #tpu.memory_space<vmem>>, vector<16xf32>,
        %mul3A_525 = vector.broadcast %squeeze3A_481 : f32 to vector<16xf32>
        %mul3A_526 = arith.mulf %get3A_524, %mul3A_525 : vector<16xf32>
        %swap3A_527 = arith.index_cast %add3A_479 : i32 to index
        %swap3A_528 = arith.constant 80 : index
        %swap3A_529 = tpu.vector_load %arg10[%swap3A_527, %swap3A_528] {strides = array<i32>} : memref<128x128xf32, #tpu.memory_space<vmem>>, vector<16xf32>,
        tpu.vector_store %arg10[%swap3A_527, %swap3A_528], %mul3A_526 {strides = array<i32>} : memref<128x128xf32, #tpu.memory_space<vmem>>, vector<16xf32>,
        %get3A_530 = arith.index_cast %add3A_479 : i32 to index
        %get3A_531 = arith.constant 96 : index
        %get3A_532 = tpu.vector_load %arg10[%get3A_530, %get3A_531] {strides = array<i32>} : memref<128x128xf32, #tpu.memory_space<vmem>>, vector<16xf32>,
        %mul3A_533 = vector.broadcast %squeeze3A_481 : f32 to vector<16xf32>
        %mul3A_534 = arith.mulf %get3A_532, %mul3A_533 : vector<16xf32>
        %swap3A_535 = arith.index_cast %add3A_479 : i32 to index
        %swap3A_536 = arith.constant 96 : index
        %swap3A_537 = tpu.vector_load %arg10[%swap3A_535, %swap3A_536] {strides = array<i32>} : memref<128x128xf32, #tpu.memory_space<vmem>>, vector<16xf32>,
        tpu.vector_store %arg10[%swap3A_535, %swap3A_536], %mul3A_534 {strides = array<i32>} : memref<128x128xf32, #tpu.memory_space<vmem>>, vector<16xf32>,
        %get3A_538 = arith.index_cast %add3A_479 : i32 to index
        %get3A_539 = arith.constant 112 : index
        %get3A_540 = tpu.vector_load %arg10[%get3A_538, %get3A_539] {strides = array<i32>} : memref<128x128xf32, #tpu.memory_space<vmem>>, vector<16xf32>,
        %mul3A_541 = vector.broadcast %squeeze3A_481 : f32 to vector<16xf32>
        %mul3A_542 = arith.mulf %get3A_540, %mul3A_541 : vector<16xf32>
        %swap3A_543 = arith.index_cast %add3A_479 : i32 to index
        %swap3A_544 = arith.constant 112 : index
        %swap3A_545 = tpu.vector_load %arg10[%swap3A_543, %swap3A_544] {strides = array<i32>} : memref<128x128xf32, #tpu.memory_space<vmem>>, vector<16xf32>,
        tpu.vector_store %arg10[%swap3A_543, %swap3A_544], %mul3A_542 {strides = array<i32>} : memref<128x128xf32, #tpu.memory_space<vmem>>, vector<16xf32>,
        %mul3A_546 = arith.constant 16 : i32
        %mul3A_547 = arith.muli %scan3A_54, %mul3A_546 : i32
        %add3A_548 = arith.constant 7 : i32
        %add3A_549 = arith.addi %mul3A_547, %add3A_548 : i32
        %slice3A_550 = vector.extract_strided_slice %get3A_58 {offsets = [7], sizes = [1], strides = [1]} : vector<16xf32> to vector<1xf32>
        %squeeze3A_551 = vector.extract %slice3A_550[0] : f32 from vector<1xf32>
        %get3A_552 = arith.index_cast %add3A_549 : i32 to index
        %get3A_553 = arith.constant 0 : index
        %get3A_554 = tpu.vector_load %arg10[%get3A_552, %get3A_553] {strides = array<i32>} : memref<128x128xf32, #tpu.memory_space<vmem>>, vector<16xf32>,
        %mul3A_555 = vector.broadcast %squeeze3A_551 : f32 to vector<16xf32>
        %mul3A_556 = arith.mulf %get3A_554, %mul3A_555 : vector<16xf32>
        %swap3A_557 = arith.index_cast %add3A_549 : i32 to index
        %swap3A_558 = arith.constant 0 : index
        %swap3A_559 = tpu.vector_load %arg10[%swap3A_557, %swap3A_558] {strides = array<i32>} : memref<128x128xf32, #tpu.memory_space<vmem>>, vector<16xf32>,
        tpu.vector_store %arg10[%swap3A_557, %swap3A_558], %mul3A_556 {strides = array<i32>} : memref<128x128xf32, #tpu.memory_space<vmem>>, vector<16xf32>,
        %get3A_560 = arith.index_cast %add3A_549 : i32 to index
        %get3A_561 = arith.constant 16 : index
        %get3A_562 = tpu.vector_load %arg10[%get3A_560, %get3A_561] {strides = array<i32>} : memref<128x128xf32, #tpu.memory_space<vmem>>, vector<16xf32>,
        %mul3A_563 = vector.broadcast %squeeze3A_551 : f32 to vector<16xf32>
        %mul3A_564 = arith.mulf %get3A_562, %mul3A_563 : vector<16xf32>
        %swap3A_565 = arith.index_cast %add3A_549 : i32 to index
        %swap3A_566 = arith.constant 16 : index
        %swap3A_567 = tpu.vector_load %arg10[%swap3A_565, %swap3A_566] {strides = array<i32>} : memref<128x128xf32, #tpu.memory_space<vmem>>, vector<16xf32>,
        tpu.vector_store %arg10[%swap3A_565, %swap3A_566], %mul3A_564 {strides = array<i32>} : memref<128x128xf32, #tpu.memory_space<vmem>>, vector<16xf32>,
        %get3A_568 = arith.index_cast %add3A_549 : i32 to index
        %get3A_569 = arith.constant 32 : index
        %get3A_570 = tpu.vector_load %arg10[%get3A_568, %get3A_569] {strides = array<i32>} : memref<128x128xf32, #tpu.memory_space<vmem>>, vector<16xf32>,
        %mul3A_571 = vector.broadcast %squeeze3A_551 : f32 to vector<16xf32>
        %mul3A_572 = arith.mulf %get3A_570, %mul3A_571 : vector<16xf32>
        %swap3A_573 = arith.index_cast %add3A_549 : i32 to index
        %swap3A_574 = arith.constant 32 : index
        %swap3A_575 = tpu.vector_load %arg10[%swap3A_573, %swap3A_574] {strides = array<i32>} : memref<128x128xf32, #tpu.memory_space<vmem>>, vector<16xf32>,
        tpu.vector_store %arg10[%swap3A_573, %swap3A_574], %mul3A_572 {strides = array<i32>} : memref<128x128xf32, #tpu.memory_space<vmem>>, vector<16xf32>,
        %get3A_576 = arith.index_cast %add3A_549 : i32 to index
        %get3A_577 = arith.constant 48 : index
        %get3A_578 = tpu.vector_load %arg10[%get3A_576, %get3A_577] {strides = array<i32>} : memref<128x128xf32, #tpu.memory_space<vmem>>, vector<16xf32>,
        %mul3A_579 = vector.broadcast %squeeze3A_551 : f32 to vector<16xf32>
        %mul3A_580 = arith.mulf %get3A_578, %mul3A_579 : vector<16xf32>
        %swap3A_581 = arith.index_cast %add3A_549 : i32 to index
        %swap3A_582 = arith.constant 48 : index
        %swap3A_583 = tpu.vector_load %arg10[%swap3A_581, %swap3A_582] {strides = array<i32>} : memref<128x128xf32, #tpu.memory_space<vmem>>, vector<16xf32>,
        tpu.vector_store %arg10[%swap3A_581, %swap3A_582], %mul3A_580 {strides = array<i32>} : memref<128x128xf32, #tpu.memory_space<vmem>>, vector<16xf32>,
        %get3A_584 = arith.index_cast %add3A_549 : i32 to index
        %get3A_585 = arith.constant 64 : index
        %get3A_586 = tpu.vector_load %arg10[%get3A_584, %get3A_585] {strides = array<i32>} : memref<128x128xf32, #tpu.memory_space<vmem>>, vector<16xf32>,
        %mul3A_587 = vector.broadcast %squeeze3A_551 : f32 to vector<16xf32>
        %mul3A_588 = arith.mulf %get3A_586, %mul3A_587 : vector<16xf32>
        %swap3A_589 = arith.index_cast %add3A_549 : i32 to index
        %swap3A_590 = arith.constant 64 : index
        %swap3A_591 = tpu.vector_load %arg10[%swap3A_589, %swap3A_590] {strides = array<i32>} : memref<128x128xf32, #tpu.memory_space<vmem>>, vector<16xf32>,
        tpu.vector_store %arg10[%swap3A_589, %swap3A_590], %mul3A_588 {strides = array<i32>} : memref<128x128xf32, #tpu.memory_space<vmem>>, vector<16xf32>,
        %get3A_592 = arith.index_cast %add3A_549 : i32 to index
        %get3A_593 = arith.constant 80 : index
        %get3A_594 = tpu.vector_load %arg10[%get3A_592, %get3A_593] {strides = array<i32>} : memref<128x128xf32, #tpu.memory_space<vmem>>, vector<16xf32>,
        %mul3A_595 = vector.broadcast %squeeze3A_551 : f32 to vector<16xf32>
        %mul3A_596 = arith.mulf %get3A_594, %mul3A_595 : vector<16xf32>
        %swap3A_597 = arith.index_cast %add3A_549 : i32 to index
        %swap3A_598 = arith.constant 80 : index
        %swap3A_599 = tpu.vector_load %arg10[%swap3A_597, %swap3A_598] {strides = array<i32>} : memref<128x128xf32, #tpu.memory_space<vmem>>, vector<16xf32>,
        tpu.vector_store %arg10[%swap3A_597, %swap3A_598], %mul3A_596 {strides = array<i32>} : memref<128x128xf32, #tpu.memory_space<vmem>>, vector<16xf32>,
        %get3A_600 = arith.index_cast %add3A_549 : i32 to index
        %get3A_601 = arith.constant 96 : index
        %get3A_602 = tpu.vector_load %arg10[%get3A_600, %get3A_601] {strides = array<i32>} : memref<128x128xf32, #tpu.memory_space<vmem>>, vector<16xf32>,
        %mul3A_603 = vector.broadcast %squeeze3A_551 : f32 to vector<16xf32>
        %mul3A_604 = arith.mulf %get3A_602, %mul3A_603 : vector<16xf32>
        %swap3A_605 = arith.index_cast %add3A_549 : i32 to index
        %swap3A_606 = arith.constant 96 : index
        %swap3A_607 = tpu.vector_load %arg10[%swap3A_605, %swap3A_606] {strides = array<i32>} : memref<128x128xf32, #tpu.memory_space<vmem>>, vector<16xf32>,
        tpu.vector_store %arg10[%swap3A_605, %swap3A_606], %mul3A_604 {strides = array<i32>} : memref<128x128xf32, #tpu.memory_space<vmem>>, vector<16xf32>,
        %get3A_608 = arith.index_cast %add3A_549 : i32 to index
        %get3A_609 = arith.constant 112 : index
        %get3A_610 = tpu.vector_load %arg10[%get3A_608, %get3A_609] {strides = array<i32>} : memref<128x128xf32, #tpu.memory_space<vmem>>, vector<16xf32>,
        %mul3A_611 = vector.broadcast %squeeze3A_551 : f32 to vector<16xf32>
        %mul3A_612 = arith.mulf %get3A_610, %mul3A_611 : vector<16xf32>
        %swap3A_613 = arith.index_cast %add3A_549 : i32 to index
        %swap3A_614 = arith.constant 112 : index
        %swap3A_615 = tpu.vector_load %arg10[%swap3A_613, %swap3A_614] {strides = array<i32>} : memref<128x128xf32, #tpu.memory_space<vmem>>, vector<16xf32>,
        tpu.vector_store %arg10[%swap3A_613, %swap3A_614], %mul3A_612 {strides = array<i32>} : memref<128x128xf32, #tpu.memory_space<vmem>>, vector<16xf32>,
        %mul3A_616 = arith.constant 16 : i32
        %mul3A_617 = arith.muli %scan3A_54, %mul3A_616 : i32
        %add3A_618 = arith.constant 8 : i32
        %add3A_619 = arith.addi %mul3A_617, %add3A_618 : i32
        %slice3A_620 = vector.extract_strided_slice %get3A_58 {offsets = [8], sizes = [1], strides = [1]} : vector<16xf32> to vector<1xf32>
        %squeeze3A_621 = vector.extract %slice3A_620[0] : f32 from vector<1xf32>
        %get3A_622 = arith.index_cast %add3A_619 : i32 to index
        %get3A_623 = arith.constant 0 : index
        %get3A_624 = tpu.vector_load %arg10[%get3A_622, %get3A_623] {strides = array<i32>} : memref<128x128xf32, #tpu.memory_space<vmem>>, vector<16xf32>,
        %mul3A_625 = vector.broadcast %squeeze3A_621 : f32 to vector<16xf32>
        %mul3A_626 = arith.mulf %get3A_624, %mul3A_625 : vector<16xf32>
        %swap3A_627 = arith.index_cast %add3A_619 : i32 to index
        %swap3A_628 = arith.constant 0 : index
        %swap3A_629 = tpu.vector_load %arg10[%swap3A_627, %swap3A_628] {strides = array<i32>} : memref<128x128xf32, #tpu.memory_space<vmem>>, vector<16xf32>,
        tpu.vector_store %arg10[%swap3A_627, %swap3A_628], %mul3A_626 {strides = array<i32>} : memref<128x128xf32, #tpu.memory_space<vmem>>, vector<16xf32>,
        %get3A_630 = arith.index_cast %add3A_619 : i32 to index
        %get3A_631 = arith.constant 16 : index
        %get3A_632 = tpu.vector_load %arg10[%get3A_630, %get3A_631] {strides = array<i32>} : memref<128x128xf32, #tpu.memory_space<vmem>>, vector<16xf32>,
        %mul3A_633 = vector.broadcast %squeeze3A_621 : f32 to vector<16xf32>
        %mul3A_634 = arith.mulf %get3A_632, %mul3A_633 : vector<16xf32>
        %swap3A_635 = arith.index_cast %add3A_619 : i32 to index
        %swap3A_636 = arith.constant 16 : index
        %swap3A_637 = tpu.vector_load %arg10[%swap3A_635, %swap3A_636] {strides = array<i32>} : memref<128x128xf32, #tpu.memory_space<vmem>>, vector<16xf32>,
        tpu.vector_store %arg10[%swap3A_635, %swap3A_636], %mul3A_634 {strides = array<i32>} : memref<128x128xf32, #tpu.memory_space<vmem>>, vector<16xf32>,
        %get3A_638 = arith.index_cast %add3A_619 : i32 to index
        %get3A_639 = arith.constant 32 : index
        %get3A_640 = tpu.vector_load %arg10[%get3A_638, %get3A_639] {strides = array<i32>} : memref<128x128xf32, #tpu.memory_space<vmem>>, vector<16xf32>,
        %mul3A_641 = vector.broadcast %squeeze3A_621 : f32 to vector<16xf32>
        %mul3A_642 = arith.mulf %get3A_640, %mul3A_641 : vector<16xf32>
        %swap3A_643 = arith.index_cast %add3A_619 : i32 to index
        %swap3A_644 = arith.constant 32 : index
        %swap3A_645 = tpu.vector_load %arg10[%swap3A_643, %swap3A_644] {strides = array<i32>} : memref<128x128xf32, #tpu.memory_space<vmem>>, vector<16xf32>,
        tpu.vector_store %arg10[%swap3A_643, %swap3A_644], %mul3A_642 {strides = array<i32>} : memref<128x128xf32, #tpu.memory_space<vmem>>, vector<16xf32>,
        %get3A_646 = arith.index_cast %add3A_619 : i32 to index
        %get3A_647 = arith.constant 48 : index
        %get3A_648 = tpu.vector_load %arg10[%get3A_646, %get3A_647] {strides = array<i32>} : memref<128x128xf32, #tpu.memory_space<vmem>>, vector<16xf32>,
        %mul3A_649 = vector.broadcast %squeeze3A_621 : f32 to vector<16xf32>
        %mul3A_650 = arith.mulf %get3A_648, %mul3A_649 : vector<16xf32>
        %swap3A_651 = arith.index_cast %add3A_619 : i32 to index
        %swap3A_652 = arith.constant 48 : index
        %swap3A_653 = tpu.vector_load %arg10[%swap3A_651, %swap3A_652] {strides = array<i32>} : memref<128x128xf32, #tpu.memory_space<vmem>>, vector<16xf32>,
        tpu.vector_store %arg10[%swap3A_651, %swap3A_652], %mul3A_650 {strides = array<i32>} : memref<128x128xf32, #tpu.memory_space<vmem>>, vector<16xf32>,
        %get3A_654 = arith.index_cast %add3A_619 : i32 to index
        %get3A_655 = arith.constant 64 : index
        %get3A_656 = tpu.vector_load %arg10[%get3A_654, %get3A_655] {strides = array<i32>} : memref<128x128xf32, #tpu.memory_space<vmem>>, vector<16xf32>,
        %mul3A_657 = vector.broadcast %squeeze3A_621 : f32 to vector<16xf32>
        %mul3A_658 = arith.mulf %get3A_656, %mul3A_657 : vector<16xf32>
        %swap3A_659 = arith.index_cast %add3A_619 : i32 to index
        %swap3A_660 = arith.constant 64 : index
        %swap3A_661 = tpu.vector_load %arg10[%swap3A_659, %swap3A_660] {strides = array<i32>} : memref<128x128xf32, #tpu.memory_space<vmem>>, vector<16xf32>,
        tpu.vector_store %arg10[%swap3A_659, %swap3A_660], %mul3A_658 {strides = array<i32>} : memref<128x128xf32, #tpu.memory_space<vmem>>, vector<16xf32>,
        %get3A_662 = arith.index_cast %add3A_619 : i32 to index
        %get3A_663 = arith.constant 80 : index
        %get3A_664 = tpu.vector_load %arg10[%get3A_662, %get3A_663] {strides = array<i32>} : memref<128x128xf32, #tpu.memory_space<vmem>>, vector<16xf32>,
        %mul3A_665 = vector.broadcast %squeeze3A_621 : f32 to vector<16xf32>
        %mul3A_666 = arith.mulf %get3A_664, %mul3A_665 : vector<16xf32>
        %swap3A_667 = arith.index_cast %add3A_619 : i32 to index
        %swap3A_668 = arith.constant 80 : index
        %swap3A_669 = tpu.vector_load %arg10[%swap3A_667, %swap3A_668] {strides = array<i32>} : memref<128x128xf32, #tpu.memory_space<vmem>>, vector<16xf32>,
        tpu.vector_store %arg10[%swap3A_667, %swap3A_668], %mul3A_666 {strides = array<i32>} : memref<128x128xf32, #tpu.memory_space<vmem>>, vector<16xf32>,
        %get3A_670 = arith.index_cast %add3A_619 : i32 to index
        %get3A_671 = arith.constant 96 : index
        %get3A_672 = tpu.vector_load %arg10[%get3A_670, %get3A_671] {strides = array<i32>} : memref<128x128xf32, #tpu.memory_space<vmem>>, vector<16xf32>,
        %mul3A_673 = vector.broadcast %squeeze3A_621 : f32 to vector<16xf32>
        %mul3A_674 = arith.mulf %get3A_672, %mul3A_673 : vector<16xf32>
        %swap3A_675 = arith.index_cast %add3A_619 : i32 to index
        %swap3A_676 = arith.constant 96 : index
        %swap3A_677 = tpu.vector_load %arg10[%swap3A_675, %swap3A_676] {strides = array<i32>} : memref<128x128xf32, #tpu.memory_space<vmem>>, vector<16xf32>,
        tpu.vector_store %arg10[%swap3A_675, %swap3A_676], %mul3A_674 {strides = array<i32>} : memref<128x128xf32, #tpu.memory_space<vmem>>, vector<16xf32>,
        %get3A_678 = arith.index_cast %add3A_619 : i32 to index
        %get3A_679 = arith.constant 112 : index
        %get3A_680 = tpu.vector_load %arg10[%get3A_678, %get3A_679] {strides = array<i32>} : memref<128x128xf32, #tpu.memory_space<vmem>>, vector<16xf32>,
        %mul3A_681 = vector.broadcast %squeeze3A_621 : f32 to vector<16xf32>
        %mul3A_682 = arith.mulf %get3A_680, %mul3A_681 : vector<16xf32>
        %swap3A_683 = arith.index_cast %add3A_619 : i32 to index
        %swap3A_684 = arith.constant 112 : index
        %swap3A_685 = tpu.vector_load %arg10[%swap3A_683, %swap3A_684] {strides = array<i32>} : memref<128x128xf32, #tpu.memory_space<vmem>>, vector<16xf32>,
        tpu.vector_store %arg10[%swap3A_683, %swap3A_684], %mul3A_682 {strides = array<i32>} : memref<128x128xf32, #tpu.memory_space<vmem>>, vector<16xf32>,
        %mul3A_686 = arith.constant 16 : i32
        %mul3A_687 = arith.muli %scan3A_54, %mul3A_686 : i32
        %add3A_688 = arith.constant 9 : i32
        %add3A_689 = arith.addi %mul3A_687, %add3A_688 : i32
        %slice3A_690 = vector.extract_strided_slice %get3A_58 {offsets = [9], sizes = [1], strides = [1]} : vector<16xf32> to vector<1xf32>
        %squeeze3A_691 = vector.extract %slice3A_690[0] : f32 from vector<1xf32>
        %get3A_692 = arith.index_cast %add3A_689 : i32 to index
        %get3A_693 = arith.constant 0 : index
        %get3A_694 = tpu.vector_load %arg10[%get3A_692, %get3A_693] {strides = array<i32>} : memref<128x128xf32, #tpu.memory_space<vmem>>, vector<16xf32>,
        %mul3A_695 = vector.broadcast %squeeze3A_691 : f32 to vector<16xf32>
        %mul3A_696 = arith.mulf %get3A_694, %mul3A_695 : vector<16xf32>
        %swap3A_697 = arith.index_cast %add3A_689 : i32 to index
        %swap3A_698 = arith.constant 0 : index
        %swap3A_699 = tpu.vector_load %arg10[%swap3A_697, %swap3A_698] {strides = array<i32>} : memref<128x128xf32, #tpu.memory_space<vmem>>, vector<16xf32>,
        tpu.vector_store %arg10[%swap3A_697, %swap3A_698], %mul3A_696 {strides = array<i32>} : memref<128x128xf32, #tpu.memory_space<vmem>>, vector<16xf32>,
        %get3A_700 = arith.index_cast %add3A_689 : i32 to index
        %get3A_701 = arith.constant 16 : index
        %get3A_702 = tpu.vector_load %arg10[%get3A_700, %get3A_701] {strides = array<i32>} : memref<128x128xf32, #tpu.memory_space<vmem>>, vector<16xf32>,
        %mul3A_703 = vector.broadcast %squeeze3A_691 : f32 to vector<16xf32>
        %mul3A_704 = arith.mulf %get3A_702, %mul3A_703 : vector<16xf32>
        %swap3A_705 = arith.index_cast %add3A_689 : i32 to index
        %swap3A_706 = arith.constant 16 : index
        %swap3A_707 = tpu.vector_load %arg10[%swap3A_705, %swap3A_706] {strides = array<i32>} : memref<128x128xf32, #tpu.memory_space<vmem>>, vector<16xf32>,
        tpu.vector_store %arg10[%swap3A_705, %swap3A_706], %mul3A_704 {strides = array<i32>} : memref<128x128xf32, #tpu.memory_space<vmem>>, vector<16xf32>,
        %get3A_708 = arith.index_cast %add3A_689 : i32 to index
        %get3A_709 = arith.constant 32 : index
        %get3A_710 = tpu.vector_load %arg10[%get3A_708, %get3A_709] {strides = array<i32>} : memref<128x128xf32, #tpu.memory_space<vmem>>, vector<16xf32>,
        %mul3A_711 = vector.broadcast %squeeze3A_691 : f32 to vector<16xf32>
        %mul3A_712 = arith.mulf %get3A_710, %mul3A_711 : vector<16xf32>
        %swap3A_713 = arith.index_cast %add3A_689 : i32 to index
        %swap3A_714 = arith.constant 32 : index
        %swap3A_715 = tpu.vector_load %arg10[%swap3A_713, %swap3A_714] {strides = array<i32>} : memref<128x128xf32, #tpu.memory_space<vmem>>, vector<16xf32>,
        tpu.vector_store %arg10[%swap3A_713, %swap3A_714], %mul3A_712 {strides = array<i32>} : memref<128x128xf32, #tpu.memory_space<vmem>>, vector<16xf32>,
        %get3A_716 = arith.index_cast %add3A_689 : i32 to index
        %get3A_717 = arith.constant 48 : index
        %get3A_718 = tpu.vector_load %arg10[%get3A_716, %get3A_717] {strides = array<i32>} : memref<128x128xf32, #tpu.memory_space<vmem>>, vector<16xf32>,
        %mul3A_719 = vector.broadcast %squeeze3A_691 : f32 to vector<16xf32>
        %mul3A_720 = arith.mulf %get3A_718, %mul3A_719 : vector<16xf32>
        %swap3A_721 = arith.index_cast %add3A_689 : i32 to index
        %swap3A_722 = arith.constant 48 : index
        %swap3A_723 = tpu.vector_load %arg10[%swap3A_721, %swap3A_722] {strides = array<i32>} : memref<128x128xf32, #tpu.memory_space<vmem>>, vector<16xf32>,
        tpu.vector_store %arg10[%swap3A_721, %swap3A_722], %mul3A_720 {strides = array<i32>} : memref<128x128xf32, #tpu.memory_space<vmem>>, vector<16xf32>,
        %get3A_724 = arith.index_cast %add3A_689 : i32 to index
        %get3A_725 = arith.constant 64 : index
        %get3A_726 = tpu.vector_load %arg10[%get3A_724, %get3A_725] {strides = array<i32>} : memref<128x128xf32, #tpu.memory_space<vmem>>, vector<16xf32>,
        %mul3A_727 = vector.broadcast %squeeze3A_691 : f32 to vector<16xf32>
        %mul3A_728 = arith.mulf %get3A_726, %mul3A_727 : vector<16xf32>
        %swap3A_729 = arith.index_cast %add3A_689 : i32 to index
        %swap3A_730 = arith.constant 64 : index
        %swap3A_731 = tpu.vector_load %arg10[%swap3A_729, %swap3A_730] {strides = array<i32>} : memref<128x128xf32, #tpu.memory_space<vmem>>, vector<16xf32>,
        tpu.vector_store %arg10[%swap3A_729, %swap3A_730], %mul3A_728 {strides = array<i32>} : memref<128x128xf32, #tpu.memory_space<vmem>>, vector<16xf32>,
        %get3A_732 = arith.index_cast %add3A_689 : i32 to index
        %get3A_733 = arith.constant 80 : index
        %get3A_734 = tpu.vector_load %arg10[%get3A_732, %get3A_733] {strides = array<i32>} : memref<128x128xf32, #tpu.memory_space<vmem>>, vector<16xf32>,
        %mul3A_735 = vector.broadcast %squeeze3A_691 : f32 to vector<16xf32>
        %mul3A_736 = arith.mulf %get3A_734, %mul3A_735 : vector<16xf32>
        %swap3A_737 = arith.index_cast %add3A_689 : i32 to index
        %swap3A_738 = arith.constant 80 : index
        %swap3A_739 = tpu.vector_load %arg10[%swap3A_737, %swap3A_738] {strides = array<i32>} : memref<128x128xf32, #tpu.memory_space<vmem>>, vector<16xf32>,
        tpu.vector_store %arg10[%swap3A_737, %swap3A_738], %mul3A_736 {strides = array<i32>} : memref<128x128xf32, #tpu.memory_space<vmem>>, vector<16xf32>,
        %get3A_740 = arith.index_cast %add3A_689 : i32 to index
        %get3A_741 = arith.constant 96 : index
        %get3A_742 = tpu.vector_load %arg10[%get3A_740, %get3A_741] {strides = array<i32>} : memref<128x128xf32, #tpu.memory_space<vmem>>, vector<16xf32>,
        %mul3A_743 = vector.broadcast %squeeze3A_691 : f32 to vector<16xf32>
        %mul3A_744 = arith.mulf %get3A_742, %mul3A_743 : vector<16xf32>
        %swap3A_745 = arith.index_cast %add3A_689 : i32 to index
        %swap3A_746 = arith.constant 96 : index
        %swap3A_747 = tpu.vector_load %arg10[%swap3A_745, %swap3A_746] {strides = array<i32>} : memref<128x128xf32, #tpu.memory_space<vmem>>, vector<16xf32>,
        tpu.vector_store %arg10[%swap3A_745, %swap3A_746], %mul3A_744 {strides = array<i32>} : memref<128x128xf32, #tpu.memory_space<vmem>>, vector<16xf32>,
        %get3A_748 = arith.index_cast %add3A_689 : i32 to index
        %get3A_749 = arith.constant 112 : index
        %get3A_750 = tpu.vector_load %arg10[%get3A_748, %get3A_749] {strides = array<i32>} : memref<128x128xf32, #tpu.memory_space<vmem>>, vector<16xf32>,
        %mul3A_751 = vector.broadcast %squeeze3A_691 : f32 to vector<16xf32>
        %mul3A_752 = arith.mulf %get3A_750, %mul3A_751 : vector<16xf32>
        %swap3A_753 = arith.index_cast %add3A_689 : i32 to index
        %swap3A_754 = arith.constant 112 : index
        %swap3A_755 = tpu.vector_load %arg10[%swap3A_753, %swap3A_754] {strides = array<i32>} : memref<128x128xf32, #tpu.memory_space<vmem>>, vector<16xf32>,
        tpu.vector_store %arg10[%swap3A_753, %swap3A_754], %mul3A_752 {strides = array<i32>} : memref<128x128xf32, #tpu.memory_space<vmem>>, vector<16xf32>,
        %mul3A_756 = arith.constant 16 : i32
        %mul3A_757 = arith.muli %scan3A_54, %mul3A_756 : i32
        %add3A_758 = arith.constant 10 : i32
        %add3A_759 = arith.addi %mul3A_757, %add3A_758 : i32
        %slice3A_760 = vector.extract_strided_slice %get3A_58 {offsets = [10], sizes = [1], strides = [1]} : vector<16xf32> to vector<1xf32>
        %squeeze3A_761 = vector.extract %slice3A_760[0] : f32 from vector<1xf32>
        %get3A_762 = arith.index_cast %add3A_759 : i32 to index
        %get3A_763 = arith.constant 0 : index
        %get3A_764 = tpu.vector_load %arg10[%get3A_762, %get3A_763] {strides = array<i32>} : memref<128x128xf32, #tpu.memory_space<vmem>>, vector<16xf32>,
        %mul3A_765 = vector.broadcast %squeeze3A_761 : f32 to vector<16xf32>
        %mul3A_766 = arith.mulf %get3A_764, %mul3A_765 : vector<16xf32>
        %swap3A_767 = arith.index_cast %add3A_759 : i32 to index
        %swap3A_768 = arith.constant 0 : index
        %swap3A_769 = tpu.vector_load %arg10[%swap3A_767, %swap3A_768] {strides = array<i32>} : memref<128x128xf32, #tpu.memory_space<vmem>>, vector<16xf32>,
        tpu.vector_store %arg10[%swap3A_767, %swap3A_768], %mul3A_766 {strides = array<i32>} : memref<128x128xf32, #tpu.memory_space<vmem>>, vector<16xf32>,
        %get3A_770 = arith.index_cast %add3A_759 : i32 to index
        %get3A_771 = arith.constant 16 : index
        %get3A_772 = tpu.vector_load %arg10[%get3A_770, %get3A_771] {strides = array<i32>} : memref<128x128xf32, #tpu.memory_space<vmem>>, vector<16xf32>,
        %mul3A_773 = vector.broadcast %squeeze3A_761 : f32 to vector<16xf32>
        %mul3A_774 = arith.mulf %get3A_772, %mul3A_773 : vector<16xf32>
        %swap3A_775 = arith.index_cast %add3A_759 : i32 to index
        %swap3A_776 = arith.constant 16 : index
        %swap3A_777 = tpu.vector_load %arg10[%swap3A_775, %swap3A_776] {strides = array<i32>} : memref<128x128xf32, #tpu.memory_space<vmem>>, vector<16xf32>,
        tpu.vector_store %arg10[%swap3A_775, %swap3A_776], %mul3A_774 {strides = array<i32>} : memref<128x128xf32, #tpu.memory_space<vmem>>, vector<16xf32>,
        %get3A_778 = arith.index_cast %add3A_759 : i32 to index
        %get3A_779 = arith.constant 32 : index
        %get3A_780 = tpu.vector_load %arg10[%get3A_778, %get3A_779] {strides = array<i32>} : memref<128x128xf32, #tpu.memory_space<vmem>>, vector<16xf32>,
        %mul3A_781 = vector.broadcast %squeeze3A_761 : f32 to vector<16xf32>
        %mul3A_782 = arith.mulf %get3A_780, %mul3A_781 : vector<16xf32>
        %swap3A_783 = arith.index_cast %add3A_759 : i32 to index
        %swap3A_784 = arith.constant 32 : index
        %swap3A_785 = tpu.vector_load %arg10[%swap3A_783, %swap3A_784] {strides = array<i32>} : memref<128x128xf32, #tpu.memory_space<vmem>>, vector<16xf32>,
        tpu.vector_store %arg10[%swap3A_783, %swap3A_784], %mul3A_782 {strides = array<i32>} : memref<128x128xf32, #tpu.memory_space<vmem>>, vector<16xf32>,
        %get3A_786 = arith.index_cast %add3A_759 : i32 to index
        %get3A_787 = arith.constant 48 : index
        %get3A_788 = tpu.vector_load %arg10[%get3A_786, %get3A_787] {strides = array<i32>} : memref<128x128xf32, #tpu.memory_space<vmem>>, vector<16xf32>,
        %mul3A_789 = vector.broadcast %squeeze3A_761 : f32 to vector<16xf32>
        %mul3A_790 = arith.mulf %get3A_788, %mul3A_789 : vector<16xf32>
        %swap3A_791 = arith.index_cast %add3A_759 : i32 to index
        %swap3A_792 = arith.constant 48 : index
        %swap3A_793 = tpu.vector_load %arg10[%swap3A_791, %swap3A_792] {strides = array<i32>} : memref<128x128xf32, #tpu.memory_space<vmem>>, vector<16xf32>,
        tpu.vector_store %arg10[%swap3A_791, %swap3A_792], %mul3A_790 {strides = array<i32>} : memref<128x128xf32, #tpu.memory_space<vmem>>, vector<16xf32>,
        %get3A_794 = arith.index_cast %add3A_759 : i32 to index
        %get3A_795 = arith.constant 64 : index
        %get3A_796 = tpu.vector_load %arg10[%get3A_794, %get3A_795] {strides = array<i32>} : memref<128x128xf32, #tpu.memory_space<vmem>>, vector<16xf32>,
        %mul3A_797 = vector.broadcast %squeeze3A_761 : f32 to vector<16xf32>
        %mul3A_798 = arith.mulf %get3A_796, %mul3A_797 : vector<16xf32>
        %swap3A_799 = arith.index_cast %add3A_759 : i32 to index
        %swap3A_800 = arith.constant 64 : index
        %swap3A_801 = tpu.vector_load %arg10[%swap3A_799, %swap3A_800] {strides = array<i32>} : memref<128x128xf32, #tpu.memory_space<vmem>>, vector<16xf32>,
        tpu.vector_store %arg10[%swap3A_799, %swap3A_800], %mul3A_798 {strides = array<i32>} : memref<128x128xf32, #tpu.memory_space<vmem>>, vector<16xf32>,
        %get3A_802 = arith.index_cast %add3A_759 : i32 to index
        %get3A_803 = arith.constant 80 : index
        %get3A_804 = tpu.vector_load %arg10[%get3A_802, %get3A_803] {strides = array<i32>} : memref<128x128xf32, #tpu.memory_space<vmem>>, vector<16xf32>,
        %mul3A_805 = vector.broadcast %squeeze3A_761 : f32 to vector<16xf32>
        %mul3A_806 = arith.mulf %get3A_804, %mul3A_805 : vector<16xf32>
        %swap3A_807 = arith.index_cast %add3A_759 : i32 to index
        %swap3A_808 = arith.constant 80 : index
        %swap3A_809 = tpu.vector_load %arg10[%swap3A_807, %swap3A_808] {strides = array<i32>} : memref<128x128xf32, #tpu.memory_space<vmem>>, vector<16xf32>,
        tpu.vector_store %arg10[%swap3A_807, %swap3A_808], %mul3A_806 {strides = array<i32>} : memref<128x128xf32, #tpu.memory_space<vmem>>, vector<16xf32>,
        %get3A_810 = arith.index_cast %add3A_759 : i32 to index
        %get3A_811 = arith.constant 96 : index
        %get3A_812 = tpu.vector_load %arg10[%get3A_810, %get3A_811] {strides = array<i32>} : memref<128x128xf32, #tpu.memory_space<vmem>>, vector<16xf32>,
        %mul3A_813 = vector.broadcast %squeeze3A_761 : f32 to vector<16xf32>
        %mul3A_814 = arith.mulf %get3A_812, %mul3A_813 : vector<16xf32>
        %swap3A_815 = arith.index_cast %add3A_759 : i32 to index
        %swap3A_816 = arith.constant 96 : index
        %swap3A_817 = tpu.vector_load %arg10[%swap3A_815, %swap3A_816] {strides = array<i32>} : memref<128x128xf32, #tpu.memory_space<vmem>>, vector<16xf32>,
        tpu.vector_store %arg10[%swap3A_815, %swap3A_816], %mul3A_814 {strides = array<i32>} : memref<128x128xf32, #tpu.memory_space<vmem>>, vector<16xf32>,
        %get3A_818 = arith.index_cast %add3A_759 : i32 to index
        %get3A_819 = arith.constant 112 : index
        %get3A_820 = tpu.vector_load %arg10[%get3A_818, %get3A_819] {strides = array<i32>} : memref<128x128xf32, #tpu.memory_space<vmem>>, vector<16xf32>,
        %mul3A_821 = vector.broadcast %squeeze3A_761 : f32 to vector<16xf32>
        %mul3A_822 = arith.mulf %get3A_820, %mul3A_821 : vector<16xf32>
        %swap3A_823 = arith.index_cast %add3A_759 : i32 to index
        %swap3A_824 = arith.constant 112 : index
        %swap3A_825 = tpu.vector_load %arg10[%swap3A_823, %swap3A_824] {strides = array<i32>} : memref<128x128xf32, #tpu.memory_space<vmem>>, vector<16xf32>,
        tpu.vector_store %arg10[%swap3A_823, %swap3A_824], %mul3A_822 {strides = array<i32>} : memref<128x128xf32, #tpu.memory_space<vmem>>, vector<16xf32>,
        %mul3A_826 = arith.constant 16 : i32
        %mul3A_827 = arith.muli %scan3A_54, %mul3A_826 : i32
        %add3A_828 = arith.constant 11 : i32
        %add3A_829 = arith.addi %mul3A_827, %add3A_828 : i32
        %slice3A_830 = vector.extract_strided_slice %get3A_58 {offsets = [11], sizes = [1], strides = [1]} : vector<16xf32> to vector<1xf32>
        %squeeze3A_831 = vector.extract %slice3A_830[0] : f32 from vector<1xf32>
        %get3A_832 = arith.index_cast %add3A_829 : i32 to index
        %get3A_833 = arith.constant 0 : index
        %get3A_834 = tpu.vector_load %arg10[%get3A_832, %get3A_833] {strides = array<i32>} : memref<128x128xf32, #tpu.memory_space<vmem>>, vector<16xf32>,
        %mul3A_835 = vector.broadcast %squeeze3A_831 : f32 to vector<16xf32>
        %mul3A_836 = arith.mulf %get3A_834, %mul3A_835 : vector<16xf32>
        %swap3A_837 = arith.index_cast %add3A_829 : i32 to index
        %swap3A_838 = arith.constant 0 : index
        %swap3A_839 = tpu.vector_load %arg10[%swap3A_837, %swap3A_838] {strides = array<i32>} : memref<128x128xf32, #tpu.memory_space<vmem>>, vector<16xf32>,
        tpu.vector_store %arg10[%swap3A_837, %swap3A_838], %mul3A_836 {strides = array<i32>} : memref<128x128xf32, #tpu.memory_space<vmem>>, vector<16xf32>,
        %get3A_840 = arith.index_cast %add3A_829 : i32 to index
        %get3A_841 = arith.constant 16 : index
        %get3A_842 = tpu.vector_load %arg10[%get3A_840, %get3A_841] {strides = array<i32>} : memref<128x128xf32, #tpu.memory_space<vmem>>, vector<16xf32>,
        %mul3A_843 = vector.broadcast %squeeze3A_831 : f32 to vector<16xf32>
        %mul3A_844 = arith.mulf %get3A_842, %mul3A_843 : vector<16xf32>
        %swap3A_845 = arith.index_cast %add3A_829 : i32 to index
        %swap3A_846 = arith.constant 16 : index
        %swap3A_847 = tpu.vector_load %arg10[%swap3A_845, %swap3A_846] {strides = array<i32>} : memref<128x128xf32, #tpu.memory_space<vmem>>, vector<16xf32>,
        tpu.vector_store %arg10[%swap3A_845, %swap3A_846], %mul3A_844 {strides = array<i32>} : memref<128x128xf32, #tpu.memory_space<vmem>>, vector<16xf32>,
        %get3A_848 = arith.index_cast %add3A_829 : i32 to index
        %get3A_849 = arith.constant 32 : index
        %get3A_850 = tpu.vector_load %arg10[%get3A_848, %get3A_849] {strides = array<i32>} : memref<128x128xf32, #tpu.memory_space<vmem>>, vector<16xf32>,
        %mul3A_851 = vector.broadcast %squeeze3A_831 : f32 to vector<16xf32>
        %mul3A_852 = arith.mulf %get3A_850, %mul3A_851 : vector<16xf32>
        %swap3A_853 = arith.index_cast %add3A_829 : i32 to index
        %swap3A_854 = arith.constant 32 : index
        %swap3A_855 = tpu.vector_load %arg10[%swap3A_853, %swap3A_854] {strides = array<i32>} : memref<128x128xf32, #tpu.memory_space<vmem>>, vector<16xf32>,
        tpu.vector_store %arg10[%swap3A_853, %swap3A_854], %mul3A_852 {strides = array<i32>} : memref<128x128xf32, #tpu.memory_space<vmem>>, vector<16xf32>,
        %get3A_856 = arith.index_cast %add3A_829 : i32 to index
        %get3A_857 = arith.constant 48 : index
        %get3A_858 = tpu.vector_load %arg10[%get3A_856, %get3A_857] {strides = array<i32>} : memref<128x128xf32, #tpu.memory_space<vmem>>, vector<16xf32>,
        %mul3A_859 = vector.broadcast %squeeze3A_831 : f32 to vector<16xf32>
        %mul3A_860 = arith.mulf %get3A_858, %mul3A_859 : vector<16xf32>
        %swap3A_861 = arith.index_cast %add3A_829 : i32 to index
        %swap3A_862 = arith.constant 48 : index
        %swap3A_863 = tpu.vector_load %arg10[%swap3A_861, %swap3A_862] {strides = array<i32>} : memref<128x128xf32, #tpu.memory_space<vmem>>, vector<16xf32>,
        tpu.vector_store %arg10[%swap3A_861, %swap3A_862], %mul3A_860 {strides = array<i32>} : memref<128x128xf32, #tpu.memory_space<vmem>>, vector<16xf32>,
        %get3A_864 = arith.index_cast %add3A_829 : i32 to index
        %get3A_865 = arith.constant 64 : index
        %get3A_866 = tpu.vector_load %arg10[%get3A_864, %get3A_865] {strides = array<i32>} : memref<128x128xf32, #tpu.memory_space<vmem>>, vector<16xf32>,
        %mul3A_867 = vector.broadcast %squeeze3A_831 : f32 to vector<16xf32>
        %mul3A_868 = arith.mulf %get3A_866, %mul3A_867 : vector<16xf32>
        %swap3A_869 = arith.index_cast %add3A_829 : i32 to index
        %swap3A_870 = arith.constant 64 : index
        %swap3A_871 = tpu.vector_load %arg10[%swap3A_869, %swap3A_870] {strides = array<i32>} : memref<128x128xf32, #tpu.memory_space<vmem>>, vector<16xf32>,
        tpu.vector_store %arg10[%swap3A_869, %swap3A_870], %mul3A_868 {strides = array<i32>} : memref<128x128xf32, #tpu.memory_space<vmem>>, vector<16xf32>,
        %get3A_872 = arith.index_cast %add3A_829 : i32 to index
        %get3A_873 = arith.constant 80 : index
        %get3A_874 = tpu.vector_load %arg10[%get3A_872, %get3A_873] {strides = array<i32>} : memref<128x128xf32, #tpu.memory_space<vmem>>, vector<16xf32>,
        %mul3A_875 = vector.broadcast %squeeze3A_831 : f32 to vector<16xf32>
        %mul3A_876 = arith.mulf %get3A_874, %mul3A_875 : vector<16xf32>
        %swap3A_877 = arith.index_cast %add3A_829 : i32 to index
        %swap3A_878 = arith.constant 80 : index
        %swap3A_879 = tpu.vector_load %arg10[%swap3A_877, %swap3A_878] {strides = array<i32>} : memref<128x128xf32, #tpu.memory_space<vmem>>, vector<16xf32>,
        tpu.vector_store %arg10[%swap3A_877, %swap3A_878], %mul3A_876 {strides = array<i32>} : memref<128x128xf32, #tpu.memory_space<vmem>>, vector<16xf32>,
        %get3A_880 = arith.index_cast %add3A_829 : i32 to index
        %get3A_881 = arith.constant 96 : index
        %get3A_882 = tpu.vector_load %arg10[%get3A_880, %get3A_881] {strides = array<i32>} : memref<128x128xf32, #tpu.memory_space<vmem>>, vector<16xf32>,
        %mul3A_883 = vector.broadcast %squeeze3A_831 : f32 to vector<16xf32>
        %mul3A_884 = arith.mulf %get3A_882, %mul3A_883 : vector<16xf32>
        %swap3A_885 = arith.index_cast %add3A_829 : i32 to index
        %swap3A_886 = arith.constant 96 : index
        %swap3A_887 = tpu.vector_load %arg10[%swap3A_885, %swap3A_886] {strides = array<i32>} : memref<128x128xf32, #tpu.memory_space<vmem>>, vector<16xf32>,
        tpu.vector_store %arg10[%swap3A_885, %swap3A_886], %mul3A_884 {strides = array<i32>} : memref<128x128xf32, #tpu.memory_space<vmem>>, vector<16xf32>,
        %get3A_888 = arith.index_cast %add3A_829 : i32 to index
        %get3A_889 = arith.constant 112 : index
        %get3A_890 = tpu.vector_load %arg10[%get3A_888, %get3A_889] {strides = array<i32>} : memref<128x128xf32, #tpu.memory_space<vmem>>, vector<16xf32>,
        %mul3A_891 = vector.broadcast %squeeze3A_831 : f32 to vector<16xf32>
        %mul3A_892 = arith.mulf %get3A_890, %mul3A_891 : vector<16xf32>
        %swap3A_893 = arith.index_cast %add3A_829 : i32 to index
        %swap3A_894 = arith.constant 112 : index
        %swap3A_895 = tpu.vector_load %arg10[%swap3A_893, %swap3A_894] {strides = array<i32>} : memref<128x128xf32, #tpu.memory_space<vmem>>, vector<16xf32>,
        tpu.vector_store %arg10[%swap3A_893, %swap3A_894], %mul3A_892 {strides = array<i32>} : memref<128x128xf32, #tpu.memory_space<vmem>>, vector<16xf32>,
        %mul3A_896 = arith.constant 16 : i32
        %mul3A_897 = arith.muli %scan3A_54, %mul3A_896 : i32
        %add3A_898 = arith.constant 12 : i32
        %add3A_899 = arith.addi %mul3A_897, %add3A_898 : i32
        %slice3A_900 = vector.extract_strided_slice %get3A_58 {offsets = [12], sizes = [1], strides = [1]} : vector<16xf32> to vector<1xf32>
        %squeeze3A_901 = vector.extract %slice3A_900[0] : f32 from vector<1xf32>
        %get3A_902 = arith.index_cast %add3A_899 : i32 to index
        %get3A_903 = arith.constant 0 : index
        %get3A_904 = tpu.vector_load %arg10[%get3A_902, %get3A_903] {strides = array<i32>} : memref<128x128xf32, #tpu.memory_space<vmem>>, vector<16xf32>,
        %mul3A_905 = vector.broadcast %squeeze3A_901 : f32 to vector<16xf32>
        %mul3A_906 = arith.mulf %get3A_904, %mul3A_905 : vector<16xf32>
        %swap3A_907 = arith.index_cast %add3A_899 : i32 to index
        %swap3A_908 = arith.constant 0 : index
        %swap3A_909 = tpu.vector_load %arg10[%swap3A_907, %swap3A_908] {strides = array<i32>} : memref<128x128xf32, #tpu.memory_space<vmem>>, vector<16xf32>,
        tpu.vector_store %arg10[%swap3A_907, %swap3A_908], %mul3A_906 {strides = array<i32>} : memref<128x128xf32, #tpu.memory_space<vmem>>, vector<16xf32>,
        %get3A_910 = arith.index_cast %add3A_899 : i32 to index
        %get3A_911 = arith.constant 16 : index
        %get3A_912 = tpu.vector_load %arg10[%get3A_910, %get3A_911] {strides = array<i32>} : memref<128x128xf32, #tpu.memory_space<vmem>>, vector<16xf32>,
        %mul3A_913 = vector.broadcast %squeeze3A_901 : f32 to vector<16xf32>
        %mul3A_914 = arith.mulf %get3A_912, %mul3A_913 : vector<16xf32>
        %swap3A_915 = arith.index_cast %add3A_899 : i32 to index
        %swap3A_916 = arith.constant 16 : index
        %swap3A_917 = tpu.vector_load %arg10[%swap3A_915, %swap3A_916] {strides = array<i32>} : memref<128x128xf32, #tpu.memory_space<vmem>>, vector<16xf32>,
        tpu.vector_store %arg10[%swap3A_915, %swap3A_916], %mul3A_914 {strides = array<i32>} : memref<128x128xf32, #tpu.memory_space<vmem>>, vector<16xf32>,
        %get3A_918 = arith.index_cast %add3A_899 : i32 to index
        %get3A_919 = arith.constant 32 : index
        %get3A_920 = tpu.vector_load %arg10[%get3A_918, %get3A_919] {strides = array<i32>} : memref<128x128xf32, #tpu.memory_space<vmem>>, vector<16xf32>,
        %mul3A_921 = vector.broadcast %squeeze3A_901 : f32 to vector<16xf32>
        %mul3A_922 = arith.mulf %get3A_920, %mul3A_921 : vector<16xf32>
        %swap3A_923 = arith.index_cast %add3A_899 : i32 to index
        %swap3A_924 = arith.constant 32 : index
        %swap3A_925 = tpu.vector_load %arg10[%swap3A_923, %swap3A_924] {strides = array<i32>} : memref<128x128xf32, #tpu.memory_space<vmem>>, vector<16xf32>,
        tpu.vector_store %arg10[%swap3A_923, %swap3A_924], %mul3A_922 {strides = array<i32>} : memref<128x128xf32, #tpu.memory_space<vmem>>, vector<16xf32>,
        %get3A_926 = arith.index_cast %add3A_899 : i32 to index
        %get3A_927 = arith.constant 48 : index
        %get3A_928 = tpu.vector_load %arg10[%get3A_926, %get3A_927] {strides = array<i32>} : memref<128x128xf32, #tpu.memory_space<vmem>>, vector<16xf32>,
        %mul3A_929 = vector.broadcast %squeeze3A_901 : f32 to vector<16xf32>
        %mul3A_930 = arith.mulf %get3A_928, %mul3A_929 : vector<16xf32>
        %swap3A_931 = arith.index_cast %add3A_899 : i32 to index
        %swap3A_932 = arith.constant 48 : index
        %swap3A_933 = tpu.vector_load %arg10[%swap3A_931, %swap3A_932] {strides = array<i32>} : memref<128x128xf32, #tpu.memory_space<vmem>>, vector<16xf32>,
        tpu.vector_store %arg10[%swap3A_931, %swap3A_932], %mul3A_930 {strides = array<i32>} : memref<128x128xf32, #tpu.memory_space<vmem>>, vector<16xf32>,
        %get3A_934 = arith.index_cast %add3A_899 : i32 to index
        %get3A_935 = arith.constant 64 : index
        %get3A_936 = tpu.vector_load %arg10[%get3A_934, %get3A_935] {strides = array<i32>} : memref<128x128xf32, #tpu.memory_space<vmem>>, vector<16xf32>,
        %mul3A_937 = vector.broadcast %squeeze3A_901 : f32 to vector<16xf32>
        %mul3A_938 = arith.mulf %get3A_936, %mul3A_937 : vector<16xf32>
        %swap3A_939 = arith.index_cast %add3A_899 : i32 to index
        %swap3A_940 = arith.constant 64 : index
        %swap3A_941 = tpu.vector_load %arg10[%swap3A_939, %swap3A_940] {strides = array<i32>} : memref<128x128xf32, #tpu.memory_space<vmem>>, vector<16xf32>,
        tpu.vector_store %arg10[%swap3A_939, %swap3A_940], %mul3A_938 {strides = array<i32>} : memref<128x128xf32, #tpu.memory_space<vmem>>, vector<16xf32>,
        %get3A_942 = arith.index_cast %add3A_899 : i32 to index
        %get3A_943 = arith.constant 80 : index
        %get3A_944 = tpu.vector_load %arg10[%get3A_942, %get3A_943] {strides = array<i32>} : memref<128x128xf32, #tpu.memory_space<vmem>>, vector<16xf32>,
        %mul3A_945 = vector.broadcast %squeeze3A_901 : f32 to vector<16xf32>
        %mul3A_946 = arith.mulf %get3A_944, %mul3A_945 : vector<16xf32>
        %swap3A_947 = arith.index_cast %add3A_899 : i32 to index
        %swap3A_948 = arith.constant 80 : index
        %swap3A_949 = tpu.vector_load %arg10[%swap3A_947, %swap3A_948] {strides = array<i32>} : memref<128x128xf32, #tpu.memory_space<vmem>>, vector<16xf32>,
        tpu.vector_store %arg10[%swap3A_947, %swap3A_948], %mul3A_946 {strides = array<i32>} : memref<128x128xf32, #tpu.memory_space<vmem>>, vector<16xf32>,
        %get3A_950 = arith.index_cast %add3A_899 : i32 to index
        %get3A_951 = arith.constant 96 : index
        %get3A_952 = tpu.vector_load %arg10[%get3A_950, %get3A_951] {strides = array<i32>} : memref<128x128xf32, #tpu.memory_space<vmem>>, vector<16xf32>,
        %mul3A_953 = vector.broadcast %squeeze3A_901 : f32 to vector<16xf32>
        %mul3A_954 = arith.mulf %get3A_952, %mul3A_953 : vector<16xf32>
        %swap3A_955 = arith.index_cast %add3A_899 : i32 to index
        %swap3A_956 = arith.constant 96 : index
        %swap3A_957 = tpu.vector_load %arg10[%swap3A_955, %swap3A_956] {strides = array<i32>} : memref<128x128xf32, #tpu.memory_space<vmem>>, vector<16xf32>,
        tpu.vector_store %arg10[%swap3A_955, %swap3A_956], %mul3A_954 {strides = array<i32>} : memref<128x128xf32, #tpu.memory_space<vmem>>, vector<16xf32>,
        %get3A_958 = arith.index_cast %add3A_899 : i32 to index
        %get3A_959 = arith.constant 112 : index
        %get3A_960 = tpu.vector_load %arg10[%get3A_958, %get3A_959] {strides = array<i32>} : memref<128x128xf32, #tpu.memory_space<vmem>>, vector<16xf32>,
        %mul3A_961 = vector.broadcast %squeeze3A_901 : f32 to vector<16xf32>
        %mul3A_962 = arith.mulf %get3A_960, %mul3A_961 : vector<16xf32>
        %swap3A_963 = arith.index_cast %add3A_899 : i32 to index
        %swap3A_964 = arith.constant 112 : index
        %swap3A_965 = tpu.vector_load %arg10[%swap3A_963, %swap3A_964] {strides = array<i32>} : memref<128x128xf32, #tpu.memory_space<vmem>>, vector<16xf32>,
        tpu.vector_store %arg10[%swap3A_963, %swap3A_964], %mul3A_962 {strides = array<i32>} : memref<128x128xf32, #tpu.memory_space<vmem>>, vector<16xf32>,
        %mul3A_966 = arith.constant 16 : i32
        %mul3A_967 = arith.muli %scan3A_54, %mul3A_966 : i32
        %add3A_968 = arith.constant 13 : i32
        %add3A_969 = arith.addi %mul3A_967, %add3A_968 : i32
        %slice3A_970 = vector.extract_strided_slice %get3A_58 {offsets = [13], sizes = [1], strides = [1]} : vector<16xf32> to vector<1xf32>
        %squeeze3A_971 = vector.extract %slice3A_970[0] : f32 from vector<1xf32>
        %get3A_972 = arith.index_cast %add3A_969 : i32 to index
        %get3A_973 = arith.constant 0 : index
        %get3A_974 = tpu.vector_load %arg10[%get3A_972, %get3A_973] {strides = array<i32>} : memref<128x128xf32, #tpu.memory_space<vmem>>, vector<16xf32>,
        %mul3A_975 = vector.broadcast %squeeze3A_971 : f32 to vector<16xf32>
        %mul3A_976 = arith.mulf %get3A_974, %mul3A_975 : vector<16xf32>
        %swap3A_977 = arith.index_cast %add3A_969 : i32 to index
        %swap3A_978 = arith.constant 0 : index
        %swap3A_979 = tpu.vector_load %arg10[%swap3A_977, %swap3A_978] {strides = array<i32>} : memref<128x128xf32, #tpu.memory_space<vmem>>, vector<16xf32>,
        tpu.vector_store %arg10[%swap3A_977, %swap3A_978], %mul3A_976 {strides = array<i32>} : memref<128x128xf32, #tpu.memory_space<vmem>>, vector<16xf32>,
        %get3A_980 = arith.index_cast %add3A_969 : i32 to index
        %get3A_981 = arith.constant 16 : index
        %get3A_982 = tpu.vector_load %arg10[%get3A_980, %get3A_981] {strides = array<i32>} : memref<128x128xf32, #tpu.memory_space<vmem>>, vector<16xf32>,
        %mul3A_983 = vector.broadcast %squeeze3A_971 : f32 to vector<16xf32>
        %mul3A_984 = arith.mulf %get3A_982, %mul3A_983 : vector<16xf32>
        %swap3A_985 = arith.index_cast %add3A_969 : i32 to index
        %swap3A_986 = arith.constant 16 : index
        %swap3A_987 = tpu.vector_load %arg10[%swap3A_985, %swap3A_986] {strides = array<i32>} : memref<128x128xf32, #tpu.memory_space<vmem>>, vector<16xf32>,
        tpu.vector_store %arg10[%swap3A_985, %swap3A_986], %mul3A_984 {strides = array<i32>} : memref<128x128xf32, #tpu.memory_space<vmem>>, vector<16xf32>,
        %get3A_988 = arith.index_cast %add3A_969 : i32 to index
        %get3A_989 = arith.constant 32 : index
        %get3A_990 = tpu.vector_load %arg10[%get3A_988, %get3A_989] {strides = array<i32>} : memref<128x128xf32, #tpu.memory_space<vmem>>, vector<16xf32>,
        %mul3A_991 = vector.broadcast %squeeze3A_971 : f32 to vector<16xf32>
        %mul3A_992 = arith.mulf %get3A_990, %mul3A_991 : vector<16xf32>
        %swap3A_993 = arith.index_cast %add3A_969 : i32 to index
        %swap3A_994 = arith.constant 32 : index
        %swap3A_995 = tpu.vector_load %arg10[%swap3A_993, %swap3A_994] {strides = array<i32>} : memref<128x128xf32, #tpu.memory_space<vmem>>, vector<16xf32>,
        tpu.vector_store %arg10[%swap3A_993, %swap3A_994], %mul3A_992 {strides = array<i32>} : memref<128x128xf32, #tpu.memory_space<vmem>>, vector<16xf32>,
        %get3A_996 = arith.index_cast %add3A_969 : i32 to index
        %get3A_997 = arith.constant 48 : index
        %get3A_998 = tpu.vector_load %arg10[%get3A_996, %get3A_997] {strides = array<i32>} : memref<128x128xf32, #tpu.memory_space<vmem>>, vector<16xf32>,
        %mul3A_999 = vector.broadcast %squeeze3A_971 : f32 to vector<16xf32>
        %mul3A_1000 = arith.mulf %get3A_998, %mul3A_999 : vector<16xf32>
        %swap3A_1001 = arith.index_cast %add3A_969 : i32 to index
        %swap3A_1002 = arith.constant 48 : index
        %swap3A_1003 = tpu.vector_load %arg10[%swap3A_1001, %swap3A_1002] {strides = array<i32>} : memref<128x128xf32, #tpu.memory_space<vmem>>, vector<16xf32>,
        tpu.vector_store %arg10[%swap3A_1001, %swap3A_1002], %mul3A_1000 {strides = array<i32>} : memref<128x128xf32, #tpu.memory_space<vmem>>, vector<16xf32>,
        %get3A_1004 = arith.index_cast %add3A_969 : i32 to index
        %get3A_1005 = arith.constant 64 : index
        %get3A_1006 = tpu.vector_load %arg10[%get3A_1004, %get3A_1005] {strides = array<i32>} : memref<128x128xf32, #tpu.memory_space<vmem>>, vector<16xf32>,
        %mul3A_1007 = vector.broadcast %squeeze3A_971 : f32 to vector<16xf32>
        %mul3A_1008 = arith.mulf %get3A_1006, %mul3A_1007 : vector<16xf32>
        %swap3A_1009 = arith.index_cast %add3A_969 : i32 to index
        %swap3A_1010 = arith.constant 64 : index
        %swap3A_1011 = tpu.vector_load %arg10[%swap3A_1009, %swap3A_1010] {strides = array<i32>} : memref<128x128xf32, #tpu.memory_space<vmem>>, vector<16xf32>,
        tpu.vector_store %arg10[%swap3A_1009, %swap3A_1010], %mul3A_1008 {strides = array<i32>} : memref<128x128xf32, #tpu.memory_space<vmem>>, vector<16xf32>,
        %get3A_1012 = arith.index_cast %add3A_969 : i32 to index
        %get3A_1013 = arith.constant 80 : index
        %get3A_1014 = tpu.vector_load %arg10[%get3A_1012, %get3A_1013] {strides = array<i32>} : memref<128x128xf32, #tpu.memory_space<vmem>>, vector<16xf32>,
        %mul3A_1015 = vector.broadcast %squeeze3A_971 : f32 to vector<16xf32>
        %mul3A_1016 = arith.mulf %get3A_1014, %mul3A_1015 : vector<16xf32>
        %swap3A_1017 = arith.index_cast %add3A_969 : i32 to index
        %swap3A_1018 = arith.constant 80 : index
        %swap3A_1019 = tpu.vector_load %arg10[%swap3A_1017, %swap3A_1018] {strides = array<i32>} : memref<128x128xf32, #tpu.memory_space<vmem>>, vector<16xf32>,
        tpu.vector_store %arg10[%swap3A_1017, %swap3A_1018], %mul3A_1016 {strides = array<i32>} : memref<128x128xf32, #tpu.memory_space<vmem>>, vector<16xf32>,
        %get3A_1020 = arith.index_cast %add3A_969 : i32 to index
        %get3A_1021 = arith.constant 96 : index
        %get3A_1022 = tpu.vector_load %arg10[%get3A_1020, %get3A_1021] {strides = array<i32>} : memref<128x128xf32, #tpu.memory_space<vmem>>, vector<16xf32>,
        %mul3A_1023 = vector.broadcast %squeeze3A_971 : f32 to vector<16xf32>
        %mul3A_1024 = arith.mulf %get3A_1022, %mul3A_1023 : vector<16xf32>
        %swap3A_1025 = arith.index_cast %add3A_969 : i32 to index
        %swap3A_1026 = arith.constant 96 : index
        %swap3A_1027 = tpu.vector_load %arg10[%swap3A_1025, %swap3A_1026] {strides = array<i32>} : memref<128x128xf32, #tpu.memory_space<vmem>>, vector<16xf32>,
        tpu.vector_store %arg10[%swap3A_1025, %swap3A_1026], %mul3A_1024 {strides = array<i32>} : memref<128x128xf32, #tpu.memory_space<vmem>>, vector<16xf32>,
        %get3A_1028 = arith.index_cast %add3A_969 : i32 to index
        %get3A_1029 = arith.constant 112 : index
        %get3A_1030 = tpu.vector_load %arg10[%get3A_1028, %get3A_1029] {strides = array<i32>} : memref<128x128xf32, #tpu.memory_space<vmem>>, vector<16xf32>,
        %mul3A_1031 = vector.broadcast %squeeze3A_971 : f32 to vector<16xf32>
        %mul3A_1032 = arith.mulf %get3A_1030, %mul3A_1031 : vector<16xf32>
        %swap3A_1033 = arith.index_cast %add3A_969 : i32 to index
        %swap3A_1034 = arith.constant 112 : index
        %swap3A_1035 = tpu.vector_load %arg10[%swap3A_1033, %swap3A_1034] {strides = array<i32>} : memref<128x128xf32, #tpu.memory_space<vmem>>, vector<16xf32>,
        tpu.vector_store %arg10[%swap3A_1033, %swap3A_1034], %mul3A_1032 {strides = array<i32>} : memref<128x128xf32, #tpu.memory_space<vmem>>, vector<16xf32>,
        %mul3A_1036 = arith.constant 16 : i32
        %mul3A_1037 = arith.muli %scan3A_54, %mul3A_1036 : i32
        %add3A_1038 = arith.constant 14 : i32
        %add3A_1039 = arith.addi %mul3A_1037, %add3A_1038 : i32
        %slice3A_1040 = vector.extract_strided_slice %get3A_58 {offsets = [14], sizes = [1], strides = [1]} : vector<16xf32> to vector<1xf32>
        %squeeze3A_1041 = vector.extract %slice3A_1040[0] : f32 from vector<1xf32>
        %get3A_1042 = arith.index_cast %add3A_1039 : i32 to index
        %get3A_1043 = arith.constant 0 : index
        %get3A_1044 = tpu.vector_load %arg10[%get3A_1042, %get3A_1043] {strides = array<i32>} : memref<128x128xf32, #tpu.memory_space<vmem>>, vector<16xf32>,
        %mul3A_1045 = vector.broadcast %squeeze3A_1041 : f32 to vector<16xf32>
        %mul3A_1046 = arith.mulf %get3A_1044, %mul3A_1045 : vector<16xf32>
        %swap3A_1047 = arith.index_cast %add3A_1039 : i32 to index
        %swap3A_1048 = arith.constant 0 : index
        %swap3A_1049 = tpu.vector_load %arg10[%swap3A_1047, %swap3A_1048] {strides = array<i32>} : memref<128x128xf32, #tpu.memory_space<vmem>>, vector<16xf32>,
        tpu.vector_store %arg10[%swap3A_1047, %swap3A_1048], %mul3A_1046 {strides = array<i32>} : memref<128x128xf32, #tpu.memory_space<vmem>>, vector<16xf32>,
        %get3A_1050 = arith.index_cast %add3A_1039 : i32 to index
        %get3A_1051 = arith.constant 16 : index
        %get3A_1052 = tpu.vector_load %arg10[%get3A_1050, %get3A_1051] {strides = array<i32>} : memref<128x128xf32, #tpu.memory_space<vmem>>, vector<16xf32>,
        %mul3A_1053 = vector.broadcast %squeeze3A_1041 : f32 to vector<16xf32>
        %mul3A_1054 = arith.mulf %get3A_1052, %mul3A_1053 : vector<16xf32>
        %swap3A_1055 = arith.index_cast %add3A_1039 : i32 to index
        %swap3A_1056 = arith.constant 16 : index
        %swap3A_1057 = tpu.vector_load %arg10[%swap3A_1055, %swap3A_1056] {strides = array<i32>} : memref<128x128xf32, #tpu.memory_space<vmem>>, vector<16xf32>,
        tpu.vector_store %arg10[%swap3A_1055, %swap3A_1056], %mul3A_1054 {strides = array<i32>} : memref<128x128xf32, #tpu.memory_space<vmem>>, vector<16xf32>,
        %get3A_1058 = arith.index_cast %add3A_1039 : i32 to index
        %get3A_1059 = arith.constant 32 : index
        %get3A_1060 = tpu.vector_load %arg10[%get3A_1058, %get3A_1059] {strides = array<i32>} : memref<128x128xf32, #tpu.memory_space<vmem>>, vector<16xf32>,
        %mul3A_1061 = vector.broadcast %squeeze3A_1041 : f32 to vector<16xf32>
        %mul3A_1062 = arith.mulf %get3A_1060, %mul3A_1061 : vector<16xf32>
        %swap3A_1063 = arith.index_cast %add3A_1039 : i32 to index
        %swap3A_1064 = arith.constant 32 : index
        %swap3A_1065 = tpu.vector_load %arg10[%swap3A_1063, %swap3A_1064] {strides = array<i32>} : memref<128x128xf32, #tpu.memory_space<vmem>>, vector<16xf32>,
        tpu.vector_store %arg10[%swap3A_1063, %swap3A_1064], %mul3A_1062 {strides = array<i32>} : memref<128x128xf32, #tpu.memory_space<vmem>>, vector<16xf32>,
        %get3A_1066 = arith.index_cast %add3A_1039 : i32 to index
        %get3A_1067 = arith.constant 48 : index
        %get3A_1068 = tpu.vector_load %arg10[%get3A_1066, %get3A_1067] {strides = array<i32>} : memref<128x128xf32, #tpu.memory_space<vmem>>, vector<16xf32>,
        %mul3A_1069 = vector.broadcast %squeeze3A_1041 : f32 to vector<16xf32>
        %mul3A_1070 = arith.mulf %get3A_1068, %mul3A_1069 : vector<16xf32>
        %swap3A_1071 = arith.index_cast %add3A_1039 : i32 to index
        %swap3A_1072 = arith.constant 48 : index
        %swap3A_1073 = tpu.vector_load %arg10[%swap3A_1071, %swap3A_1072] {strides = array<i32>} : memref<128x128xf32, #tpu.memory_space<vmem>>, vector<16xf32>,
        tpu.vector_store %arg10[%swap3A_1071, %swap3A_1072], %mul3A_1070 {strides = array<i32>} : memref<128x128xf32, #tpu.memory_space<vmem>>, vector<16xf32>,
        %get3A_1074 = arith.index_cast %add3A_1039 : i32 to index
        %get3A_1075 = arith.constant 64 : index
        %get3A_1076 = tpu.vector_load %arg10[%get3A_1074, %get3A_1075] {strides = array<i32>} : memref<128x128xf32, #tpu.memory_space<vmem>>, vector<16xf32>,
        %mul3A_1077 = vector.broadcast %squeeze3A_1041 : f32 to vector<16xf32>
        %mul3A_1078 = arith.mulf %get3A_1076, %mul3A_1077 : vector<16xf32>
        %swap3A_1079 = arith.index_cast %add3A_1039 : i32 to index
        %swap3A_1080 = arith.constant 64 : index
        %swap3A_1081 = tpu.vector_load %arg10[%swap3A_1079, %swap3A_1080] {strides = array<i32>} : memref<128x128xf32, #tpu.memory_space<vmem>>, vector<16xf32>,
        tpu.vector_store %arg10[%swap3A_1079, %swap3A_1080], %mul3A_1078 {strides = array<i32>} : memref<128x128xf32, #tpu.memory_space<vmem>>, vector<16xf32>,
        %get3A_1082 = arith.index_cast %add3A_1039 : i32 to index
        %get3A_1083 = arith.constant 80 : index
        %get3A_1084 = tpu.vector_load %arg10[%get3A_1082, %get3A_1083] {strides = array<i32>} : memref<128x128xf32, #tpu.memory_space<vmem>>, vector<16xf32>,
        %mul3A_1085 = vector.broadcast %squeeze3A_1041 : f32 to vector<16xf32>
        %mul3A_1086 = arith.mulf %get3A_1084, %mul3A_1085 : vector<16xf32>
        %swap3A_1087 = arith.index_cast %add3A_1039 : i32 to index
        %swap3A_1088 = arith.constant 80 : index
        %swap3A_1089 = tpu.vector_load %arg10[%swap3A_1087, %swap3A_1088] {strides = array<i32>} : memref<128x128xf32, #tpu.memory_space<vmem>>, vector<16xf32>,
        tpu.vector_store %arg10[%swap3A_1087, %swap3A_1088], %mul3A_1086 {strides = array<i32>} : memref<128x128xf32, #tpu.memory_space<vmem>>, vector<16xf32>,
        %get3A_1090 = arith.index_cast %add3A_1039 : i32 to index
        %get3A_1091 = arith.constant 96 : index
        %get3A_1092 = tpu.vector_load %arg10[%get3A_1090, %get3A_1091] {strides = array<i32>} : memref<128x128xf32, #tpu.memory_space<vmem>>, vector<16xf32>,
        %mul3A_1093 = vector.broadcast %squeeze3A_1041 : f32 to vector<16xf32>
        %mul3A_1094 = arith.mulf %get3A_1092, %mul3A_1093 : vector<16xf32>
        %swap3A_1095 = arith.index_cast %add3A_1039 : i32 to index
        %swap3A_1096 = arith.constant 96 : index
        %swap3A_1097 = tpu.vector_load %arg10[%swap3A_1095, %swap3A_1096] {strides = array<i32>} : memref<128x128xf32, #tpu.memory_space<vmem>>, vector<16xf32>,
        tpu.vector_store %arg10[%swap3A_1095, %swap3A_1096], %mul3A_1094 {strides = array<i32>} : memref<128x128xf32, #tpu.memory_space<vmem>>, vector<16xf32>,
        %get3A_1098 = arith.index_cast %add3A_1039 : i32 to index
        %get3A_1099 = arith.constant 112 : index
        %get3A_1100 = tpu.vector_load %arg10[%get3A_1098, %get3A_1099] {strides = array<i32>} : memref<128x128xf32, #tpu.memory_space<vmem>>, vector<16xf32>,
        %mul3A_1101 = vector.broadcast %squeeze3A_1041 : f32 to vector<16xf32>
        %mul3A_1102 = arith.mulf %get3A_1100, %mul3A_1101 : vector<16xf32>
        %swap3A_1103 = arith.index_cast %add3A_1039 : i32 to index
        %swap3A_1104 = arith.constant 112 : index
        %swap3A_1105 = tpu.vector_load %arg10[%swap3A_1103, %swap3A_1104] {strides = array<i32>} : memref<128x128xf32, #tpu.memory_space<vmem>>, vector<16xf32>,
        tpu.vector_store %arg10[%swap3A_1103, %swap3A_1104], %mul3A_1102 {strides = array<i32>} : memref<128x128xf32, #tpu.memory_space<vmem>>, vector<16xf32>,
        %mul3A_1106 = arith.constant 16 : i32
        %mul3A_1107 = arith.muli %scan3A_54, %mul3A_1106 : i32
        %add3A_1108 = arith.constant 15 : i32
        %add3A_1109 = arith.addi %mul3A_1107, %add3A_1108 : i32
        %slice3A_1110 = vector.extract_strided_slice %get3A_58 {offsets = [15], sizes = [1], strides = [1]} : vector<16xf32> to vector<1xf32>
        %squeeze3A_1111 = vector.extract %slice3A_1110[0] : f32 from vector<1xf32>
        %get3A_1112 = arith.index_cast %add3A_1109 : i32 to index
        %get3A_1113 = arith.constant 0 : index
        %get3A_1114 = tpu.vector_load %arg10[%get3A_1112, %get3A_1113] {strides = array<i32>} : memref<128x128xf32, #tpu.memory_space<vmem>>, vector<16xf32>,
        %mul3A_1115 = vector.broadcast %squeeze3A_1111 : f32 to vector<16xf32>
        %mul3A_1116 = arith.mulf %get3A_1114, %mul3A_1115 : vector<16xf32>
        %swap3A_1117 = arith.index_cast %add3A_1109 : i32 to index
        %swap3A_1118 = arith.constant 0 : index
        %swap3A_1119 = tpu.vector_load %arg10[%swap3A_1117, %swap3A_1118] {strides = array<i32>} : memref<128x128xf32, #tpu.memory_space<vmem>>, vector<16xf32>,
        tpu.vector_store %arg10[%swap3A_1117, %swap3A_1118], %mul3A_1116 {strides = array<i32>} : memref<128x128xf32, #tpu.memory_space<vmem>>, vector<16xf32>,
        %get3A_1120 = arith.index_cast %add3A_1109 : i32 to index
        %get3A_1121 = arith.constant 16 : index
        %get3A_1122 = tpu.vector_load %arg10[%get3A_1120, %get3A_1121] {strides = array<i32>} : memref<128x128xf32, #tpu.memory_space<vmem>>, vector<16xf32>,
        %mul3A_1123 = vector.broadcast %squeeze3A_1111 : f32 to vector<16xf32>
        %mul3A_1124 = arith.mulf %get3A_1122, %mul3A_1123 : vector<16xf32>
        %swap3A_1125 = arith.index_cast %add3A_1109 : i32 to index
        %swap3A_1126 = arith.constant 16 : index
        %swap3A_1127 = tpu.vector_load %arg10[%swap3A_1125, %swap3A_1126] {strides = array<i32>} : memref<128x128xf32, #tpu.memory_space<vmem>>, vector<16xf32>,
        tpu.vector_store %arg10[%swap3A_1125, %swap3A_1126], %mul3A_1124 {strides = array<i32>} : memref<128x128xf32, #tpu.memory_space<vmem>>, vector<16xf32>,
        %get3A_1128 = arith.index_cast %add3A_1109 : i32 to index
        %get3A_1129 = arith.constant 32 : index
        %get3A_1130 = tpu.vector_load %arg10[%get3A_1128, %get3A_1129] {strides = array<i32>} : memref<128x128xf32, #tpu.memory_space<vmem>>, vector<16xf32>,
        %mul3A_1131 = vector.broadcast %squeeze3A_1111 : f32 to vector<16xf32>
        %mul3A_1132 = arith.mulf %get3A_1130, %mul3A_1131 : vector<16xf32>
        %swap3A_1133 = arith.index_cast %add3A_1109 : i32 to index
        %swap3A_1134 = arith.constant 32 : index
        %swap3A_1135 = tpu.vector_load %arg10[%swap3A_1133, %swap3A_1134] {strides = array<i32>} : memref<128x128xf32, #tpu.memory_space<vmem>>, vector<16xf32>,
        tpu.vector_store %arg10[%swap3A_1133, %swap3A_1134], %mul3A_1132 {strides = array<i32>} : memref<128x128xf32, #tpu.memory_space<vmem>>, vector<16xf32>,
        %get3A_1136 = arith.index_cast %add3A_1109 : i32 to index
        %get3A_1137 = arith.constant 48 : index
        %get3A_1138 = tpu.vector_load %arg10[%get3A_1136, %get3A_1137] {strides = array<i32>} : memref<128x128xf32, #tpu.memory_space<vmem>>, vector<16xf32>,
        %mul3A_1139 = vector.broadcast %squeeze3A_1111 : f32 to vector<16xf32>
        %mul3A_1140 = arith.mulf %get3A_1138, %mul3A_1139 : vector<16xf32>
        %swap3A_1141 = arith.index_cast %add3A_1109 : i32 to index
        %swap3A_1142 = arith.constant 48 : index
        %swap3A_1143 = tpu.vector_load %arg10[%swap3A_1141, %swap3A_1142] {strides = array<i32>} : memref<128x128xf32, #tpu.memory_space<vmem>>, vector<16xf32>,
        tpu.vector_store %arg10[%swap3A_1141, %swap3A_1142], %mul3A_1140 {strides = array<i32>} : memref<128x128xf32, #tpu.memory_space<vmem>>, vector<16xf32>,
        %get3A_1144 = arith.index_cast %add3A_1109 : i32 to index
        %get3A_1145 = arith.constant 64 : index
        %get3A_1146 = tpu.vector_load %arg10[%get3A_1144, %get3A_1145] {strides = array<i32>} : memref<128x128xf32, #tpu.memory_space<vmem>>, vector<16xf32>,
        %mul3A_1147 = vector.broadcast %squeeze3A_1111 : f32 to vector<16xf32>
        %mul3A_1148 = arith.mulf %get3A_1146, %mul3A_1147 : vector<16xf32>
        %swap3A_1149 = arith.index_cast %add3A_1109 : i32 to index
        %swap3A_1150 = arith.constant 64 : index
        %swap3A_1151 = tpu.vector_load %arg10[%swap3A_1149, %swap3A_1150] {strides = array<i32>} : memref<128x128xf32, #tpu.memory_space<vmem>>, vector<16xf32>,
        tpu.vector_store %arg10[%swap3A_1149, %swap3A_1150], %mul3A_1148 {strides = array<i32>} : memref<128x128xf32, #tpu.memory_space<vmem>>, vector<16xf32>,
        %get3A_1152 = arith.index_cast %add3A_1109 : i32 to index
        %get3A_1153 = arith.constant 80 : index
        %get3A_1154 = tpu.vector_load %arg10[%get3A_1152, %get3A_1153] {strides = array<i32>} : memref<128x128xf32, #tpu.memory_space<vmem>>, vector<16xf32>,
        %mul3A_1155 = vector.broadcast %squeeze3A_1111 : f32 to vector<16xf32>
        %mul3A_1156 = arith.mulf %get3A_1154, %mul3A_1155 : vector<16xf32>
        %swap3A_1157 = arith.index_cast %add3A_1109 : i32 to index
        %swap3A_1158 = arith.constant 80 : index
        %swap3A_1159 = tpu.vector_load %arg10[%swap3A_1157, %swap3A_1158] {strides = array<i32>} : memref<128x128xf32, #tpu.memory_space<vmem>>, vector<16xf32>,
        tpu.vector_store %arg10[%swap3A_1157, %swap3A_1158], %mul3A_1156 {strides = array<i32>} : memref<128x128xf32, #tpu.memory_space<vmem>>, vector<16xf32>,
        %get3A_1160 = arith.index_cast %add3A_1109 : i32 to index
        %get3A_1161 = arith.constant 96 : index
        %get3A_1162 = tpu.vector_load %arg10[%get3A_1160, %get3A_1161] {strides = array<i32>} : memref<128x128xf32, #tpu.memory_space<vmem>>, vector<16xf32>,
        %mul3A_1163 = vector.broadcast %squeeze3A_1111 : f32 to vector<16xf32>
        %mul3A_1164 = arith.mulf %get3A_1162, %mul3A_1163 : vector<16xf32>
        %swap3A_1165 = arith.index_cast %add3A_1109 : i32 to index
        %swap3A_1166 = arith.constant 96 : index
        %swap3A_1167 = tpu.vector_load %arg10[%swap3A_1165, %swap3A_1166] {strides = array<i32>} : memref<128x128xf32, #tpu.memory_space<vmem>>, vector<16xf32>,
        tpu.vector_store %arg10[%swap3A_1165, %swap3A_1166], %mul3A_1164 {strides = array<i32>} : memref<128x128xf32, #tpu.memory_space<vmem>>, vector<16xf32>,
        %get3A_1168 = arith.index_cast %add3A_1109 : i32 to index
        %get3A_1169 = arith.constant 112 : index
        %get3A_1170 = tpu.vector_load %arg10[%get3A_1168, %get3A_1169] {strides = array<i32>} : memref<128x128xf32, #tpu.memory_space<vmem>>, vector<16xf32>,
        %mul3A_1171 = vector.broadcast %squeeze3A_1111 : f32 to vector<16xf32>
        %mul3A_1172 = arith.mulf %get3A_1170, %mul3A_1171 : vector<16xf32>
        %swap3A_1173 = arith.index_cast %add3A_1109 : i32 to index
        %swap3A_1174 = arith.constant 112 : index
        %swap3A_1175 = tpu.vector_load %arg10[%swap3A_1173, %swap3A_1174] {strides = array<i32>} : memref<128x128xf32, #tpu.memory_space<vmem>>, vector<16xf32>,
        tpu.vector_store %arg10[%swap3A_1173, %swap3A_1174], %mul3A_1172 {strides = array<i32>} : memref<128x128xf32, #tpu.memory_space<vmem>>, vector<16xf32>,
        %scan3A_1176 = arith.constant 0 : i32
        scf.yield %scan3A_1176 : i32
      }
      %scan3A_52 = arith.constant 8 : i32
      "tpu.region"() ({
        %run_scoped3A = tpu.sem_alloc : memref<!tpu.dma_semaphore, #tpu.memory_space<semaphore_mem>>
        %dma_start3A_54 = arith.constant 0 : i32
        %dma_start3A_55 = arith.constant 0 : i32
        %dma_start3A_56 = tpu.memref_slice %arg11[%dma_start3A_54, %dma_start3A_55] : memref<10000x128xf32, #tpu.memory_space<vmem_shared>> -> memref<10000x128xf32, #tpu.memory_space<vmem_shared>>
        tpu.enqueue_indirect_dma source(%arg10 : memref<128x128xf32, #tpu.memory_space<vmem>>) target(%dma_start3A_56 : memref<10000x128xf32, #tpu.memory_space<vmem_shared>>) offsets(%arg8 : memref<128xi32, #tpu.memory_space<vmem>>) semaphore(%run_scoped3A : memref<!tpu.dma_semaphore, #tpu.memory_space<semaphore_mem>>) {add = true}
        %dma_wait3A_57 = arith.constant 0 : i32
        %dma_wait3A_58 = arith.constant 0 : i32
        %dma_wait3A_59 = tpu.memref_slice %arg11[%dma_wait3A_57, %dma_wait3A_58] : memref<10000x128xf32, #tpu.memory_space<vmem_shared>> -> memref<10000x128xf32, #tpu.memory_space<vmem_shared>>
        tpu.wait_indirect_dma semaphore(%run_scoped3A : memref<!tpu.dma_semaphore, #tpu.memory_space<semaphore_mem>>) src(%arg10 : memref<128x128xf32, #tpu.memory_space<vmem>>) dst(%dma_wait3A_59 : memref<10000x128xf32, #tpu.memory_space<vmem_shared>>)
        tpu.yield
      }) : () -> ()
      %scan3A_53 = arith.constant 0 : i32
      scf.yield %scan3A_53 : i32
    }
    %scan3A_34 = arith.constant 79 : i32
    %barrier3A_35 = arith.constant 0 : index
    tpu.barrier barrier_id(%barrier3A_35)
    %mul3A_36 = arith.constant 625 : i32
    %mul3A_37 = arith.muli %arg1, %mul3A_36 : i32
    %mul3A_38 = arith.constant 625 : i32
    %mul3A_39 = arith.muli %arg1, %mul3A_38 : i32
    "tpu.region"() ({
      %run_scoped3A = tpu.sem_alloc : memref<!tpu.dma_semaphore, #tpu.memory_space<semaphore_mem>>
      %dma_start3A = arith.constant 0 : i32
      %dma_start3A_40 = tpu.memref_slice %arg6[%arg0, %mul3A_39, %dma_start3A] : memref<2x10000x128xf32, #tpu.memory_space<hbm>> -> memref<1x625x128xf32, #tpu.memory_space<hbm>>
      %dma_start3A_41 = tpu.memref_squeeze %dma_start3A_40 : memref<1x625x128xf32, #tpu.memory_space<hbm>> -> memref<625x128xf32, #tpu.memory_space<hbm>>
      %dma_start3A_42 = arith.constant 0 : i32
      %dma_start3A_43 = tpu.memref_slice %arg11[%mul3A_37, %dma_start3A_42] : memref<10000x128xf32, #tpu.memory_space<vmem_shared>> -> memref<625x128xf32, #tpu.memory_space<vmem_shared>>
      tpu.enqueue_dma source(%dma_start3A_43 : memref<625x128xf32, #tpu.memory_space<vmem_shared>>) target(%dma_start3A_41 : memref<625x128xf32, #tpu.memory_space<hbm>>) target_semaphore(%run_scoped3A : memref<!tpu.dma_semaphore, #tpu.memory_space<semaphore_mem>>)
      %dma_wait3A = arith.constant 0 : i32
      %dma_wait3A_44 = tpu.memref_slice %arg6[%arg0, %mul3A_39, %dma_wait3A] : memref<2x10000x128xf32, #tpu.memory_space<hbm>> -> memref<1x625x128xf32, #tpu.memory_space<hbm>>
      %dma_wait3A_45 = tpu.memref_squeeze %dma_wait3A_44 : memref<1x625x128xf32, #tpu.memory_space<hbm>> -> memref<625x128xf32, #tpu.memory_space<hbm>>
      %dma_wait3A_46 = arith.constant 0 : i32
      %dma_wait3A_47 = tpu.memref_slice %arg11[%mul3A_37, %dma_wait3A_46] : memref<10000x128xf32, #tpu.memory_space<vmem_shared>> -> memref<625x128xf32, #tpu.memory_space<vmem_shared>>
      tpu.wait_dma2 semaphore(%run_scoped3A : memref<!tpu.dma_semaphore, #tpu.memory_space<semaphore_mem>>) src(%dma_wait3A_47 : memref<625x128xf32, #tpu.memory_space<vmem_shared>>) dst(%dma_wait3A_45 : memref<625x128xf32, #tpu.memory_space<hbm>>)
      tpu.yield
    }) : () -> ()
    return
  }
}

module attributes {stable_mosaic.version = 14 : i64} {
  func.func @_tc_prep(%arg0: memref<10000x128xf32, #tpu.memory_space<vmem>>, %arg1: memref<128x128xf32, #tpu.memory_space<vmem>>, %arg2: memref<32x10000xf32, #tpu.memory_space<vmem>>, %arg3: memref<10000x128xf32, #tpu.memory_space<vmem>>, %arg4: memref<10000x128xf32, #tpu.memory_space<vmem>>, %arg5: memref<10000xf32, #tpu.memory_space<vmem>>) attributes {dimension_semantics = [], scalar_prefetch = 0 : i64, scratch_operands = 0 : i64, tpu.core_type = #tpu.core_type<tc>} {
    %get3A = arith.constant 0 : index
    %get3A_0 = arith.constant 0 : index
    %get3A_1 = vector.load %arg0[%get3A, %get3A_0] : memref<10000x128xf32, #tpu.memory_space<vmem>>, vector<10000x128xf32>
    %get3A_2 = arith.constant 0 : index
    %get3A_3 = arith.constant 0 : index
    %get3A_4 = vector.load %arg1[%get3A_2, %get3A_3] : memref<128x128xf32, #tpu.memory_space<vmem>>, vector<128x128xf32>
    %dot_general3A = arith.constant dense<0.000000e+00> : vector<10000x128xf32>
    %dot_general3A_5 = tpu.matmul %get3A_1, %get3A_4, %dot_general3A {dimension_numbers = #tpu.dot_dimension_numbers<[1], [0], [0], [1], [0, 0, 1, 1], [], []>, transpose_lhs_hint = false} : vector<10000x128xf32>, vector<128x128xf32>, vector<10000x128xf32> -> vector<10000x128xf32>
    %get3A_6 = arith.constant 0 : index
    %get3A_7 = arith.constant 0 : index
    %get3A_8 = vector.load %arg2[%get3A_6, %get3A_7] : memref<32x10000xf32, #tpu.memory_space<vmem>>, vector<32x10000xf32>
    %reduce_sum3A = arith.constant dense<0.000000e+00> : vector<10000xf32>
    %reduce_sum3A_9 = vector.multi_reduction <add>, %get3A_8, %reduce_sum3A [0] : vector<32x10000xf32> to vector<10000xf32>
    %add3A = arith.constant 1.000000e+00 : f32
    %add3A_10 = vector.broadcast %add3A : f32 to vector<10000xf32>
    %add3A_11 = arith.addf %add3A_10, %reduce_sum3A_9 : vector<10000xf32>
    %rsqrt3A = math.rsqrt %add3A_11 : vector<10000xf32>
    %broadcast_in_dim3A = vector.shape_cast %rsqrt3A : vector<10000xf32> to vector<10000x1xf32>
    %mul3A = vector.broadcast %broadcast_in_dim3A : vector<10000x1xf32> to vector<10000x128xf32>
    %mul3A_12 = arith.mulf %dot_general3A_5, %mul3A : vector<10000x128xf32>
    %swap3A = arith.constant 0 : index
    %swap3A_13 = arith.constant 0 : index
    %swap3A_14 = vector.load %arg3[%swap3A, %swap3A_13] : memref<10000x128xf32, #tpu.memory_space<vmem>>, vector<10000x128xf32>
    tpu.vector_store %arg3[%swap3A, %swap3A_13], %mul3A_12 {strides = array<i32>} : memref<10000x128xf32, #tpu.memory_space<vmem>>, vector<10000x128xf32>,
    %mul3A_15 = arith.mulf %rsqrt3A, %rsqrt3A : vector<10000xf32>
    %broadcast_in_dim3A_16 = vector.shape_cast %mul3A_15 : vector<10000xf32> to vector<10000x1xf32>
    %mul3A_17 = vector.broadcast %broadcast_in_dim3A_16 : vector<10000x1xf32> to vector<10000x128xf32>
    %mul3A_18 = arith.mulf %dot_general3A_5, %mul3A_17 : vector<10000x128xf32>
    %swap3A_19 = arith.constant 0 : index
    %swap3A_20 = arith.constant 0 : index
    %swap3A_21 = vector.load %arg4[%swap3A_19, %swap3A_20] : memref<10000x128xf32, #tpu.memory_space<vmem>>, vector<10000x128xf32>
    tpu.vector_store %arg4[%swap3A_19, %swap3A_20], %mul3A_18 {strides = array<i32>} : memref<10000x128xf32, #tpu.memory_space<vmem>>, vector<10000x128xf32>,
    %swap3A_22 = arith.constant 0 : index
    %swap3A_23 = vector.load %arg5[%swap3A_22] : memref<10000xf32, #tpu.memory_space<vmem>>, vector<10000xf32>
    tpu.vector_store %arg5[%swap3A_22], %rsqrt3A {strides = array<i32>} : memref<10000xf32, #tpu.memory_space<vmem>>, vector<10000xf32>,
    return
  }
}

module attributes {stable_mosaic.version = 14 : i64} {
  func.func @_tc_finish(%arg0: memref<2x10000x128xf32, #tpu.memory_space<vmem>>, %arg1: memref<10000x128xf32, #tpu.memory_space<vmem>>, %arg2: memref<10000xf32, #tpu.memory_space<vmem>>, %arg3: memref<128xf32, #tpu.memory_space<vmem>>, %arg4: memref<128xf32, #tpu.memory_space<vmem>>, %arg5: memref<10000x128xf32, #tpu.memory_space<vmem>>) attributes {dimension_semantics = [], scalar_prefetch = 0 : i64, scratch_operands = 0 : i64, tpu.core_type = #tpu.core_type<tc>} {
    %get3A = arith.constant 0 : index
    %get3A_0 = arith.constant 0 : index
    %get3A_1 = arith.constant 0 : index
    %get3A_2 = vector.load %arg0[%get3A, %get3A_0, %get3A_1] : memref<2x10000x128xf32, #tpu.memory_space<vmem>>, vector<1x10000x128xf32>
    %get3A_3 = vector.shape_cast %get3A_2 : vector<1x10000x128xf32> to vector<10000x128xf32>
    %get3A_4 = arith.constant 1 : index
    %get3A_5 = arith.constant 0 : index
    %get3A_6 = arith.constant 0 : index
    %get3A_7 = vector.load %arg0[%get3A_4, %get3A_5, %get3A_6] : memref<2x10000x128xf32, #tpu.memory_space<vmem>>, vector<1x10000x128xf32>
    %get3A_8 = vector.shape_cast %get3A_7 : vector<1x10000x128xf32> to vector<10000x128xf32>
    %add3A = arith.addf %get3A_3, %get3A_8 : vector<10000x128xf32>
    %get3A_9 = arith.constant 0 : index
    %get3A_10 = vector.load %arg2[%get3A_9] : memref<10000xf32, #tpu.memory_space<vmem>>, vector<10000xf32>
    %broadcast_in_dim3A = vector.shape_cast %get3A_10 : vector<10000xf32> to vector<10000x1xf32>
    %mul3A = vector.broadcast %broadcast_in_dim3A : vector<10000x1xf32> to vector<10000x128xf32>
    %mul3A_11 = arith.mulf %add3A, %mul3A : vector<10000x128xf32>
    %get3A_12 = arith.constant 0 : index
    %get3A_13 = arith.constant 0 : index
    %get3A_14 = vector.load %arg1[%get3A_12, %get3A_13] : memref<10000x128xf32, #tpu.memory_space<vmem>>, vector<10000x128xf32>
    %add3A_15 = arith.addf %mul3A_11, %get3A_14 : vector<10000x128xf32>
    %get3A_16 = arith.constant 0 : index
    %get3A_17 = vector.load %arg3[%get3A_16] : memref<128xf32, #tpu.memory_space<vmem>>, vector<128xf32>
    %broadcast_in_dim3A_18 = vector.shape_cast %get3A_17 : vector<128xf32> to vector<1x128xf32>
    %add3A_19 = vector.broadcast %broadcast_in_dim3A_18 : vector<1x128xf32> to vector<10000x128xf32>
    %add3A_20 = arith.addf %add3A_15, %add3A_19 : vector<10000x128xf32>
    %ge3A = arith.constant 0.000000e+00 : f32
    %ge3A_21 = vector.broadcast %ge3A : f32 to vector<10000x128xf32>
    %ge3A_22 = arith.cmpf oge, %add3A_20, %ge3A_21 : vector<10000x128xf32>
    %get3A_23 = arith.constant 0 : index
    %get3A_24 = vector.load %arg4[%get3A_23] : memref<128xf32, #tpu.memory_space<vmem>>, vector<128xf32>
    %broadcast_in_dim3A_25 = vector.shape_cast %get3A_24 : vector<128xf32> to vector<1x128xf32>
    %mul3A_26 = vector.broadcast %broadcast_in_dim3A_25 : vector<1x128xf32> to vector<10000x128xf32>
    %mul3A_27 = arith.mulf %mul3A_26, %add3A_20 : vector<10000x128xf32>
    %select_n3A = arith.select %ge3A_22, %add3A_20, %mul3A_27 : vector<10000x128xi1>, vector<10000x128xf32>
    %swap3A = arith.constant 0 : index
    %swap3A_28 = arith.constant 0 : index
    %swap3A_29 = vector.load %arg5[%swap3A, %swap3A_28] : memref<10000x128xf32, #tpu.memory_space<vmem>>, vector<10000x128xf32>
    tpu.vector_store %arg5[%swap3A, %swap3A_28], %select_n3A {strides = array<i32>} : memref<10000x128xf32, #tpu.memory_space<vmem>>, vector<10000x128xf32>,
    return
  }
}

</mosaic_0001>

<sc_bundles>
// kernel: kernel.6.cloned.1.call-start
scs
__scs_entry_jumppad:
0x0: {  	(pc) =	sbr.rel $0x88, $3  }
0x1: {  	(tag) =	ssettag $0x0;
	lr =	simm.s32 $0x1  }
0x2: {  	[smem:$0x3F9B] =	sst lr;
	_ =	strace $0xD0000000  }
0x3: {  	_ = 	snop  }
0x4: {  	_ = 	snop  }
0x5: {  	_ = 	snop  }
0x6: {  	_ = 	snop  }
0x7: {  	_ = 	snop  }
__scs_overlays_trampoline_lowered:
0x8: {  	[smem:$0x3FAA] =	sst s0  }
0x9: {  	[smem:$0x3FAB] =	sst s1  }
0xa: {  	[smem:$0x3FAC] =	sst s2  }
0xb: {  	[smem:$0x3FAD] =	sst s3  }
0xc: {  	[smem:$0x3FAE] =	sst s4  }
0xd: {  	[smem:$0x3FAF] =	sst s5  }
0xe: {  	[smem:$0x3FB0] =	sst s6  }
0xf: {  	[smem:$0x3FB1] =	sst s7  }
0x10: {  	[smem:$0x3FB2] =	sst s8  }
0x11: {  	[smem:$0x3FB3] =	sst s9;
	s0 =	simm.s32 @!p0 $0x0  }
0x12: {  	s1 =	sld [smem:$0x3F99];
	s0 =	simm.s32 @p0 $0x1  }
0x13: {  	[smem:$0x3FB4] =	sst s0;
	s0 =	simm.s32 @!p1 $0x0  }
0x14: {  	s2 =	sld [smem:$0x3F98];
	s0 =	simm.s32 @p1 $0x1  }
0x15: {  	[smem:$0x3FB5] =	sst s0;
	s0 =	simm.s32 @!p2 $0x0  }
0x16: {  	s3 =	sld [smem:$0x3FDB];
	s0 =	simm.s32 @p2 $0x1  }
0x17: {  	s4 =	simm.s32 $0x1BF5;
	[smem:$0x3FB7] =	sst s0  }
0x18: {  	s0 =	sld [smem:$0x3F9A];
	_ =	swait.ge [sflag:s4], $0x0  }
0x19: {  	s7 =	sld [smem:$0x3F9B]  }
0x1a: {  	s8 =	sadd.s32 $0xFFFFE003, lr  }
0x1b: {  	s9 =	sadd.s32 $0xFFFFFEF7, lr;
	s5 =	simm.s32 $0xFFFFFFFF;
	p2 =	slt.u32 s8, $0xFFFFF086  }
0x1c: {  	p1 =	slt.u32 s9, $0xF7A;
	s5 =	simm.s32 @!p2 $0x0  }
0x1d: {  	s5 =	simm.s32 @p1 $0x1;
	p0 =	seq.s32 s7, s2  }
0x1e: {  	s7 =	smul.u32 @!p0 $0xF7A, s2;
	p2 =	seq.s32 @!p0 s5, $0x0  }
0x1f: {  	s9 =	smul.u32 $0xF7A, s1;
	s8 =	simm.s32 @!p0 $0x1BF5;
	p2 =	por !p2, p0  }
0x20: {  	[sflag:s8] =	ssyncset.s32 @!p0 $0xFFFFF086;
	s6 =	sadd.s32 @!p0 s3, s7;
	s7 =	simm.s32 @!p0 $0x108  }
0x21: {  	s3 =	sadd.s32 s3, s9;
	s6 =	sadd.s32 @!p0 $0x88, s6;
	s7 =	simm.s32 @p2 $0x1082  }
0x22: {  	[simem:s7], [sflag:s8] =	dma.local @!p0 [hbm:s6], $0xF7A  }
0x23: {  	s9 =	sor.u32 $0xD0000000, s2;
	s6 =	simm.s32 $0x108;
	_ =	swait.ge @!p0 [sflag:s8], $0x0  }
0x24: {  	s3 =	sadd.s32 $0x88, s3;
	s6 =	simm.s32 @!p1 $0x1082;
	[sflag:s4] =	ssyncset.s32 $0xFFFFF086  }
0x25: {  	[simem:s6], [sflag:s4] =	dma.local [hbm:s3], $0xF7A  }
0x26: {  	[smem:$0x3F9B] =	sst s1;
	(tag) =	ssettag s2;
	_ =	strace s9  }
0x27: {  	s1 =	sld [smem:$0x3FAB]  }
0x28: {  	s2 =	sld [smem:$0x3FAC]  }
0x29: {  	s4 =	sld [smem:$0x3FAE]  }
0x2a: {  	p0 =	seq.s32 s5, $0x0;
	s5 =	sld [smem:$0x3FAF]  }
0x2b: {  	s6 =	sld [smem:$0x3FB0]  }
0x2c: {  	s7 =	sld [smem:$0x3FB1]  }
0x2d: {  	s3 =	simm.s32 $0x108;
	s8 =	sld [smem:$0x3FB2]  }
0x2e: {  	s3 =	simm.s32 @!p0 $0x1082;
	s9 =	sld [smem:$0x3FB3]  }
0x2f: {  	lr =	sadd.s32 s0, s3;
	s0 =	sld [smem:$0x3FAA]  }
0x30: {  	s3 =	sld [smem:$0x3FAD]  }
0x31: {  	[smem:$0x3FB6] =	sst s10  }
0x32: {  	s10 =	sld [smem:$0x3FB4];
	_ =	sdelay $0x3  }
0x33: {  	p0 =	seq.s32 s10, $0x1;
	s10 =	sld [smem:$0x3FB6];
	_ =	sdelay $0x3  }
0x34: {  	[smem:$0x3FB6] =	sst s10  }
0x35: {  	s10 =	sld [smem:$0x3FB5];
	_ =	sdelay $0x3  }
0x36: {  	p1 =	seq.s32 s10, $0x1;
	s10 =	sld [smem:$0x3FB6];
	_ =	sdelay $0x3  }
0x37: {  	[smem:$0x3FB6] =	sst s10  }
0x38: {  	s10 =	sld [smem:$0x3FB7]  }
0x39: {  	_ = 	snop;
	(pc) =	sbr.ind lr, $3  }
0x3a: {  	_ = 	snop  }
0x3b: {  	_ = 	snop  }
0x3c: {  	p2 =	seq.s32 s10, $0x1;
	s10 =	sld [smem:$0x3FB6]  }
0x3d: {  	_ =	shalt  }
0x3e: {  	_ =	shalt  }
0x3f: {  	_ =	shalt  }
0x40: {  	_ =	shalt  }
0x41: {  	_ =	shalt  }
0x42: {  	_ =	shalt  }
0x43: {  	_ =	shalt  }
0x44: {  	_ =	shalt  }
0x45: {  	_ =	shalt  }
0x46: {  	_ =	shalt  }
0x47: {  	_ =	shalt  }
0x48: {  	_ =	shalt  }
0x49: {  	_ =	shalt  }
0x4a: {  	_ =	shalt  }
0x4b: {  	_ =	shalt  }
0x4c: {  	_ =	shalt  }
0x4d: {  	_ =	shalt  }
0x4e: {  	_ =	shalt  }
0x4f: {  	_ =	shalt  }
0x50: {  	_ =	shalt  }
0x51: {  	_ =	shalt  }
0x52: {  	_ =	shalt  }
0x53: {  	_ =	shalt  }
0x54: {  	_ =	shalt  }
0x55: {  	_ =	shalt  }
0x56: {  	_ =	shalt  }
0x57: {  	_ =	shalt  }
0x58: {  	_ =	shalt  }
0x59: {  	_ =	shalt  }
0x5a: {  	_ =	shalt  }
0x5b: {  	_ =	shalt  }
0x5c: {  	_ =	shalt  }
0x5d: {  	_ =	shalt  }
0x5e: {  	_ =	shalt  }
0x5f: {  	_ =	shalt  }
0x60: {  	_ =	shalt  }
0x61: {  	_ =	shalt  }
0x62: {  	_ =	shalt  }
0x63: {  	_ =	shalt  }
0x64: {  	_ =	shalt  }
0x65: {  	_ =	shalt  }
0x66: {  	_ =	shalt  }
0x67: {  	_ =	shalt  }
0x68: {  	_ =	shalt  }
0x69: {  	_ =	shalt  }
0x6a: {  	_ =	shalt  }
0x6b: {  	_ =	shalt  }
0x6c: {  	_ =	shalt  }
0x6d: {  	_ =	shalt  }
0x6e: {  	_ =	shalt  }
0x6f: {  	_ =	shalt  }
0x70: {  	_ =	shalt  }
0x71: {  	_ =	shalt  }
0x72: {  	_ =	shalt  }
0x73: {  	_ =	shalt  }
0x74: {  	_ =	shalt  }
0x75: {  	_ =	shalt  }
0x76: {  	_ =	shalt  }
0x77: {  	_ =	shalt  }
0x78: {  	_ =	shalt  }
0x79: {  	_ =	shalt  }
0x7a: {  	_ =	shalt  }
0x7b: {  	_ =	shalt  }
0x7c: {  	_ =	shalt  }
0x7d: {  	_ =	shalt  }
0x7e: {  	_ =	shalt  }
0x7f: {  	_ =	shalt  }
0x80: {  	_ =	shalt  }
0x81: {  	_ =	shalt  }
0x82: {  	_ =	shalt  }
0x83: {  	_ =	shalt  }
0x84: {  	_ =	shalt  }
0x85: {  	_ =	shalt  }
0x86: {  	_ =	shalt  }
0x87: {  	_ =	shalt  }
.Lfunc_end0:
.L_simem_size_0:
called_computation_lowered:
.L_overlay_start_0:
0x88: {  	s2 =	sld [smem:$0x3FD9]  }
0x89: {  	s3 =	sld [smem:$0x3FFE];
	_ =	sdelay $0x1  }
0x8a: {  	s1 =	srdreg.scid  }
0x8b: {  	s0 =	sand.u32 $0x1, s1  }
0x8c: {  	s17 =	sshll.u32 s0, $0xA;
	s2 =	sadd.s32 s3, s2  }
0x8d: {  	s2 =	sadd.s32 s2, s17  }
0x8e: {  	[smem:$0x3FC2] =	sst s2  }
0x8f: {  	_ = 	snop  }
0x90: {  	s2 =	sld [smem:$0x3FD0];
	(tm) =	ssettm $0x1  }
0x91: {  	s18 =	sld [smem:$0x3FFB];
	_ =	sdelay $0x3  }
0x92: {  	_ =	strace s18  }
0x93: {  	s3 =	sld [smem:$0x3FFC];
	_ =	sdelay $0x3  }
0x94: {  	_ =	strace s3  }
0x95: {  	s3 =	sld [smem:$0x3FFD];
	_ =	sdelay $0x3  }
0x96: {  	_ =	strace s3  }
0x97: {  	_ =	strace $0x8FFFFFFF  }
0x98: {  	s19 =	sld [smem:$0x3FDB];
	_ =	sdelay $0x1  }
0x99: {  	s4 =	simm.s32 $_scs_section_size  }
0x9a: {  	s5 =	simm.s32 $_size__tile_overlayer_lowered;
	s6 =	simm.s32 $_tile_overlayer_lowered  }
0x9b: {  	s22 =	simm.s32 $0x1BFF;
	s21 =	sshll.u32 s6, $0x1;
	s3 =	sadd.s32 s4, s19  }
0x9c: {  	s7 =	simm.s32 $0x0;
	s20 =	sshll.u32 s5, $0x1;
	s5 =	sadd.s32 s21, s3  }
0x9d: {  	[timem:s7], [sflag:s22] =	dma.local [hbm:s5], s20  }
0x9e: {  	_ =	swait.ge [sflag:s22], s20  }
0x9f: {  	s4 =	ssub.s32 $0x0, s20;
	[sflag:s22] =	ssyncset.done $0x0  }
0xa0: {  	[sflag:s22] =	ssyncadd.s32 s4;
	_ =	sdelay $0x1  }
0xa1: {  	s23 =	simm.s32 $0x1B8B  }
0xa2: {  	_ =	swait.ge [sflag:s23], $0x1  }
0xa3: {  	[sflag:s23] =	ssyncset.done $0x0  }
0xa4: {  	s25 =	simm.s32 $0x1B8E;
	s24 =	sld [smem:$0x3FFE];
	[sflag:s23] =	ssyncadd.s32 $0xFFFFFFFF  }
0xa5: {  	s26 =	simm.s32 $execute0_lowered;
	[smem:$0x3FD2] =	sst s25  }
0xa6: {  	s5 =	sshll.u32 s26, $0x1;
	_ =	strace $0x80000046;
	[dreg:$0x1] =	wrdreg $0xFFFFFFFF  }
0xa7: {  	s28 =	simm.s32 $_size_execute0_lowered;
	s3 =	sadd.s32 s3, s5;
	[dreg:$0x0] =	wrdreg $0x0  }
0xa8: {  	s5 =	sshll.u32 s28, $0x1;
	[dreg:$0x2] =	wrdreg s3  }
0xa9: {  	[dreg:$0x3] =	wrdreg s5  }
0xaa: {  	[dreg:$0x4] =	wrdreg $0xC0  }
0xab: {  	_ =	task [dreg:s7], $0x5FFFF  }
0xac: {  	[dreg:$0x1] =	wrdreg $0xFFFFFFFF  }
0xad: {  	[dreg:$0x0] =	wrdreg $0x60  }
0xae: {  	[dreg:$0x2] =	wrdreg s24  }
0xaf: {  	[dreg:$0x3] =	wrdreg s2  }
0xb0: {  	[dreg:$0x4] =	wrdreg $0x9  }
0xb1: {  	_ =	task.clear_ibuf [dreg:s7], $0x5FFFF;
	_ =	strace $0x90000046  }
0xb2: {  	s29 =	simm.s32 $0x9;
	_ =	strace $0x80000048  }
0xb3: {  	_ =	swait.ge [sflag:s29], $0x1  }
0xb4: {  	[sflag:s29] =	ssyncadd.s32 $0xFFFFFFFF  }
0xb5: {  	_ =	strace $0x90000048  }
0xb6: {  	_ =	sfence  }
0xb7: {  	s30 =	sld [smem:$0x0];
	_ =	sdelay $0x2  }
0xb8: {  	s31 =	sshll.u32 s1, $0xD;
	s1 =	sshrl.u32 s1, $0x2  }
0xb9: {  	s3 =	sand.u32 $0x4000, s31;
	s1 =	sadd.s32 s1, s30  }
0xba: {  	s0 =	sor.u32 s3, s0;
	s1 =	sshll.u32 s1, $0x11  }
0xbb: {  	s0 =	sor.u32 s1, s0  }
0xbc: {  	s0 =	sadd.s32 $0x8F2B, s0  }
0xbd: {  	[sflag:s0] =	ssyncadd.remote.s32 $0x1  }
0xbe: {  	_ =	sfence.sel $0xFFFF  }
0xbf: {  	[dreg:$0x0] =	wrdreg $0xFFFFFFFF;
	(pc) =	sbr.abs _section_cstart, $3  }
0xc0: {  	[dreg:$0x1] =	wrdreg $0xFFFFFFFF  }
0xc1: {  	_ =	task.clear_ibuf [dreg:s7], $0x2FFFF;
	_ =	strace $0x9FFFFFFF  }
0xc2: {  	(tm) =	ssettm $0x7FFFFFFF  }
0xc3: {  	_ =	shalt  }
tec
execute0_lowered:
.L_overlay_start_1:
0x0: {  	(tag) =	ssettag $0x1  }
0x1: {  	s3 =	rddreg [dreg:$0x0]  }
0x2: {  	s4 =	rddreg [dreg:$0x1]  }
0x3: {  	s1 =	srdreg.scid;
	s0 =	rddreg [dreg:$0x2]  }
0x4: {  	s2 =	simm.s32 $0x0;
	s9 =	simm.s32 $0x100;
	s5 =	sand.u32 $0x1, s1  }
0x5: {  	s10 =	simm.s32 $0x0;
	s1 =	stileid.u32;
	s6 =	smul.u32 $0x27800, s5  }
0x6: {  	[smem:$0x7FF] =	sst s2;
	s7 =	smul.u32 $0x2780, s1;
	s8 =	sshll.u32 s5, $0x4  }
0x7: {  	s5 =	ssub.s32 $0x2, s5;
	_ =	strace $0x80000047;
	s8 =	sor.u32 s1, s8  }
0x8: {  	s31 =	sshrl.u32 s5, $0x1;
	s6 =	sadd.s32 s7, s6;
	s8 =	smul.u32 $0x4E2, s8  }
0x9: {  	s5 =	ssub.s32 s5, s31;
	s7 =	simm.s32 $0x1;
	s6 =	sshrl.u32 s6, $0x3  }
0xa: {  	s6 =	sadd.s32 s6, s3;
	s3 =	sadd.s32 s4, s8;
	s4 =	smax.u32 s5, $0x1  }
0xb: {  	v0 =	vimm.f32 $0.0e+00;
	s8 =	simm.s32 $0x80;
	s5 =	sadd.s32 $0x1600, s6;
	s6 =	sadd.s32 $0xB400, s6  }
.LBB2_1:
0xc: {  	s11 =	simm.s32 $0x0  }
.LBB2_2:
0xd: {  	p0 =	sne.s32 s11, $0x9C00  }
.Ltmp0:
0xe: {  	_ = 	snop;
	(pc) =	sbr.rel @p0 .LBB2_2-.Ltmp0, $3  }
0xf: {  	_ =	sdelay $0x1  }
0x10: {  	s12 =	sshra.s32 s11, $0x2  }
0x11: {  	s11 =	sadd.s32 $0x40, s11;
	[tilespmem:s12+$0x100] =	vst v0  }
0x12: {  	s11 =	simm.s32 $0x0  }
.LBB2_4:
0x13: {  	s12 =	sadd.s32 s11, s6  }
0x14: {  	[tilespmem:s2], [sflag:$0x1] =	stream.linear.gather [hbm4b:s12+s2], $0x80, $0x38;
	[tilespmem:$0x2810] =	vst v63  }
0x15: {  	_ =	swait.ge [sflag:s7], $0x80  }
0x16: {  	[sflag:s7] =	ssyncset.done $0x0  }
0x17: {  	s31 =	sadd.s32 s11, s5;
	[sflag:s7] =	ssyncadd.s32 $0xFFFFFF80  }
0x18: {  	[tilespmem:s8], [sflag:$0x1] =	stream.linear.gather [hbm4b:s31+s2], $0x80, $0x38;
	[tilespmem:$0x2810] =	vst v63  }
0x19: {  	_ =	swait.ge [sflag:s7], $0x80  }
0x1a: {  	[sflag:s7] =	ssyncset.done $0x0  }
0x1b: {  	[sflag:s7] =	ssyncadd.s32 $0xFFFFFF80  }
0x1c: {  	v1 =	vld [tilespmem:$0x0];
	_ =	sdelay $0x2  }
0x1d: {  	v2 =	vld [tilespmem:$0x80];
	_ =	sdelay $0x4  }
0x1e: {  	[tilespmem:v1+s9+$0x0] =	vst.idx.add.f32.msk $0xffff, v2  }
0x1f: {  	v1 =	vld [tilespmem:$0x10];
	_ =	sdelay $0x2  }
0x20: {  	v2 =	vld [tilespmem:$0x90];
	_ =	sdelay $0x4  }
0x21: {  	[tilespmem:v1+s9+$0x0] =	vst.idx.add.f32.msk $0xffff, v2  }
0x22: {  	v1 =	vld [tilespmem:$0x20];
	_ =	sdelay $0x2  }
0x23: {  	v2 =	vld [tilespmem:$0xA0];
	_ =	sdelay $0x4  }
0x24: {  	[tilespmem:v1+s9+$0x0] =	vst.idx.add.f32.msk $0xffff, v2  }
0x25: {  	v1 =	vld [tilespmem:$0x30];
	_ =	sdelay $0x2  }
0x26: {  	v2 =	vld [tilespmem:$0xB0];
	_ =	sdelay $0x4  }
0x27: {  	[tilespmem:v1+s9+$0x0] =	vst.idx.add.f32.msk $0xffff, v2  }
0x28: {  	v1 =	vld [tilespmem:$0x40];
	_ =	sdelay $0x2  }
0x29: {  	v2 =	vld [tilespmem:$0xC0];
	_ =	sdelay $0x4  }
0x2a: {  	[tilespmem:v1+s9+$0x0] =	vst.idx.add.f32.msk $0xffff, v2  }
0x2b: {  	v1 =	vld [tilespmem:$0x50];
	_ =	sdelay $0x2  }
0x2c: {  	v2 =	vld [tilespmem:$0xD0];
	_ =	sdelay $0x4  }
0x2d: {  	[tilespmem:v1+s9+$0x0] =	vst.idx.add.f32.msk $0xffff, v2  }
0x2e: {  	v1 =	vld [tilespmem:$0x60];
	_ =	sdelay $0x2  }
0x2f: {  	v2 =	vld [tilespmem:$0xE0];
	_ =	sdelay $0x4  }
0x30: {  	[tilespmem:v1+s9+$0x0] =	vst.idx.add.f32.msk $0xffff, v2  }
0x31: {  	v1 =	vld [tilespmem:$0x70];
	_ =	sdelay $0x2  }
0x32: {  	p0 =	sne.s32 s11, $0x4E0;
	v2 =	vld [tilespmem:$0xF0]  }
.Ltmp1:
0x33: {  	_ = 	snop;
	(pc) =	sbr.rel @p0 .LBB2_4-.Ltmp1, $2  }
0x34: {  	_ =	sdelay $0x2  }
0x35: {  	s11 =	sadd.s32 $0x10, s11;
	[tilespmem:v1+s9+$0x0] =	vst.idx.add.f32.msk $0xffff, v2  }
0x36: {  	s10 =	sadd.s32 $0x1, s10  }
0x37: {  	p0 =	sne.s32 s10, s4  }
.Ltmp2:
0x38: {  	_ = 	snop;
	(pc) =	sbr.rel @p0 .LBB2_1-.Ltmp2, $4  }
0x39: {  	[hbm4b:s3+s2] =	stream.linear.scatter [tilespmem:s9], [sflag:$0x1], $0x2710, $0x38;
	[tilespmem:$0x2810] =	vst v63  }
0x3a: {  	_ =	swait.ge [sflag:s7], $0x2710  }
0x3b: {  	[sflag:s7] =	ssyncset.done $0x0  }
0x3c: {  	[sflag:s7] =	ssyncadd.s32 $0xFFFFD8F0  }
0x3d: {  	_ =	sfence.sel $0x180000  }
0x3e: {  	[bflag:$0x0] =	sbarrier.arrive $0xFFFF  }
0x3f: {  	p0 =	sne.s32 s1, $0x0;
	_ =	strace $0x90000047  }
0x40: {  	s0 =	sadd.s32 @!p0 $0x100000, s0;
	[bflag:$0x2] =	sbarrier.arrive $0xFFFF  }
0x41: {  	[sflag:s0] =	ssyncadd.tile.s32 @!p0 $0x1;
	_ =	shalt  }
.Lfunc_end2:
_tile_overlayer_lowered:
.L_overlay_start_2:
0x42: {  	(tag) =	ssettag $0x2  }
0x43: {  	s0 =	rddreg [dreg:$0x0];
	s2 =	stileid.u32  }
0x44: {  	s1 =	rddreg [dreg:$0x1];
	p0 =	sne.s32 s2, $0x0  }
0x45: {  	s3 =	rddreg [dreg:$0x2];
	[bflag:$0x3] =	sbarrier.arrive $0xFFFF;
	s2 =	simm.s32 @!p0 $0x1C01  }
0x46: {  	[timem:s3], [sflag:s2] =	dma.local @!p0 [hbm:s0], s1  }
0x47: {  	s0 =	simm.s32 @!p0 $0x1  }
0x48: {  	_ =	swait.ge @!p0 [sflag:s0], s1  }
0x49: {  	s1 =	ssub.s32 @!p0 $0x0, s1;
	[sflag:s0] =	ssyncset.done @!p0 $0x0  }
0x4a: {  	[sflag:s0] =	ssyncadd.s32 @!p0 s1  }
0x4b: {  	[bflag:$0x3] =	sbarrier.arrive $0xFFFF  }
0x4c: {  	_ =	shalt  }

// kernel: kernel.9.cloned.1.call-start
scs
__scs_entry_jumppad:
0x0: {  	(pc) =	sbr.rel $0x88, $3  }
0x1: {  	(tag) =	ssettag $0x0;
	lr =	simm.s32 $0x1  }
0x2: {  	[smem:$0x3F9B] =	sst lr;
	_ =	strace $0xD0000000  }
0x3: {  	_ = 	snop  }
0x4: {  	_ = 	snop  }
0x5: {  	_ = 	snop  }
0x6: {  	_ = 	snop  }
0x7: {  	_ = 	snop  }
__scs_overlays_trampoline_lowered:
0x8: {  	[smem:$0x3FAA] =	sst s0  }
0x9: {  	[smem:$0x3FAB] =	sst s1  }
0xa: {  	[smem:$0x3FAC] =	sst s2  }
0xb: {  	[smem:$0x3FAD] =	sst s3  }
0xc: {  	[smem:$0x3FAE] =	sst s4  }
0xd: {  	[smem:$0x3FAF] =	sst s5  }
0xe: {  	[smem:$0x3FB0] =	sst s6  }
0xf: {  	[smem:$0x3FB1] =	sst s7  }
0x10: {  	[smem:$0x3FB2] =	sst s8  }
0x11: {  	[smem:$0x3FB3] =	sst s9;
	s0 =	simm.s32 @!p0 $0x0  }
0x12: {  	s1 =	sld [smem:$0x3F99];
	s0 =	simm.s32 @p0 $0x1  }
0x13: {  	[smem:$0x3FB4] =	sst s0;
	s0 =	simm.s32 @!p1 $0x0  }
0x14: {  	s2 =	sld [smem:$0x3F98];
	s0 =	simm.s32 @p1 $0x1  }
0x15: {  	[smem:$0x3FB5] =	sst s0;
	s0 =	simm.s32 @!p2 $0x0  }
0x16: {  	s3 =	sld [smem:$0x3FDB];
	s0 =	simm.s32 @p2 $0x1  }
0x17: {  	s4 =	simm.s32 $0x1BF5;
	[smem:$0x3FB7] =	sst s0  }
0x18: {  	s0 =	sld [smem:$0x3F9A];
	_ =	swait.ge [sflag:s4], $0x0  }
0x19: {  	s7 =	sld [smem:$0x3F9B]  }
0x1a: {  	s8 =	sadd.s32 $0xFFFFE003, lr  }
0x1b: {  	s9 =	sadd.s32 $0xFFFFFEF7, lr;
	s5 =	simm.s32 $0xFFFFFFFF;
	p2 =	slt.u32 s8, $0xFFFFF086  }
0x1c: {  	p1 =	slt.u32 s9, $0xF7A;
	s5 =	simm.s32 @!p2 $0x0  }
0x1d: {  	s5 =	simm.s32 @p1 $0x1;
	p0 =	seq.s32 s7, s2  }
0x1e: {  	s7 =	smul.u32 @!p0 $0xF7A, s2;
	p2 =	seq.s32 @!p0 s5, $0x0  }
0x1f: {  	s9 =	smul.u32 $0xF7A, s1;
	s8 =	simm.s32 @!p0 $0x1BF5;
	p2 =	por !p2, p0  }
0x20: {  	[sflag:s8] =	ssyncset.s32 @!p0 $0xFFFFF086;
	s6 =	sadd.s32 @!p0 s3, s7;
	s7 =	simm.s32 @!p0 $0x108  }
0x21: {  	s3 =	sadd.s32 s3, s9;
	s6 =	sadd.s32 @!p0 $0x88, s6;
	s7 =	simm.s32 @p2 $0x1082  }
0x22: {  	[simem:s7], [sflag:s8] =	dma.local @!p0 [hbm:s6], $0xF7A  }
0x23: {  	s9 =	sor.u32 $0xD0000000, s2;
	s6 =	simm.s32 $0x108;
	_ =	swait.ge @!p0 [sflag:s8], $0x0  }
0x24: {  	s3 =	sadd.s32 $0x88, s3;
	s6 =	simm.s32 @!p1 $0x1082;
	[sflag:s4] =	ssyncset.s32 $0xFFFFF086  }
0x25: {  	[simem:s6], [sflag:s4] =	dma.local [hbm:s3], $0xF7A  }
0x26: {  	[smem:$0x3F9B] =	sst s1;
	(tag) =	ssettag s2;
	_ =	strace s9  }
0x27: {  	s1 =	sld [smem:$0x3FAB]  }
0x28: {  	s2 =	sld [smem:$0x3FAC]  }
0x29: {  	s4 =	sld [smem:$0x3FAE]  }
0x2a: {  	p0 =	seq.s32 s5, $0x0;
	s5 =	sld [smem:$0x3FAF]  }
0x2b: {  	s6 =	sld [smem:$0x3FB0]  }
0x2c: {  	s7 =	sld [smem:$0x3FB1]  }
0x2d: {  	s3 =	simm.s32 $0x108;
	s8 =	sld [smem:$0x3FB2]  }
0x2e: {  	s3 =	simm.s32 @!p0 $0x1082;
	s9 =	sld [smem:$0x3FB3]  }
0x2f: {  	lr =	sadd.s32 s0, s3;
	s0 =	sld [smem:$0x3FAA]  }
0x30: {  	s3 =	sld [smem:$0x3FAD]  }
0x31: {  	[smem:$0x3FB6] =	sst s10  }
0x32: {  	s10 =	sld [smem:$0x3FB4];
	_ =	sdelay $0x3  }
0x33: {  	p0 =	seq.s32 s10, $0x1;
	s10 =	sld [smem:$0x3FB6];
	_ =	sdelay $0x3  }
0x34: {  	[smem:$0x3FB6] =	sst s10  }
0x35: {  	s10 =	sld [smem:$0x3FB5];
	_ =	sdelay $0x3  }
0x36: {  	p1 =	seq.s32 s10, $0x1;
	s10 =	sld [smem:$0x3FB6];
	_ =	sdelay $0x3  }
0x37: {  	[smem:$0x3FB6] =	sst s10  }
0x38: {  	s10 =	sld [smem:$0x3FB7]  }
0x39: {  	_ = 	snop;
	(pc) =	sbr.ind lr, $3  }
0x3a: {  	_ = 	snop  }
0x3b: {  	_ = 	snop  }
0x3c: {  	p2 =	seq.s32 s10, $0x1;
	s10 =	sld [smem:$0x3FB6]  }
0x3d: {  	_ =	shalt  }
0x3e: {  	_ =	shalt  }
0x3f: {  	_ =	shalt  }
0x40: {  	_ =	shalt  }
0x41: {  	_ =	shalt  }
0x42: {  	_ =	shalt  }
0x43: {  	_ =	shalt  }
0x44: {  	_ =	shalt  }
0x45: {  	_ =	shalt  }
0x46: {  	_ =	shalt  }
0x47: {  	_ =	shalt  }
0x48: {  	_ =	shalt  }
0x49: {  	_ =	shalt  }
0x4a: {  	_ =	shalt  }
0x4b: {  	_ =	shalt  }
0x4c: {  	_ =	shalt  }
0x4d: {  	_ =	shalt  }
0x4e: {  	_ =	shalt  }
0x4f: {  	_ =	shalt  }
0x50: {  	_ =	shalt  }
0x51: {  	_ =	shalt  }
0x52: {  	_ =	shalt  }
0x53: {  	_ =	shalt  }
0x54: {  	_ =	shalt  }
0x55: {  	_ =	shalt  }
0x56: {  	_ =	shalt  }
0x57: {  	_ =	shalt  }
0x58: {  	_ =	shalt  }
0x59: {  	_ =	shalt  }
0x5a: {  	_ =	shalt  }
0x5b: {  	_ =	shalt  }
0x5c: {  	_ =	shalt  }
0x5d: {  	_ =	shalt  }
0x5e: {  	_ =	shalt  }
0x5f: {  	_ =	shalt  }
0x60: {  	_ =	shalt  }
0x61: {  	_ =	shalt  }
0x62: {  	_ =	shalt  }
0x63: {  	_ =	shalt  }
0x64: {  	_ =	shalt  }
0x65: {  	_ =	shalt  }
0x66: {  	_ =	shalt  }
0x67: {  	_ =	shalt  }
0x68: {  	_ =	shalt  }
0x69: {  	_ =	shalt  }
0x6a: {  	_ =	shalt  }
0x6b: {  	_ =	shalt  }
0x6c: {  	_ =	shalt  }
0x6d: {  	_ =	shalt  }
0x6e: {  	_ =	shalt  }
0x6f: {  	_ =	shalt  }
0x70: {  	_ =	shalt  }
0x71: {  	_ =	shalt  }
0x72: {  	_ =	shalt  }
0x73: {  	_ =	shalt  }
0x74: {  	_ =	shalt  }
0x75: {  	_ =	shalt  }
0x76: {  	_ =	shalt  }
0x77: {  	_ =	shalt  }
0x78: {  	_ =	shalt  }
0x79: {  	_ =	shalt  }
0x7a: {  	_ =	shalt  }
0x7b: {  	_ =	shalt  }
0x7c: {  	_ =	shalt  }
0x7d: {  	_ =	shalt  }
0x7e: {  	_ =	shalt  }
0x7f: {  	_ =	shalt  }
0x80: {  	_ =	shalt  }
0x81: {  	_ =	shalt  }
0x82: {  	_ =	shalt  }
0x83: {  	_ =	shalt  }
0x84: {  	_ =	shalt  }
0x85: {  	_ =	shalt  }
0x86: {  	_ =	shalt  }
0x87: {  	_ =	shalt  }
.Lfunc_end0:
.L_simem_size_0:
called_computation.1_lowered:
.L_overlay_start_0:
0x88: {  	s2 =	sld [smem:$0x3FD9]  }
0x89: {  	s3 =	sld [smem:$0x3FFE];
	_ =	sdelay $0x1  }
0x8a: {  	s1 =	srdreg.scid  }
0x8b: {  	s0 =	sand.u32 $0x1, s1  }
0x8c: {  	s17 =	sshll.u32 s0, $0xA;
	s2 =	sadd.s32 s3, s2  }
0x8d: {  	s2 =	sadd.s32 s2, s17  }
0x8e: {  	[smem:$0x3FC2] =	sst s2  }
0x8f: {  	_ = 	snop  }
0x90: {  	s2 =	sld [smem:$0x3FD0];
	(tm) =	ssettm $0x1  }
0x91: {  	s18 =	sld [smem:$0x3FFB];
	_ =	sdelay $0x3  }
0x92: {  	_ =	strace s18  }
0x93: {  	s3 =	sld [smem:$0x3FFC];
	_ =	sdelay $0x3  }
0x94: {  	_ =	strace s3  }
0x95: {  	s3 =	sld [smem:$0x3FFD];
	_ =	sdelay $0x3  }
0x96: {  	_ =	strace s3  }
0x97: {  	_ =	strace $0x8FFFFFFF  }
0x98: {  	s19 =	sld [smem:$0x3FDB];
	_ =	sdelay $0x1  }
0x99: {  	s4 =	simm.s32 $_scs_section_size  }
0x9a: {  	s5 =	simm.s32 $_size__tile_overlayer_lowered;
	s6 =	simm.s32 $_tile_overlayer_lowered  }
0x9b: {  	s22 =	simm.s32 $0x1BFF;
	s21 =	sshll.u32 s6, $0x1;
	s3 =	sadd.s32 s4, s19  }
0x9c: {  	s7 =	simm.s32 $0x0;
	s20 =	sshll.u32 s5, $0x1;
	s5 =	sadd.s32 s21, s3  }
0x9d: {  	[timem:s7], [sflag:s22] =	dma.local [hbm:s5], s20  }
0x9e: {  	_ =	swait.ge [sflag:s22], s20  }
0x9f: {  	s4 =	ssub.s32 $0x0, s20;
	[sflag:s22] =	ssyncset.done $0x0  }
0xa0: {  	[sflag:s22] =	ssyncadd.s32 s4;
	_ =	sdelay $0x1  }
0xa1: {  	s23 =	simm.s32 $0x1B8B  }
0xa2: {  	_ =	swait.ge [sflag:s23], $0x1  }
0xa3: {  	[sflag:s23] =	ssyncset.done $0x0  }
0xa4: {  	s25 =	simm.s32 $0x1B8E;
	s24 =	sld [smem:$0x3FFE];
	[sflag:s23] =	ssyncadd.s32 $0xFFFFFFFF  }
0xa5: {  	s26 =	simm.s32 $execute0_lowered;
	[smem:$0x3FD2] =	sst s25  }
0xa6: {  	s5 =	sshll.u32 s26, $0x1;
	_ =	strace $0x80000049;
	[dreg:$0x1] =	wrdreg $0xFFFFFFFF  }
0xa7: {  	s28 =	simm.s32 $_size_execute0_lowered;
	s3 =	sadd.s32 s3, s5;
	[dreg:$0x0] =	wrdreg $0x0  }
0xa8: {  	s5 =	sshll.u32 s28, $0x1;
	[dreg:$0x2] =	wrdreg s3  }
0xa9: {  	[dreg:$0x3] =	wrdreg s5  }
0xaa: {  	[dreg:$0x4] =	wrdreg $0xC0  }
0xab: {  	_ =	task [dreg:s7], $0x5FFFF  }
0xac: {  	[dreg:$0x1] =	wrdreg $0xFFFFFFFF  }
0xad: {  	[dreg:$0x0] =	wrdreg $0x60  }
0xae: {  	[dreg:$0x2] =	wrdreg s24  }
0xaf: {  	[dreg:$0x3] =	wrdreg s2  }
0xb0: {  	[dreg:$0x4] =	wrdreg $0x41800  }
0xb1: {  	[dreg:$0x5] =	wrdreg $0x9  }
0xb2: {  	_ =	task.clear_ibuf [dreg:s7], $0x6FFFF;
	_ =	strace $0x90000049  }
0xb3: {  	s29 =	simm.s32 $0x9;
	_ =	strace $0x8000004B  }
0xb4: {  	_ =	swait.ge [sflag:s29], $0x1  }
0xb5: {  	[sflag:s29] =	ssyncadd.s32 $0xFFFFFFFF  }
0xb6: {  	_ =	strace $0x9000004B  }
0xb7: {  	_ =	sfence  }
0xb8: {  	s30 =	sld [smem:$0x0];
	_ =	sdelay $0x2  }
0xb9: {  	s31 =	sshll.u32 s1, $0xD;
	s1 =	sshrl.u32 s1, $0x2  }
0xba: {  	s3 =	sand.u32 $0x4000, s31;
	s1 =	sadd.s32 s1, s30  }
0xbb: {  	s0 =	sor.u32 s3, s0;
	s1 =	sshll.u32 s1, $0x11  }
0xbc: {  	s0 =	sor.u32 s1, s0  }
0xbd: {  	s0 =	sadd.s32 $0x8F2B, s0  }
0xbe: {  	[sflag:s0] =	ssyncadd.remote.s32 $0x1  }
0xbf: {  	_ =	sfence.sel $0xFFFF  }
0xc0: {  	[dreg:$0x0] =	wrdreg $0xFFFFFFFF;
	(pc) =	sbr.abs _section_cstart, $3  }
0xc1: {  	[dreg:$0x1] =	wrdreg $0xFFFFFFFF  }
0xc2: {  	_ =	task.clear_ibuf [dreg:s7], $0x2FFFF;
	_ =	strace $0x9FFFFFFF  }
0xc3: {  	(tm) =	ssettm $0x7FFFFFFF  }
tec
execute0_lowered:
.L_overlay_start_1:
0x0: {  	(tag) =	ssettag $0x1  }
0x1: {  	s8 =	rddreg [dreg:$0x0]  }
0x2: {  	s2 =	rddreg [dreg:$0x1]  }
0x3: {  	s3 =	rddreg [dreg:$0x2]  }
0x4: {  	s0 =	rddreg [dreg:$0x3]  }
0x5: {  	s5 =	srdreg.scid;
	s1 =	stileid.u32  }
0x6: {  	s4 =	simm.s32 $0x0;
	s16 =	simm.s32 $0x180;
	s17 =	simm.s32 $0x2  }
0x7: {  	s18 =	simm.s32 $0x80;
	s19 =	simm.s32 $0x100;
	s20 =	simm.s32 $0x1  }
0x8: {  	s9 =	sand.u32 $0x1, s5;
	s10 =	smul.u32 $0x13880, s1;
	[smem:$0x7FF] =	sst s4  }
0x9: {  	s5 =	sadd.s32 $0x15200, s8;
	s6 =	sadd.s32 $0xB400, s8;
	s13 =	smul.u32 $0x4E200, s1  }
0xa: {  	s7 =	smul.u32 $0x138800, s9;
	_ =	strace $0x8000004A;
	s12 =	ssub.s32 $0x2, s9  }
0xb: {  	s28 =	sshll.u32 s9, $0x4;
	s26 =	sshrl.u32 s12, $0x1;
	s29 =	sshrl.u32 s13, $0x2  }
0xc: {  	s30 =	sor.u32 s1, s28;
	s7 =	sadd.s32 s10, s7;
	s15 =	ssub.s32 s12, s26  }
0xd: {  	s31 =	sadd.s32 s29, s3;
	s13 =	smul.u32 $0x2780, s30;
	s11 =	sshrl.u32 s7, $0x3  }
0xe: {  	s7 =	sadd.s32 $0x1600, s8;
	s9 =	sadd.s32 $0x4000, s31;
	s12 =	sadd.s32 $0x10000, s31  }
0xf: {  	s15 =	smax.u32 s15, $0x1;
	s14 =	sadd.s32 s11, s8;
	s8 =	sadd.s32 s10, s3  }
0x10: {  	v0 =	vimm.f32 $0.0e+00;
	s10 =	sadd.s32 $0x8000, s31;
	s11 =	sadd.s32 $0xC000, s31;
	s14 =	sadd.s32 $0x1F000, s14  }
.LBB2_1:
0x11: {  	s21 =	simm.s32 $0x0;
	s22 =	simm.s32 $0x200  }
.LBB2_2:
0x12: {  	p0 =	sne.s32 s22, $0xFE00;
	[tilespmem:s21+$0x1F0] =	vst v0  }
0x13: {  	[tilespmem:s21+$0x180] =	vst v0  }
0x14: {  	[tilespmem:s21+$0x190] =	vst v0  }
.Ltmp0:
0x15: {  	[tilespmem:s21+$0x1A0] =	vst v0;
	(pc) =	sbr.rel @p0 .LBB2_2-.Ltmp0, $4  }
0x16: {  	[tilespmem:s21+$0x1B0] =	vst v0  }
0x17: {  	[tilespmem:s21+$0x1C0] =	vst v0  }
0x18: {  	[tilespmem:s21+$0x1D0] =	vst v0  }
0x19: {  	[tilespmem:s21+$0x1E0] =	vst v0;
	s21 =	sshra.s32 s22, $0x2;
	s22 =	sadd.s32 $0x200, s22  }
0x1a: {  	[tilespmem:s21+$0x1F0] =	vst v0  }
0x1b: {  	[tilespmem:s21+$0x180] =	vst v0  }
0x1c: {  	[tilespmem:s21+$0x190] =	vst v0  }
0x1d: {  	[tilespmem:s21+$0x1A0] =	vst v0  }
0x1e: {  	[tilespmem:s21+$0x1B0] =	vst v0  }
0x1f: {  	[tilespmem:s21+$0x1C0] =	vst v0  }
0x20: {  	[tilespmem:s21+$0x1D0] =	vst v0  }
0x21: {  	[tilespmem:s21+$0x1E0] =	vst v0  }
0x22: {  	[spmem:s8] =	stream.linear.scatter [tilespmem:s16], [sflag:$0x2], $0x4000, $0x38;
	[tilespmem:$0x17A00] =	vst v63  }
0x23: {  	_ =	swait.ge [sflag:s17], $0x4000  }
0x24: {  	[sflag:s17] =	ssyncset.done $0x0  }
0x25: {  	[sflag:s17] =	ssyncadd.s32 $0xFFFFC000  }
0x26: {  	[spmem:s9] =	stream.linear.scatter [tilespmem:s16], [sflag:$0x2], $0x4000, $0x38;
	[tilespmem:$0x17A00] =	vst v63  }
0x27: {  	_ =	swait.ge [sflag:s17], $0x4000  }
0x28: {  	[sflag:s17] =	ssyncset.done $0x0  }
0x29: {  	[sflag:s17] =	ssyncadd.s32 $0xFFFFC000  }
0x2a: {  	[spmem:s10] =	stream.linear.scatter [tilespmem:s16], [sflag:$0x2], $0x4000, $0x38;
	[tilespmem:$0x17A00] =	vst v63  }
0x2b: {  	_ =	swait.ge [sflag:s17], $0x4000  }
0x2c: {  	[sflag:s17] =	ssyncset.done $0x0  }
0x2d: {  	[sflag:s17] =	ssyncadd.s32 $0xFFFFC000  }
0x2e: {  	[spmem:s11] =	stream.linear.scatter [tilespmem:s16], [sflag:$0x2], $0x4000, $0x38;
	[tilespmem:$0x17A00] =	vst v63  }
0x2f: {  	_ =	swait.ge [sflag:s17], $0x4000  }
0x30: {  	[sflag:s17] =	ssyncset.done $0x0  }
0x31: {  	[sflag:s17] =	ssyncadd.s32 $0xFFFFC000  }
0x32: {  	[spmem:s12] =	stream.linear.scatter [tilespmem:s16], [sflag:$0x2], $0x3880, $0x38;
	[tilespmem:$0x17A00] =	vst v63  }
0x33: {  	_ =	swait.ge [sflag:s17], $0x3880  }
0x34: {  	[sflag:s17] =	ssyncset.done $0x0  }
0x35: {  	[sflag:s17] =	ssyncadd.s32 $0xFFFFC780  }
0x36: {  	s21 =	simm.s32 $0x0;
	s22 =	simm.s32 $0x0;
	[bflag:$0x0] =	sbarrier.arrive $0xFFFF  }
.LBB2_4:
0x37: {  	s23 =	sshll.u32 s22, $0x7  }
0x38: {  	s23 =	sadd.s32 s13, s23  }
0x39: {  	s23 =	sshrl.u32 s23, $0x3  }
0x3a: {  	s24 =	sadd.s32 s5, s23  }
0x3b: {  	[tilespmem:s21], [sflag:$0x2] =	stream.linear.gather [hbm4b:s24+s21], $0x80, $0x38;
	[tilespmem:$0x17A00] =	vst v63  }
0x3c: {  	_ =	swait.ge [sflag:s17], $0x80  }
0x3d: {  	[sflag:s17] =	ssyncset.done $0x0  }
0x3e: {  	s29 =	sadd.s32 s6, s23;
	[sflag:s17] =	ssyncadd.s32 $0xFFFFFF80  }
0x3f: {  	[tilespmem:s18], [sflag:$0x2] =	stream.linear.gather [hbm4b:s29+s21], $0x80, $0x38;
	[tilespmem:$0x17A00] =	vst v63  }
0x40: {  	_ =	swait.ge [sflag:s17], $0x80  }
0x41: {  	[sflag:s17] =	ssyncset.done $0x0  }
0x42: {  	s23 =	sadd.s32 s7, s23;
	[sflag:s17] =	ssyncadd.s32 $0xFFFFFF80  }
0x43: {  	[tilespmem:s19], [sflag:$0x2] =	stream.linear.gather [hbm4b:s23+s21], $0x80, $0x38;
	[tilespmem:$0x17A00] =	vst v63  }
0x44: {  	_ =	swait.ge [sflag:s17], $0x80  }
0x45: {  	[sflag:s17] =	ssyncset.done $0x0  }
0x46: {  	[sflag:s17] =	ssyncadd.s32 $0xFFFFFF80  }
0x47: {  	[tilespmem:s16], [sflag:$0x1] =	stream.indirect.gather [hbm4b:s2+s18], $0x80, s21, s18, $0xb8;
	[tilespmem:$0x17A00] =	vst v63  }
0x48: {  	_ =	swait.ge [sflag:s20], $0x4000  }
0x49: {  	s30 =	simm.s32 $0x0;
	[sflag:s20] =	ssyncset.done $0x0  }
0x4a: {  	s23 =	sand.u32 $0x3FFFFFF0, s30;
	[sflag:s20] =	ssyncadd.s32 $0xFFFFC000  }
0x4b: {  	s31 =	simm.s32 $0x0;
	v1 =	vld [tilespmem:s23+$0x100]  }
0x4c: {  	s23 =	sand.u32 $0x3FFFF800, s31  }
0x4d: {  	v3 =	vld [tilespmem:s23+$0x1A0]  }
0x4e: {  	v4 =	vld [tilespmem:s23+$0x1B0]  }
0x4f: {  	v10 =	vld [tilespmem:s23+$0x1E0]  }
0x50: {  	v11 =	vld [tilespmem:s23+$0x1F0];
	v2 =	vbroadcast v1, $0x0  }
0x51: {  	v12 =	vld [tilespmem:s23+$0x200]  }
0x52: {  	v13 =	vld [tilespmem:s23+$0x210];
	v3 =	vmul.f32 v3, v2  }
0x53: {  	v14 =	vld [tilespmem:s23+$0x220];
	v4 =	vmul.f32 v4, v2  }
0x54: {  	v9 =	vld [tilespmem:s23+$0x230];
	v23 =	vbroadcast v1, $0x1;
	v22 =	vmul.f32 v10, v2;
	[tilespmem:s23+$0x1A0] =	vst v3  }
0x55: {  	v7 =	vld [tilespmem:s23+$0x240];
	v11 =	vmul.f32 v11, v2;
	[tilespmem:s23+$0x1B0] =	vst v4  }
0x56: {  	v8 =	vld [tilespmem:s23+$0x250];
	v12 =	vmul.f32 v12, v23;
	[tilespmem:s23+$0x1E0] =	vst v22  }
0x57: {  	v25 =	vld [tilespmem:s23+$0x270];
	v13 =	vmul.f32 v13, v23;
	[tilespmem:s23+$0x1F0] =	vst v11  }
0x58: {  	v26 =	vld [tilespmem:s23+$0x280];
	v14 =	vmul.f32 v14, v23;
	[tilespmem:s23+$0x200] =	vst v12  }
0x59: {  	v27 =	vld [tilespmem:s23+$0x290];
	v9 =	vmul.f32 v9, v23;
	[tilespmem:s23+$0x210] =	vst v13  }
0x5a: {  	v6 =	vld [tilespmem:s23+$0x6F0];
	v7 =	vmul.f32 v7, v23;
	[tilespmem:s23+$0x220] =	vst v14  }
0x5b: {  	v24 =	vld [tilespmem:s23+$0x260];
	v15 =	vbroadcast v1, $0x2;
	v8 =	vmul.f32 v8, v23;
	[tilespmem:s23+$0x230] =	vst v9  }
0x5c: {  	v28 =	vld [tilespmem:s23+$0x2A0];
	v10 =	vmul.f32 v25, v23;
	[tilespmem:s23+$0x240] =	vst v7  }
0x5d: {  	v29 =	vld [tilespmem:s23+$0x2B0];
	v5 =	vbroadcast v1, $0xA;
	v32 =	vmul.f32 v26, v15;
	[tilespmem:s23+$0x250] =	vst v8  }
0x5e: {  	v30 =	vld [tilespmem:s23+$0x2C0];
	v34 =	vmul.f32 v27, v15;
	[tilespmem:s23+$0x270] =	vst v10  }
0x5f: {  	v33 =	vld [tilespmem:s23+$0x2E0];
	v3 =	vmul.f32 v6, v5;
	[tilespmem:s23+$0x280] =	vst v32  }
0x60: {  	v35 =	vld [tilespmem:s23+$0x2F0];
	v11 =	vmul.f32 v24, v23;
	[tilespmem:s23+$0x290] =	vst v34  }
0x61: {  	v36 =	vld [tilespmem:s23+$0x300];
	v9 =	vmul.f32 v28, v15;
	[tilespmem:s23+$0x6F0] =	vst v3  }
0x62: {  	v31 =	vld [tilespmem:s23+$0x2D0];
	v7 =	vmul.f32 v29, v15;
	[tilespmem:s23+$0x260] =	vst v11  }
0x63: {  	v37 =	vld [tilespmem:s23+$0x310];
	v8 =	vmul.f32 v30, v15;
	[tilespmem:s23+$0x2A0] =	vst v9  }
0x64: {  	v38 =	vld [tilespmem:s23+$0x320];
	v41 =	vbroadcast v1, $0x3;
	v10 =	vmul.f32 v33, v15;
	[tilespmem:s23+$0x2B0] =	vst v7  }
0x65: {  	v39 =	vld [tilespmem:s23+$0x330];
	v12 =	vmul.f32 v35, v15;
	[tilespmem:s23+$0x2C0] =	vst v8  }
0x66: {  	v42 =	vld [tilespmem:s23+$0x350];
	v13 =	vmul.f32 v36, v41;
	[tilespmem:s23+$0x2E0] =	vst v10  }
0x67: {  	v43 =	vld [tilespmem:s23+$0x360];
	v11 =	vmul.f32 v31, v15;
	[tilespmem:s23+$0x2F0] =	vst v12  }
0x68: {  	v44 =	vld [tilespmem:s23+$0x370];
	v9 =	vmul.f32 v37, v41;
	[tilespmem:s23+$0x300] =	vst v13  }
0x69: {  	v40 =	vld [tilespmem:s23+$0x340];
	v7 =	vmul.f32 v38, v41;
	[tilespmem:s23+$0x2D0] =	vst v11  }
0x6a: {  	v45 =	vld [tilespmem:s23+$0x380];
	v8 =	vmul.f32 v39, v41;
	[tilespmem:s23+$0x310] =	vst v9  }
0x6b: {  	v46 =	vld [tilespmem:s23+$0x390];
	v10 =	vmul.f32 v42, v41;
	[tilespmem:s23+$0x320] =	vst v7  }
0x6c: {  	v47 =	vld [tilespmem:s23+$0x3A0];
	v12 =	vmul.f32 v43, v41;
	[tilespmem:s23+$0x330] =	vst v8  }
0x6d: {  	v49 =	vld [tilespmem:s23+$0x3C0];
	v50 =	vbroadcast v1, $0x4;
	v13 =	vmul.f32 v44, v41;
	[tilespmem:s23+$0x350] =	vst v10  }
0x6e: {  	v51 =	vld [tilespmem:s23+$0x3D0];
	v11 =	vmul.f32 v40, v41;
	[tilespmem:s23+$0x360] =	vst v12  }
0x6f: {  	v52 =	vld [tilespmem:s23+$0x3E0];
	v9 =	vmul.f32 v45, v50;
	[tilespmem:s23+$0x370] =	vst v13  }
0x70: {  	v48 =	vld [tilespmem:s23+$0x3B0];
	v7 =	vmul.f32 v46, v50;
	[tilespmem:s23+$0x340] =	vst v11  }
0x71: {  	v53 =	vld [tilespmem:s23+$0x3F0];
	v8 =	vmul.f32 v47, v50;
	[tilespmem:s23+$0x380] =	vst v9  }
0x72: {  	v54 =	vld [tilespmem:s23+$0x400];
	v10 =	vmul.f32 v49, v50;
	[tilespmem:s23+$0x390] =	vst v7  }
0x73: {  	v55 =	vld [tilespmem:s23+$0x410];
	v12 =	vmul.f32 v51, v50;
	[tilespmem:s23+$0x3A0] =	vst v8  }
0x74: {  	v57 =	vld [tilespmem:s23+$0x430];
	v13 =	vmul.f32 v52, v50;
	[tilespmem:s23+$0x3C0] =	vst v10  }
0x75: {  	v58 =	vld [tilespmem:s23+$0x440];
	v59 =	vbroadcast v1, $0x5;
	v11 =	vmul.f32 v48, v50;
	[tilespmem:s23+$0x3D0] =	vst v12  }
0x76: {  	v60 =	vld [tilespmem:s23+$0x450];
	v9 =	vmul.f32 v53, v50;
	[tilespmem:s23+$0x3E0] =	vst v13  }
0x77: {  	v56 =	vld [tilespmem:s23+$0x420];
	v7 =	vmul.f32 v54, v59;
	[tilespmem:s23+$0x3B0] =	vst v11  }
0x78: {  	v61 =	vld [tilespmem:s23+$0x460];
	v8 =	vmul.f32 v55, v59;
	[tilespmem:s23+$0x3F0] =	vst v9  }
0x79: {  	v62 =	vld [tilespmem:s23+$0x470];
	v10 =	vmul.f32 v57, v59;
	[tilespmem:s23+$0x400] =	vst v7  }
0x7a: {  	v63 =	vld [tilespmem:s23+$0x480];
	v12 =	vmul.f32 v58, v59;
	[tilespmem:s23+$0x410] =	vst v8  }
0x7b: {  	v19 =	vld [tilespmem:s23+$0x4A0];
	v13 =	vmul.f32 v60, v59;
	[tilespmem:s23+$0x430] =	vst v10  }
0x7c: {  	v20 =	vld [tilespmem:s23+$0x4B0];
	v11 =	vmul.f32 v56, v59;
	[tilespmem:s23+$0x440] =	vst v12  }
0x7d: {  	v21 =	vld [tilespmem:s23+$0x4C0];
	v22 =	vbroadcast v1, $0x6;
	v9 =	vmul.f32 v61, v59;
	[tilespmem:s23+$0x450] =	vst v13  }
0x7e: {  	v18 =	vld [tilespmem:s23+$0x490];
	v7 =	vmul.f32 v62, v59;
	[tilespmem:s23+$0x420] =	vst v11  }
0x7f: {  	v23 =	vld [tilespmem:s23+$0x4D0];
	v8 =	vmul.f32 v63, v22;
	[tilespmem:s23+$0x460] =	vst v9  }
0x80: {  	v24 =	vld [tilespmem:s23+$0x4E0];
	v10 =	vmul.f32 v19, v22;
	[tilespmem:s23+$0x470] =	vst v7  }
0x81: {  	v25 =	vld [tilespmem:s23+$0x4F0];
	v12 =	vmul.f32 v20, v22;
	[tilespmem:s23+$0x480] =	vst v8  }
0x82: {  	v27 =	vld [tilespmem:s23+$0x510];
	v13 =	vmul.f32 v21, v22;
	[tilespmem:s23+$0x4A0] =	vst v10  }
0x83: {  	v28 =	vld [tilespmem:s23+$0x520];
	v11 =	vmul.f32 v18, v22;
	[tilespmem:s23+$0x4B0] =	vst v12  }
0x84: {  	v29 =	vld [tilespmem:s23+$0x530];
	v9 =	vmul.f32 v23, v22;
	[tilespmem:s23+$0x4C0] =	vst v13  }
0x85: {  	v31 =	vbroadcast v1, $0x7;
	v53 =	vld [tilespmem:s23+$0x680];
	v7 =	vmul.f32 v24, v22;
	[tilespmem:s23+$0x490] =	vst v11  }
0x86: {  	v57 =	vld [tilespmem:s23+$0x6C0];
	v8 =	vmul.f32 v25, v22;
	[tilespmem:s23+$0x4D0] =	vst v9  }
0x87: {  	v58 =	vld [tilespmem:s23+$0x6D0];
	v10 =	vmul.f32 v27, v31;
	[tilespmem:s23+$0x4E0] =	vst v7  }
0x88: {  	v26 =	vld [tilespmem:s23+$0x500];
	v12 =	vmul.f32 v28, v31;
	[tilespmem:s23+$0x4F0] =	vst v8  }
0x89: {  	v30 =	vld [tilespmem:s23+$0x540];
	v13 =	vmul.f32 v29, v31;
	[tilespmem:s23+$0x510] =	vst v10  }
0x8a: {  	v32 =	vld [tilespmem:s23+$0x550];
	v59 =	vmul.f32 v53, v5;
	[tilespmem:s23+$0x520] =	vst v12  }
0x8b: {  	v33 =	vld [tilespmem:s23+$0x560];
	v18 =	vmul.f32 v57, v5;
	[tilespmem:s23+$0x530] =	vst v13  }
0x8c: {  	v35 =	vld [tilespmem:s23+$0x580];
	v20 =	vmul.f32 v58, v5;
	[tilespmem:s23+$0x680] =	vst v59  }
0x8d: {  	v36 =	vld [tilespmem:s23+$0x590];
	v11 =	vmul.f32 v26, v31;
	[tilespmem:s23+$0x6C0] =	vst v18  }
0x8e: {  	v37 =	vld [tilespmem:s23+$0x5A0];
	v9 =	vmul.f32 v30, v31;
	[tilespmem:s23+$0x6D0] =	vst v20  }
0x8f: {  	v4 =	vld [tilespmem:s23+$0x700];
	v40 =	vbroadcast v1, $0x8;
	v7 =	vmul.f32 v32, v31;
	[tilespmem:s23+$0x500] =	vst v11  }
0x90: {  	v6 =	vld [tilespmem:s23+$0x710];
	v8 =	vmul.f32 v33, v31;
	[tilespmem:s23+$0x540] =	vst v9  }
0x91: {  	v3 =	vld [tilespmem:s23+$0x950];
	v10 =	vmul.f32 v35, v40;
	[tilespmem:s23+$0x550] =	vst v7  }
0x92: {  	v61 =	vld [tilespmem:s23+$0x180];
	v23 =	vbroadcast v1, $0xB;
	v12 =	vmul.f32 v36, v40;
	[tilespmem:s23+$0x560] =	vst v8  }
0x93: {  	v34 =	vld [tilespmem:s23+$0x570];
	v13 =	vmul.f32 v37, v40;
	[tilespmem:s23+$0x580] =	vst v10  }
0x94: {  	v38 =	vld [tilespmem:s23+$0x5B0];
	v27 =	vbroadcast v1, $0xF;
	v4 =	vmul.f32 v4, v23;
	[tilespmem:s23+$0x590] =	vst v12  }
0x95: {  	v39 =	vld [tilespmem:s23+$0x5C0];
	v6 =	vmul.f32 v6, v23;
	[tilespmem:s23+$0x5A0] =	vst v13  }
0x96: {  	v41 =	vld [tilespmem:s23+$0x5D0];
	v3 =	vmul.f32 v3, v27;
	[tilespmem:s23+$0x700] =	vst v4  }
0x97: {  	v43 =	vld [tilespmem:s23+$0x5F0];
	v24 =	vmul.f32 v2, v61;
	[tilespmem:s23+$0x710] =	vst v6  }
0x98: {  	v44 =	vld [tilespmem:s23+$0x600];
	v11 =	vmul.f32 v34, v31;
	[tilespmem:s23+$0x950] =	vst v3  }
0x99: {  	v45 =	vld [tilespmem:s23+$0x610];
	v9 =	vmul.f32 v38, v40;
	[tilespmem:s23+$0x180] =	vst v24  }
0x9a: {  	v63 =	vld [tilespmem:s23+$0x1C0];
	v7 =	vmul.f32 v39, v40;
	[tilespmem:s23+$0x570] =	vst v11  }
0x9b: {  	v49 =	vbroadcast v1, $0x9;
	v29 =	vld [tilespmem:s23+$0x770];
	v8 =	vmul.f32 v41, v40;
	[tilespmem:s23+$0x5B0] =	vst v9  }
0x9c: {  	v42 =	vld [tilespmem:s23+$0x5E0];
	v10 =	vmul.f32 v43, v40;
	[tilespmem:s23+$0x5C0] =	vst v7  }
0x9d: {  	v46 =	vld [tilespmem:s23+$0x620];
	v12 =	vmul.f32 v44, v49;
	[tilespmem:s23+$0x5D0] =	vst v8  }
0x9e: {  	v47 =	vld [tilespmem:s23+$0x630];
	v13 =	vmul.f32 v45, v49;
	[tilespmem:s23+$0x5F0] =	vst v10  }
0x9f: {  	v48 =	vld [tilespmem:s23+$0x640];
	v3 =	vmul.f32 v63, v2;
	[tilespmem:s23+$0x600] =	vst v12  }
0xa0: {  	v51 =	vld [tilespmem:s23+$0x660];
	v6 =	vmul.f32 v29, v23;
	[tilespmem:s23+$0x610] =	vst v13  }
0xa1: {  	v52 =	vld [tilespmem:s23+$0x670];
	v11 =	vmul.f32 v42, v40;
	[tilespmem:s23+$0x1C0] =	vst v3  }
0xa2: {  	v28 =	vld [tilespmem:s23+$0x760];
	v9 =	vmul.f32 v46, v49;
	[tilespmem:s23+$0x770] =	vst v6  }
0xa3: {  	v26 =	vld [tilespmem:s23+$0x750];
	v7 =	vmul.f32 v47, v49;
	[tilespmem:s23+$0x5E0] =	vst v11  }
0xa4: {  	v30 =	vld [tilespmem:s23+$0x780];
	v8 =	vmul.f32 v48, v49;
	[tilespmem:s23+$0x620] =	vst v9  }
0xa5: {  	v50 =	vld [tilespmem:s23+$0x650];
	v10 =	vmul.f32 v51, v49;
	[tilespmem:s23+$0x630] =	vst v7  }
0xa6: {  	v54 =	vld [tilespmem:s23+$0x690];
	v12 =	vmul.f32 v52, v49;
	[tilespmem:s23+$0x640] =	vst v8  }
0xa7: {  	v55 =	vld [tilespmem:s23+$0x6A0];
	v35 =	vbroadcast v1, $0xC;
	v40 =	vmul.f32 v28, v23;
	[tilespmem:s23+$0x660] =	vst v10  }
0xa8: {  	v56 =	vld [tilespmem:s23+$0x6B0];
	v32 =	vmul.f32 v26, v23;
	[tilespmem:s23+$0x670] =	vst v12  }
0xa9: {  	v60 =	vld [tilespmem:s23+$0x6E0];
	v15 =	vmul.f32 v30, v35;
	[tilespmem:s23+$0x760] =	vst v40  }
0xaa: {  	v62 =	vld [tilespmem:s23+$0x190];
	v11 =	vmul.f32 v50, v49;
	[tilespmem:s23+$0x750] =	vst v32  }
0xab: {  	v19 =	vld [tilespmem:s23+$0x1D0];
	v9 =	vmul.f32 v54, v5;
	[tilespmem:s23+$0x780] =	vst v15  }
0xac: {  	v33 =	vld [tilespmem:s23+$0x7B0];
	v7 =	vmul.f32 v55, v5;
	[tilespmem:s23+$0x650] =	vst v11  }
0xad: {  	v61 =	vld [tilespmem:s23+$0x970];
	v8 =	vmul.f32 v56, v5;
	[tilespmem:s23+$0x690] =	vst v9  }
0xae: {  	v38 =	vld [tilespmem:s23+$0x7F0];
	v5 =	vmul.f32 v60, v5;
	[tilespmem:s23+$0x6A0] =	vst v7  }
0xaf: {  	v21 =	vld [tilespmem:s23+$0x720];
	v12 =	vmul.f32 v62, v2;
	[tilespmem:s23+$0x6B0] =	vst v8  }
0xb0: {  	v22 =	vld [tilespmem:s23+$0x730];
	v2 =	vmul.f32 v19, v2;
	[tilespmem:s23+$0x6E0] =	vst v5  }
0xb1: {  	v25 =	vld [tilespmem:s23+$0x740];
	v62 =	vmul.f32 v33, v35;
	[tilespmem:s23+$0x190] =	vst v12  }
0xb2: {  	v31 =	vld [tilespmem:s23+$0x790];
	v63 =	vmul.f32 v61, v27;
	[tilespmem:s23+$0x1D0] =	vst v2  }
0xb3: {  	v34 =	vld [tilespmem:s23+$0x7C0];
	v15 =	vmul.f32 v38, v35;
	[tilespmem:s23+$0x7B0] =	vst v62  }
0xb4: {  	v41 =	vld [tilespmem:s23+$0x820];
	v7 =	vmul.f32 v21, v23;
	[tilespmem:s23+$0x970] =	vst v63  }
0xb5: {  	v46 =	vld [tilespmem:s23+$0x860];
	v8 =	vmul.f32 v22, v23;
	[tilespmem:s23+$0x7F0] =	vst v15  }
0xb6: {  	v36 =	vld [tilespmem:s23+$0x7D0];
	v5 =	vmul.f32 v25, v23;
	[tilespmem:s23+$0x720] =	vst v7  }
0xb7: {  	v44 =	vbroadcast v1, $0xD;
	v9 =	vmul.f32 v31, v35;
	v2 =	vld [tilespmem:s23+$0x810];
	[tilespmem:s23+$0x730] =	vst v8  }
0xb8: {  	v37 =	vld [tilespmem:s23+$0x7E0];
	v12 =	vmul.f32 v34, v35;
	[tilespmem:s23+$0x740] =	vst v5  }
0xb9: {  	v39 =	vld [tilespmem:s23+$0x800];
	v11 =	vmul.f32 v41, v44;
	[tilespmem:s23+$0x790] =	vst v9  }
0xba: {  	v42 =	vld [tilespmem:s23+$0x830];
	v51 =	vmul.f32 v46, v44;
	[tilespmem:s23+$0x7C0] =	vst v12  }
0xbb: {  	v48 =	vld [tilespmem:s23+$0x890];
	v8 =	vmul.f32 v36, v35;
	[tilespmem:s23+$0x820] =	vst v11  }
0xbc: {  	v49 =	vld [tilespmem:s23+$0x8A0];
	[tilespmem:s23+$0x860] =	vst v51;
	v2 =	vmul.f32 v2, v44  }
0xbd: {  	v50 =	vld [tilespmem:s23+$0x8B0];
	v5 =	vmul.f32 v37, v35;
	[tilespmem:s23+$0x7D0] =	vst v8  }
0xbe: {  	v1 =	vbroadcast v1, $0xE;
	v9 =	vmul.f32 v39, v44;
	[tilespmem:s23+$0x810] =	vst v2;
	v2 =	vld [tilespmem:s23+$0x880]  }
0xbf: {  	v60 =	vld [tilespmem:s23+$0x960];
	v12 =	vmul.f32 v42, v44;
	[tilespmem:s23+$0x7E0] =	vst v5  }
0xc0: {  	v45 =	vld [tilespmem:s23+$0x850];
	v11 =	vmul.f32 v48, v1;
	[tilespmem:s23+$0x800] =	vst v9  }
0xc1: {  	v47 =	vld [tilespmem:s23+$0x870];
	v10 =	vmul.f32 v49, v1;
	[tilespmem:s23+$0x830] =	vst v12  }
0xc2: {  	v43 =	vld [tilespmem:s23+$0x840];
	v6 =	vmul.f32 v50, v1;
	[tilespmem:s23+$0x890] =	vst v11  }
0xc3: {  	v55 =	vld [tilespmem:s23+$0x900];
	[tilespmem:s23+$0x8A0] =	vst v10;
	v2 =	vmul.f32 v2, v1  }
0xc4: {  	v57 =	vld [tilespmem:s23+$0x920];
	v4 =	vmul.f32 v60, v27;
	[tilespmem:s23+$0x8B0] =	vst v6  }
0xc5: {  	v5 =	vmul.f32 v45, v44;
	[tilespmem:s23+$0x880] =	vst v2;
	v2 =	vld [tilespmem:s23+$0x8F0]  }
0xc6: {  	v52 =	vld [tilespmem:s23+$0x8C0];
	v9 =	vmul.f32 v47, v44;
	[tilespmem:s23+$0x960] =	vst v4  }
0xc7: {  	v56 =	vld [tilespmem:s23+$0x910];
	v8 =	vmul.f32 v43, v44;
	[tilespmem:s23+$0x850] =	vst v5  }
0xc8: {  	v54 =	vld [tilespmem:s23+$0x8E0];
	v11 =	vmul.f32 v55, v27;
	[tilespmem:s23+$0x870] =	vst v9  }
0xc9: {  	v58 =	vld [tilespmem:s23+$0x930];
	v6 =	vmul.f32 v57, v27;
	[tilespmem:s23+$0x840] =	vst v8  }
0xca: {  	v53 =	vld [tilespmem:s23+$0x8D0];
	[tilespmem:s23+$0x900] =	vst v11;
	v2 =	vmul.f32 v2, v1  }
0xcb: {  	v59 =	vld [tilespmem:s23+$0x940];
	v5 =	vmul.f32 v52, v1;
	[tilespmem:s23+$0x920] =	vst v6  }
0xcc: {  	[tilespmem:s23+$0x8F0] =	vst v2;
	v2 =	vmul.f32 v56, v27  }
0xcd: {  	v3 =	vld [tilespmem:s23+$0x7A0];
	v9 =	vmul.f32 v54, v1;
	[tilespmem:s23+$0x8C0] =	vst v5  }
0xce: {  	[tilespmem:s23+$0x910] =	vst v2;
	v2 =	vmul.f32 v58, v27  }
0xcf: {  	[tilespmem:s23+$0x8E0] =	vst v9;
	v1 =	vmul.f32 v53, v1  }
0xd0: {  	[tilespmem:s23+$0x930] =	vst v2;
	v2 =	vmul.f32 v59, v27  }
0xd1: {  	[tilespmem:s23+$0x8D0] =	vst v1  }
0xd2: {  	s24 =	simm.s32 $0x1;
	[tilespmem:s23+$0x940] =	vst v2;
	v2 =	vmul.f32 v3, v35  }
.LBB2_5:
0xd3: {  	s25 =	sshll.u32 s24, $0x4  }
0xd4: {  	p0 =	sne.s32 s24, $0x7;
	[tilespmem:s23+$0x7A0] =	vst v2;
	s23 =	smov.u32 s24;
	s24 =	sadd.s32 $0x1, s24  }
0xd5: {  	s25 =	sand.u32 $0x3FFFFFF0, s25  }
0xd6: {  	s23 =	sshll.u32 s23, $0xB;
	v1 =	vld [tilespmem:s25+$0x100]  }
0xd7: {  	s23 =	sand.u32 $0x3FFFF800, s23  }
0xd8: {  	v8 =	vld [tilespmem:s23+$0x240]  }
0xd9: {  	v9 =	vld [tilespmem:s23+$0x250]  }
0xda: {  	v10 =	vld [tilespmem:s23+$0x230]  }
0xdb: {  	v2 =	vbroadcast v1, $0x0;
	v3 =	vld [tilespmem:s23+$0x1A0];
	v7 =	vbroadcast v1, $0x4  }
0xdc: {  	v5 =	vld [tilespmem:s23+$0x1B0]  }
0xdd: {  	v6 =	vld [tilespmem:s23+$0x6F0]  }
0xde: {  	v11 =	vld [tilespmem:s23+$0x1E0]  }
0xdf: {  	v12 =	vld [tilespmem:s23+$0x1F0]  }
0xe0: {  	v4 =	vbroadcast v1, $0xA;
	v3 =	vmul.f32 v3, v2;
	v13 =	vld [tilespmem:s23+$0x200]  }
0xe1: {  	v5 =	vmul.f32 v5, v2;
	v14 =	vld [tilespmem:s23+$0x210]  }
0xe2: {  	[tilespmem:s23+$0x1A0] =	vst v3;
	v15 =	vld [tilespmem:s23+$0x220];
	v3 =	vmul.f32 v6, v4  }
0xe3: {  	[tilespmem:s23+$0x1B0] =	vst v5;
	v6 =	vmul.f32 v11, v2;
	v11 =	vbroadcast v1, $0x1;
	v5 =	vld [tilespmem:s23+$0x700]  }
0xe4: {  	v12 =	vmul.f32 v12, v2;
	[tilespmem:s23+$0x6F0] =	vst v3;
	v3 =	vld [tilespmem:s23+$0x950]  }
0xe5: {  	[tilespmem:s23+$0x1E0] =	vst v6;
	v13 =	vmul.f32 v13, v11;
	v6 =	vld [tilespmem:s23+$0x710]  }
0xe6: {  	[tilespmem:s23+$0x1F0] =	vst v12;
	v12 =	vmul.f32 v14, v11;
	v14 =	vld [tilespmem:s23+$0x260]  }
0xe7: {  	[tilespmem:s23+$0x200] =	vst v13;
	v13 =	vmul.f32 v15, v11;
	v15 =	vld [tilespmem:s23+$0x270]  }
0xe8: {  	v10 =	vmul.f32 v10, v11;
	[tilespmem:s23+$0x210] =	vst v12;
	v12 =	vld [tilespmem:s23+$0x280]  }
0xe9: {  	v8 =	vmul.f32 v8, v11;
	[tilespmem:s23+$0x220] =	vst v13;
	v13 =	vld [tilespmem:s23+$0x290]  }
0xea: {  	v9 =	vmul.f32 v9, v11;
	[tilespmem:s23+$0x230] =	vst v10;
	v10 =	vld [tilespmem:s23+$0x2A0]  }
0xeb: {  	[tilespmem:s23+$0x240] =	vst v8;
	v8 =	vmul.f32 v14, v11;
	v14 =	vbroadcast v1, $0x2;
	v16 =	vld [tilespmem:s23+$0x2B0]  }
0xec: {  	[tilespmem:s23+$0x250] =	vst v9;
	v9 =	vmul.f32 v15, v11;
	v11 =	vld [tilespmem:s23+$0x2C0]  }
0xed: {  	[tilespmem:s23+$0x260] =	vst v8;
	v8 =	vmul.f32 v12, v14;
	v12 =	vld [tilespmem:s23+$0x2D0]  }
0xee: {  	[tilespmem:s23+$0x270] =	vst v9;
	v9 =	vmul.f32 v13, v14;
	v13 =	vld [tilespmem:s23+$0x2E0]  }
0xef: {  	[tilespmem:s23+$0x280] =	vst v8;
	v8 =	vmul.f32 v10, v14;
	v10 =	vld [tilespmem:s23+$0x2F0]  }
0xf0: {  	[tilespmem:s23+$0x290] =	vst v9;
	v9 =	vmul.f32 v16, v14;
	v15 =	vld [tilespmem:s23+$0x300]  }
0xf1: {  	[tilespmem:s23+$0x2A0] =	vst v8;
	v8 =	vmul.f32 v11, v14;
	v11 =	vld [tilespmem:s23+$0x310]  }
0xf2: {  	[tilespmem:s23+$0x2B0] =	vst v9;
	v9 =	vmul.f32 v12, v14;
	v12 =	vld [tilespmem:s23+$0x320]  }
0xf3: {  	[tilespmem:s23+$0x2C0] =	vst v8;
	v8 =	vmul.f32 v13, v14;
	v13 =	vbroadcast v1, $0x3;
	v16 =	vld [tilespmem:s23+$0x330]  }
0xf4: {  	[tilespmem:s23+$0x2D0] =	vst v9;
	v9 =	vmul.f32 v10, v14;
	v10 =	vld [tilespmem:s23+$0x340]  }
0xf5: {  	[tilespmem:s23+$0x2E0] =	vst v8;
	v8 =	vmul.f32 v15, v13;
	v14 =	vld [tilespmem:s23+$0x350]  }
0xf6: {  	[tilespmem:s23+$0x2F0] =	vst v9;
	v9 =	vmul.f32 v11, v13;
	v11 =	vld [tilespmem:s23+$0x360]  }
0xf7: {  	[tilespmem:s23+$0x300] =	vst v8;
	v8 =	vmul.f32 v12, v13;
	v12 =	vld [tilespmem:s23+$0x370]  }
0xf8: {  	[tilespmem:s23+$0x310] =	vst v9;
	v9 =	vmul.f32 v16, v13;
	v15 =	vld [tilespmem:s23+$0x380]  }
0xf9: {  	[tilespmem:s23+$0x320] =	vst v8;
	v8 =	vmul.f32 v10, v13;
	v10 =	vld [tilespmem:s23+$0x390]  }
0xfa: {  	[tilespmem:s23+$0x330] =	vst v9;
	v9 =	vmul.f32 v14, v13;
	v14 =	vld [tilespmem:s23+$0x3A0]  }
0xfb: {  	[tilespmem:s23+$0x340] =	vst v8;
	v8 =	vmul.f32 v11, v13;
	v11 =	vld [tilespmem:s23+$0x3B0]  }
0xfc: {  	[tilespmem:s23+$0x350] =	vst v9;
	v9 =	vmul.f32 v12, v13;
	v12 =	vld [tilespmem:s23+$0x3C0]  }
0xfd: {  	[tilespmem:s23+$0x360] =	vst v8;
	v8 =	vmul.f32 v15, v7;
	v13 =	vld [tilespmem:s23+$0x3D0]  }
0xfe: {  	[tilespmem:s23+$0x370] =	vst v9;
	v9 =	vmul.f32 v10, v7;
	v10 =	vld [tilespmem:s23+$0x3E0]  }
0xff: {  	[tilespmem:s23+$0x380] =	vst v8;
	v8 =	vmul.f32 v14, v7;
	v14 =	vld [tilespmem:s23+$0x3F0]  }
0x100: {  	[tilespmem:s23+$0x390] =	vst v9;
	v9 =	vmul.f32 v11, v7;
	v11 =	vld [tilespmem:s23+$0x400]  }
0x101: {  	[tilespmem:s23+$0x3A0] =	vst v8;
	v8 =	vmul.f32 v12, v7;
	v12 =	vld [tilespmem:s23+$0x410]  }
0x102: {  	[tilespmem:s23+$0x3B0] =	vst v9;
	v9 =	vmul.f32 v13, v7;
	v13 =	vld [tilespmem:s23+$0x420]  }
0x103: {  	[tilespmem:s23+$0x3C0] =	vst v8;
	v8 =	vmul.f32 v10, v7;
	v10 =	vbroadcast v1, $0x5;
	v15 =	vld [tilespmem:s23+$0x430]  }
0x104: {  	[tilespmem:s23+$0x3D0] =	vst v9;
	v7 =	vmul.f32 v14, v7;
	v9 =	vld [tilespmem:s23+$0x440]  }
0x105: {  	[tilespmem:s23+$0x3E0] =	vst v8;
	v8 =	vmul.f32 v11, v10;
	v11 =	vld [tilespmem:s23+$0x450]  }
0x106: {  	[tilespmem:s23+$0x3F0] =	vst v7;
	v7 =	vmul.f32 v12, v10;
	v12 =	vld [tilespmem:s23+$0x460]  }
0x107: {  	[tilespmem:s23+$0x400] =	vst v8;
	v8 =	vmul.f32 v13, v10;
	v13 =	vld [tilespmem:s23+$0x470]  }
0x108: {  	[tilespmem:s23+$0x410] =	vst v7;
	v7 =	vmul.f32 v15, v10;
	v14 =	vld [tilespmem:s23+$0x480]  }
0x109: {  	[tilespmem:s23+$0x420] =	vst v8;
	v8 =	vmul.f32 v9, v10;
	v9 =	vld [tilespmem:s23+$0x490]  }
0x10a: {  	[tilespmem:s23+$0x430] =	vst v7;
	v7 =	vmul.f32 v11, v10;
	v11 =	vld [tilespmem:s23+$0x4A0]  }
0x10b: {  	[tilespmem:s23+$0x440] =	vst v8;
	v8 =	vmul.f32 v12, v10;
	v12 =	vbroadcast v1, $0x6;
	v15 =	vld [tilespmem:s23+$0x4B0]  }
0x10c: {  	[tilespmem:s23+$0x450] =	vst v7;
	v7 =	vmul.f32 v13, v10;
	v10 =	vld [tilespmem:s23+$0x4C0]  }
0x10d: {  	[tilespmem:s23+$0x460] =	vst v8;
	v8 =	vmul.f32 v14, v12;
	v13 =	vld [tilespmem:s23+$0x4D0]  }
0x10e: {  	[tilespmem:s23+$0x470] =	vst v7;
	v7 =	vmul.f32 v9, v12;
	v9 =	vld [tilespmem:s23+$0x4E0]  }
0x10f: {  	[tilespmem:s23+$0x480] =	vst v8;
	v8 =	vmul.f32 v11, v12;
	v11 =	vld [tilespmem:s23+$0x4F0]  }
0x110: {  	[tilespmem:s23+$0x490] =	vst v7;
	v7 =	vmul.f32 v15, v12;
	v14 =	vld [tilespmem:s23+$0x500]  }
0x111: {  	[tilespmem:s23+$0x4A0] =	vst v8;
	v8 =	vmul.f32 v10, v12;
	v10 =	vld [tilespmem:s23+$0x510]  }
0x112: {  	[tilespmem:s23+$0x4B0] =	vst v7;
	v7 =	vmul.f32 v13, v12;
	v13 =	vld [tilespmem:s23+$0x520]  }
0x113: {  	[tilespmem:s23+$0x4C0] =	vst v8;
	v8 =	vmul.f32 v9, v12;
	v9 =	vbroadcast v1, $0x7;
	v15 =	vld [tilespmem:s23+$0x530]  }
0x114: {  	[tilespmem:s23+$0x4D0] =	vst v7;
	v7 =	vmul.f32 v11, v12;
	v11 =	vld [tilespmem:s23+$0x540]  }
0x115: {  	[tilespmem:s23+$0x4E0] =	vst v8;
	v8 =	vmul.f32 v14, v9;
	v12 =	vld [tilespmem:s23+$0x550]  }
0x116: {  	[tilespmem:s23+$0x4F0] =	vst v7;
	v7 =	vmul.f32 v10, v9;
	v10 =	vld [tilespmem:s23+$0x560]  }
0x117: {  	[tilespmem:s23+$0x500] =	vst v8;
	v8 =	vmul.f32 v13, v9;
	v13 =	vld [tilespmem:s23+$0x570]  }
0x118: {  	[tilespmem:s23+$0x510] =	vst v7;
	v7 =	vmul.f32 v15, v9;
	v14 =	vld [tilespmem:s23+$0x580]  }
0x119: {  	[tilespmem:s23+$0x520] =	vst v8;
	v8 =	vmul.f32 v11, v9;
	v11 =	vld [tilespmem:s23+$0x590]  }
0x11a: {  	[tilespmem:s23+$0x530] =	vst v7;
	v7 =	vmul.f32 v12, v9;
	v12 =	vld [tilespmem:s23+$0x5A0]  }
0x11b: {  	[tilespmem:s23+$0x540] =	vst v8;
	v8 =	vmul.f32 v10, v9;
	v10 =	vbroadcast v1, $0x8;
	v15 =	vld [tilespmem:s23+$0x5B0]  }
0x11c: {  	[tilespmem:s23+$0x550] =	vst v7;
	v7 =	vmul.f32 v13, v9;
	v9 =	vld [tilespmem:s23+$0x5C0]  }
0x11d: {  	[tilespmem:s23+$0x560] =	vst v8;
	v8 =	vmul.f32 v14, v10;
	v13 =	vld [tilespmem:s23+$0x5D0]  }
0x11e: {  	[tilespmem:s23+$0x570] =	vst v7;
	v7 =	vmul.f32 v11, v10;
	v11 =	vld [tilespmem:s23+$0x5E0]  }
0x11f: {  	[tilespmem:s23+$0x580] =	vst v8;
	v8 =	vmul.f32 v12, v10;
	v12 =	vld [tilespmem:s23+$0x5F0]  }
0x120: {  	[tilespmem:s23+$0x590] =	vst v7;
	v7 =	vmul.f32 v15, v10;
	v14 =	vld [tilespmem:s23+$0x600]  }
0x121: {  	[tilespmem:s23+$0x5A0] =	vst v8;
	v8 =	vmul.f32 v9, v10;
	v9 =	vld [tilespmem:s23+$0x610]  }
0x122: {  	[tilespmem:s23+$0x5B0] =	vst v7;
	v7 =	vmul.f32 v13, v10;
	v13 =	vld [tilespmem:s23+$0x620]  }
0x123: {  	[tilespmem:s23+$0x5C0] =	vst v8;
	v8 =	vmul.f32 v11, v10;
	v11 =	vbroadcast v1, $0x9;
	v15 =	vld [tilespmem:s23+$0x630]  }
0x124: {  	[tilespmem:s23+$0x5D0] =	vst v7;
	v7 =	vmul.f32 v12, v10;
	v10 =	vld [tilespmem:s23+$0x640]  }
0x125: {  	[tilespmem:s23+$0x5E0] =	vst v8;
	v8 =	vmul.f32 v14, v11;
	v12 =	vld [tilespmem:s23+$0x650]  }
0x126: {  	[tilespmem:s23+$0x5F0] =	vst v7;
	v7 =	vmul.f32 v9, v11;
	v9 =	vld [tilespmem:s23+$0x660]  }
0x127: {  	[tilespmem:s23+$0x600] =	vst v8;
	v8 =	vmul.f32 v13, v11;
	v13 =	vld [tilespmem:s23+$0x670]  }
0x128: {  	[tilespmem:s23+$0x610] =	vst v7;
	v7 =	vmul.f32 v15, v11;
	v14 =	vld [tilespmem:s23+$0x680]  }
0x129: {  	[tilespmem:s23+$0x620] =	vst v8;
	v8 =	vmul.f32 v10, v11;
	v10 =	vld [tilespmem:s23+$0x690]  }
0x12a: {  	[tilespmem:s23+$0x630] =	vst v7;
	v7 =	vmul.f32 v12, v11;
	v12 =	vld [tilespmem:s23+$0x6A0]  }
0x12b: {  	[tilespmem:s23+$0x640] =	vst v8;
	v8 =	vmul.f32 v9, v11;
	v9 =	vld [tilespmem:s23+$0x6B0]  }
0x12c: {  	[tilespmem:s23+$0x650] =	vst v7;
	v7 =	vmul.f32 v13, v11;
	v11 =	vld [tilespmem:s23+$0x6C0]  }
0x12d: {  	[tilespmem:s23+$0x660] =	vst v8;
	v8 =	vmul.f32 v14, v4;
	v13 =	vld [tilespmem:s23+$0x6D0]  }
0x12e: {  	[tilespmem:s23+$0x670] =	vst v7;
	v7 =	vmul.f32 v10, v4;
	v10 =	vld [tilespmem:s23+$0x6E0]  }
0x12f: {  	v14 =	vld [tilespmem:s23+$0x180];
	[tilespmem:s23+$0x680] =	vst v8;
	v8 =	vmul.f32 v12, v4  }
0x130: {  	v12 =	vld [tilespmem:s23+$0x190];
	[tilespmem:s23+$0x690] =	vst v7;
	v7 =	vmul.f32 v9, v4  }
0x131: {  	v9 =	vld [tilespmem:s23+$0x1C0];
	[tilespmem:s23+$0x6A0] =	vst v8;
	v8 =	vmul.f32 v11, v4  }
0x132: {  	v11 =	vld [tilespmem:s23+$0x1D0];
	[tilespmem:s23+$0x6B0] =	vst v7;
	v7 =	vmul.f32 v13, v4  }
0x133: {  	[tilespmem:s23+$0x6C0] =	vst v8;
	v8 =	vmul.f32 v10, v4;
	v10 =	vbroadcast v1, $0xB;
	v13 =	vld [tilespmem:s23+$0x720]  }
0x134: {  	v4 =	vbroadcast v1, $0xF;
	v14 =	vmul.f32 v2, v14;
	[tilespmem:s23+$0x6D0] =	vst v7;
	v7 =	vld [tilespmem:s23+$0x730]  }
0x135: {  	v12 =	vmul.f32 v12, v2;
	[tilespmem:s23+$0x6E0] =	vst v8;
	v5 =	vmul.f32 v5, v10;
	v8 =	vld [tilespmem:s23+$0x740]  }
0x136: {  	v6 =	vmul.f32 v6, v10;
	[tilespmem:s23+$0x180] =	vst v14;
	v9 =	vmul.f32 v9, v2;
	v14 =	vld [tilespmem:s23+$0x750]  }
0x137: {  	v3 =	vmul.f32 v3, v4;
	v11 =	vmul.f32 v11, v2;
	[tilespmem:s23+$0x700] =	vst v5;
	v2 =	vld [tilespmem:s23+$0x760]  }
0x138: {  	[tilespmem:s23+$0x710] =	vst v6;
	v5 =	vmul.f32 v13, v10;
	v6 =	vld [tilespmem:s23+$0x770]  }
0x139: {  	v7 =	vmul.f32 v7, v10;
	v13 =	vld [tilespmem:s23+$0x780];
	[tilespmem:s23+$0x950] =	vst v3  }
0x13a: {  	[tilespmem:s23+$0x190] =	vst v12;
	v3 =	vmul.f32 v8, v10;
	v8 =	vld [tilespmem:s23+$0x790]  }
0x13b: {  	[tilespmem:s23+$0x1C0] =	vst v9;
	v9 =	vmul.f32 v14, v10;
	v12 =	vld [tilespmem:s23+$0x7A0]  }
0x13c: {  	v14 =	vbroadcast v1, $0xC;
	[tilespmem:s23+$0x720] =	vst v5;
	v5 =	vmul.f32 v2, v10;
	v15 =	vld [tilespmem:s23+$0x7B0]  }
0x13d: {  	[tilespmem:s23+$0x750] =	vst v9;
	v6 =	vmul.f32 v6, v10;
	v9 =	vld [tilespmem:s23+$0x7C0]  }
0x13e: {  	[tilespmem:s23+$0x730] =	vst v7;
	v2 =	vmul.f32 v13, v14;
	v7 =	vld [tilespmem:s23+$0x7D0]  }
0x13f: {  	[tilespmem:s23+$0x740] =	vst v3;
	v3 =	vmul.f32 v8, v14;
	v8 =	vld [tilespmem:s23+$0x7E0]  }
0x140: {  	[tilespmem:s23+$0x780] =	vst v2;
	v2 =	vmul.f32 v12, v14;
	v10 =	vld [tilespmem:s23+$0x7F0]  }
0x141: {  	[tilespmem:s23+$0x790] =	vst v3;
	v3 =	vld [tilespmem:s23+$0x800]  }
0x142: {  	[tilespmem:s23+$0x1D0] =	vst v11;
	v9 =	vmul.f32 v9, v14;
	v11 =	vld [tilespmem:s23+$0x810]  }
0x143: {  	[tilespmem:s23+$0x760] =	vst v5;
	v5 =	vmul.f32 v7, v14;
	v7 =	vld [tilespmem:s23+$0x820]  }
0x144: {  	[tilespmem:s23+$0x7C0] =	vst v9;
	v8 =	vmul.f32 v8, v14;
	v9 =	vbroadcast v1, $0xD;
	v12 =	vld [tilespmem:s23+$0x830]  }
0x145: {  	[tilespmem:s23+$0x7D0] =	vst v5;
	v5 =	vmul.f32 v10, v14;
	v10 =	vld [tilespmem:s23+$0x840]  }
0x146: {  	[tilespmem:s23+$0x7E0] =	vst v8;
	v3 =	vmul.f32 v3, v9;
	v8 =	vld [tilespmem:s23+$0x850]  }
0x147: {  	[tilespmem:s23+$0x7F0] =	vst v5;
	v5 =	vmul.f32 v11, v9;
	v11 =	vld [tilespmem:s23+$0x860]  }
0x148: {  	[tilespmem:s23+$0x800] =	vst v3;
	v3 =	vmul.f32 v7, v9;
	v7 =	vld [tilespmem:s23+$0x870]  }
0x149: {  	[tilespmem:s23+$0x810] =	vst v5;
	v5 =	vmul.f32 v12, v9;
	v12 =	vld [tilespmem:s23+$0x880]  }
0x14a: {  	[tilespmem:s23+$0x820] =	vst v3;
	v3 =	vmul.f32 v10, v9;
	v10 =	vld [tilespmem:s23+$0x890]  }
0x14b: {  	[tilespmem:s23+$0x830] =	vst v5;
	v5 =	vmul.f32 v8, v9;
	v8 =	vld [tilespmem:s23+$0x8A0]  }
0x14c: {  	v1 =	vbroadcast v1, $0xE;
	[tilespmem:s23+$0x770] =	vst v6;
	v6 =	vmul.f32 v11, v9;
	v11 =	vld [tilespmem:s23+$0x8B0]  }
0x14d: {  	[tilespmem:s23+$0x850] =	vst v5;
	v5 =	vmul.f32 v7, v9;
	v7 =	vld [tilespmem:s23+$0x8C0]  }
0x14e: {  	[tilespmem:s23+$0x860] =	vst v6;
	v6 =	vmul.f32 v12, v1;
	v9 =	vld [tilespmem:s23+$0x8D0]  }
0x14f: {  	[tilespmem:s23+$0x870] =	vst v5;
	v5 =	vmul.f32 v10, v1;
	v10 =	vld [tilespmem:s23+$0x8E0]  }
0x150: {  	[tilespmem:s23+$0x880] =	vst v6;
	v6 =	vmul.f32 v8, v1;
	v8 =	vld [tilespmem:s23+$0x8F0]  }
0x151: {  	[tilespmem:s23+$0x890] =	vst v5;
	v5 =	vmul.f32 v11, v1;
	v11 =	vld [tilespmem:s23+$0x900]  }
0x152: {  	[tilespmem:s23+$0x8A0] =	vst v6;
	v6 =	vmul.f32 v7, v1;
	v7 =	vld [tilespmem:s23+$0x910]  }
0x153: {  	[tilespmem:s23+$0x8B0] =	vst v5;
	v5 =	vmul.f32 v9, v1;
	v9 =	vld [tilespmem:s23+$0x920]  }
0x154: {  	[tilespmem:s23+$0x8C0] =	vst v6;
	v6 =	vmul.f32 v10, v1;
	v10 =	vld [tilespmem:s23+$0x930]  }
0x155: {  	[tilespmem:s23+$0x840] =	vst v3;
	v1 =	vmul.f32 v8, v1;
	v3 =	vld [tilespmem:s23+$0x940]  }
0x156: {  	[tilespmem:s23+$0x8E0] =	vst v6;
	v6 =	vmul.f32 v11, v4;
	v8 =	vld [tilespmem:s23+$0x960]  }
0x157: {  	[tilespmem:s23+$0x8F0] =	vst v1;
	v1 =	vmul.f32 v7, v4;
	v7 =	vld [tilespmem:s23+$0x970]  }
0x158: {  	[tilespmem:s23+$0x900] =	vst v6;
	v6 =	vmul.f32 v9, v4  }
0x159: {  	[tilespmem:s23+$0x910] =	vst v1;
	v1 =	vmul.f32 v10, v4  }
0x15a: {  	v9 =	vmul.f32 v15, v14;
	[tilespmem:s23+$0x920] =	vst v6  }
0x15b: {  	[tilespmem:s23+$0x930] =	vst v1;
	v1 =	vmul.f32 v3, v4  }
.Ltmp1:
0x15c: {  	[tilespmem:s23+$0x7B0] =	vst v9;
	v3 =	vmul.f32 v7, v4;
	(pc) =	sbr.rel @p0 .LBB2_5-.Ltmp1, $4  }
0x15d: {  	[tilespmem:s23+$0x940] =	vst v1  }
0x15e: {  	v1 =	vmul.f32 v8, v4;
	[tilespmem:s23+$0x970] =	vst v3  }
0x15f: {  	[tilespmem:s23+$0x8D0] =	vst v5  }
0x160: {  	[tilespmem:s23+$0x960] =	vst v1  }
0x161: {  	s22 =	sadd.s32 $0x1, s22  }
0x162: {  	p0 =	sne.s32 s22, $0x4F  }
.Ltmp2:
0x163: {  	[tilespmem:s23+$0x7A0] =	vst v2;
	(pc) =	sbr.rel @p0 .LBB2_4-.Ltmp2, $4  }
0x164: {  	[spmem:s3] =	stream.indirect.scatter.add.f32 [tilespmem:s16], [sflag:$0x2], $0x80, s18, s18, $0xb8;
	[tilespmem:$0x17A00] =	vst v63  }
0x165: {  	_ =	swait.ge [sflag:s17], $0x4000  }
0x166: {  	[sflag:s17] =	ssyncset.done $0x0  }
0x167: {  	[sflag:s17] =	ssyncadd.s32 $0xFFFFC000  }
0x168: {  	s4 =	sadd.s32 $0x1, s4  }
0x169: {  	s21 =	sshll.u32 s1, $0x6;
	[bflag:$0x0] =	sbarrier.arrive $0xFFFF;
	p0 =	sne.s32 s4, s15  }
.Ltmp3:
0x16a: {  	s22 =	sshrl.u32 s8, $0x3;
	s21 =	sor.u32 $0x1C02, s21;
	(pc) =	sbr.rel @p0 .LBB2_1-.Ltmp3, $4  }
0x16b: {  	[hbm:s14], [sflag:s21] =	dma.local [spmem:s22], $0x2710  }
0x16c: {  	_ =	swait.ge [sflag:s17], $0x2710  }
0x16d: {  	[sflag:s17] =	ssyncset.done $0x0  }
0x16e: {  	[sflag:s17] =	ssyncadd.s32 $0xFFFFD8F0  }
0x16f: {  	_ =	sfence.sel $0x180000  }
0x170: {  	[bflag:$0x0] =	sbarrier.arrive $0xFFFF  }
0x171: {  	p0 =	sne.s32 s1, $0x0;
	_ =	strace $0x9000004A  }
0x172: {  	s0 =	sadd.s32 @!p0 $0x100000, s0;
	[bflag:$0x2] =	sbarrier.arrive $0xFFFF  }
0x173: {  	[sflag:s0] =	ssyncadd.tile.s32 @!p0 $0x1;
	_ =	shalt  }
.Lfunc_end2:
_tile_overlayer_lowered:
.L_overlay_start_2:
0x174: {  	(tag) =	ssettag $0x2  }
0x175: {  	s0 =	rddreg [dreg:$0x0];
	s2 =	stileid.u32  }
0x176: {  	s1 =	rddreg [dreg:$0x1];
	p0 =	sne.s32 s2, $0x0  }
0x177: {  	s3 =	rddreg [dreg:$0x2];
	[bflag:$0x3] =	sbarrier.arrive $0xFFFF;
	s2 =	simm.s32 @!p0 $0x1C02  }
0x178: {  	[timem:s3], [sflag:s2] =	dma.local @!p0 [hbm:s0], s1  }
0x179: {  	s0 =	simm.s32 @!p0 $0x2  }
0x17a: {  	_ =	swait.ge @!p0 [sflag:s0], s1  }
0x17b: {  	s1 =	ssub.s32 @!p0 $0x0, s1;
	[sflag:s0] =	ssyncset.done @!p0 $0x0  }
0x17c: {  	[sflag:s0] =	ssyncadd.s32 @!p0 s1  }
0x17d: {  	[bflag:$0x3] =	sbarrier.arrive $0xFFFF  }
0x17e: {  	_ =	shalt  }

</sc_bundles>
